<compile_context>
chip_gen: v7x
topology: tpu7x:2x2x1
jax: 0.10.2.dev20260603
libtpu: 0.0.44.dev20260713+nightly
codegen_flags: <defaults>
</compile_context>

<pallas_src>
import functools

import jax
import jax.numpy as jnp
from jax import lax
from jax.experimental import pallas as pl
from jax.experimental.pallas import tpu as pltpu
from jax.experimental.pallas import tpu_sc as plsc

N_NODES = 10000
N_PAD = 10240
N_EDGES = 320000
NW = 32
CHUNK = 128
ITERS = 80
E_PAD = NW * CHUNK * ITERS
ROWS_PER_TILE = N_PAD // 16
K = 64
B_GRAPHS = 100
HIDDEN = 128
TOTAL_LATENT = 385



HALF = ITERS // 2
BOUNCE = CHUNK
NH0, NH1 = 3, 1


def _make_sc_scatter(gather_rows):
    mesh = plsc.VectorSubcoreMesh(core_axis_name="c", subcore_axis_name="s",
                                  num_cores=2, num_subcores=16)
    out_type = jax.ShapeDtypeStruct((2 * N_PAD, HIDDEN), jnp.float32)
    scratch = [
        pltpu.VMEM((HALF, CHUNK), jnp.int32),
        pltpu.VMEM((HALF, CHUNK), jnp.int32),
        pltpu.VMEM((CHUNK, HIDDEN), jnp.float32),
        pltpu.VMEM((CHUNK, HIDDEN), jnp.float32),
        pltpu.VMEM_SHARED((N_PAD, HIDDEN), jnp.float32),
        pltpu.SemaphoreType.DMA,
        pltpu.SemaphoreType.DMA,
        pltpu.SemaphoreType.DMA,
    ]

    def body(h_hbm, src_hbm, dst_hbm, z_hbm, out_hbm,
             idxd_v, idxs_v, buf_a, buf_b, acc_sh, sem_a, sem_b, sem_s):
        c = lax.axis_index("c")
        s = lax.axis_index("s")
        row0 = s * ROWS_PER_TILE
        def zinit(j, _):
            r = j * BOUNCE
            pltpu.sync_copy(z_hbm.at[pl.ds(r, BOUNCE)], buf_a)
            pltpu.sync_copy(buf_a, acc_sh.at[pl.ds(row0 + r, BOUNCE)])
            return 0
        lax.fori_loop(0, ROWS_PER_TILE // BOUNCE, zinit, 0)
        plsc.subcore_barrier()

        wid = s * 2 + c

        def scat_block(b, buf):
            pltpu.async_copy(buf, acc_sh.at[idxd_v.at[b]], sem_s,
                             add=True).wait()

        if gather_rows:
            def gath_block(b, buf, sem):
                pltpu.async_copy(h_hbm.at[idxs_v.at[b]], buf, sem)

            def drain(buf, sem):
                pltpu.make_async_copy(h_hbm.at[idxs_v.at[0]], buf, sem).wait()

            nh = jnp.where(c == 0, NH0, NH1)

            def outer(half, _):
                irow0 = s * (2 * ITERS) + c * (NH0 * HALF) + half * HALF
                pltpu.sync_copy(dst_hbm.at[pl.ds(irow0, HALF)], idxd_v)
                pltpu.sync_copy(src_hbm.at[pl.ds(irow0, HALF)], idxs_v)
                gath_block(0, buf_a, sem_a)

                def pair(i, _):
                    b0 = 2 * i
                    drain(buf_a, sem_a)
                    gath_block(b0 + 1, buf_b, sem_b)
                    scat_block(b0, buf_a)
                    drain(buf_b, sem_b)

                    @pl.when(i < HALF // 2 - 1)
                    def _():
                        gath_block(b0 + 2, buf_a, sem_a)
                    scat_block(b0 + 1, buf_b)
                    return 0
                lax.fori_loop(0, HALF // 2, pair, 0)
                return 0
            lax.fori_loop(0, nh, outer, 0)
        else:
            pltpu.sync_copy(h_hbm.at[pl.ds(0, CHUNK)], buf_a)
            for half in range(2):
                irow0 = wid * ITERS + half * HALF
                pltpu.sync_copy(dst_hbm.at[pl.ds(irow0, HALF)], idxd_v)

                def blk(b, _):
                    scat_block(b, buf_a)
                    return 0
                lax.fori_loop(0, HALF, blk, 0)

        plsc.subcore_barrier()
        def wback(j, _):
            r = j * BOUNCE
            pltpu.sync_copy(acc_sh.at[pl.ds(row0 + r, BOUNCE)], buf_a)
            pltpu.sync_copy(buf_a,
                            out_hbm.at[pl.ds(c * N_PAD + row0 + r, BOUNCE)])
            return 0
        lax.fori_loop(0, ROWS_PER_TILE // BOUNCE, wback, 0)

    return pl.kernel(body, out_type=out_type, mesh=mesh, scratch_types=scratch)



BLK = 1024
GRID = N_PAD // BLK


def _mm_body(x_ref, w_ref, b_ref, o_ref):
    o_ref[...] = lax.dot_general(
        x_ref[...], w_ref[...], (((1,), (1,)), ((), ())),
        preferred_element_type=jnp.float32) + b_ref[...]


def _matmul(x, w, b):
    return pl.pallas_call(
        _mm_body,
        grid=(GRID,),
        in_specs=[
            pl.BlockSpec((BLK, x.shape[1]), lambda i: (i, 0)),
            pl.BlockSpec(w.shape, lambda i: (0, 0)),
            pl.BlockSpec(b.shape, lambda i: (0, 0)),
        ],
        out_specs=pl.BlockSpec((BLK, w.shape[0]), lambda i: (i, 0)),
        out_shape=jax.ShapeDtypeStruct((N_PAD, w.shape[0]), jnp.float32),
    )(x, w, b)


def _fuse_mm_body(h_ref, sa_ref, sb_ref, da_ref, db_ref, w_ref, b_ref, o_ref):
    deg = 1.0 + da_ref[...][:, 0:1] + db_ref[...][:, 0:1]
    xv = jnp.tanh((h_ref[...] + sa_ref[...] + sb_ref[...]) / deg)
    o_ref[...] = lax.dot_general(
        xv, w_ref[...], (((1,), (1,)), ((), ())),
        preferred_element_type=jnp.float32) + b_ref[...]


def _fused_layer(h, sa, sb, da, db, w, b, out_width):
    return pl.pallas_call(
        _fuse_mm_body,
        grid=(GRID,),
        in_specs=[
            pl.BlockSpec((BLK, HIDDEN), lambda i: (i, 0)),
            pl.BlockSpec((BLK, HIDDEN), lambda i: (i, 0)),
            pl.BlockSpec((BLK, HIDDEN), lambda i: (i, 0)),
            pl.BlockSpec((BLK, 16), lambda i: (i, 0)),
            pl.BlockSpec((BLK, 16), lambda i: (i, 0)),
            pl.BlockSpec(w.shape, lambda i: (0, 0)),
            pl.BlockSpec(b.shape, lambda i: (0, 0)),
        ],
        out_specs=pl.BlockSpec((BLK, out_width), lambda i: (i, 0)),
        out_shape=jax.ShapeDtypeStruct((N_PAD, out_width), jnp.float32),
    )(h, sa, sb, da, db, w, b)


def _topk_body(batch_ref, h3_ref, s3a_ref, s3b_ref, da_ref, db_ref, o_ref):
    deg = 1.0 + da_ref[...] + db_ref[...]
    v = jnp.tanh((h3_ref[...] + s3a_ref[...] + s3b_ref[...]) / deg)
    n = v.shape[1]
    gid = lax.broadcasted_iota(jnp.int32, (B_GRAPHS, n), 0)
    bvec = jnp.broadcast_to(batch_ref[...], (B_GRAPHS, n))
    neg = jnp.float32(-jnp.inf)
    dense = jnp.where(bvec == gid, jnp.broadcast_to(v, (B_GRAPHS, n)), neg)
    nid = lax.broadcasted_iota(jnp.int32, (B_GRAPHS, n), 1)
    big = jnp.int32(n)
    kiota = lax.broadcasted_iota(jnp.int32, (B_GRAPHS, K), 1)

    def round_(r, carry):
        d, out = carry
        m = jnp.max(d, axis=1, keepdims=True)
        eq = d == m
        first = jnp.min(jnp.where(eq, nid, big), axis=1, keepdims=True)
        mval = jnp.where(m == neg, 0.0, m)
        out = jnp.where(kiota == r, jnp.broadcast_to(mval, (B_GRAPHS, K)), out)
        return jnp.where(nid == first, neg, d), out

    _, res = lax.fori_loop(0, K, round_, (dense, jnp.zeros((B_GRAPHS, K), jnp.float32)))
    o_ref[...] = res


def _topk(batch2d, h3c, s3a, s3b, da, db):
    return pl.pallas_call(
        _topk_body,
        out_shape=jax.ShapeDtypeStruct((B_GRAPHS, K), jnp.float32),
    )(batch2d, h3c, s3a, s3b, da, db)


def _tail_body(vt_ref, cw1_ref, cb1_ref, cw2_ref, cb2_ref,
               f1w_ref, f1b_ref, f2w_ref, f2b_ref, o_ref):
    vt = vt_ref[...]
    cw1 = cw1_ref[...]
    cb1 = cb1_ref[...]
    a1 = lax.dot_general(vt, cw1[:, :K], (((1,), (1,)), ((), ())),
                         preferred_element_type=jnp.float32) + cb1
    a1 = jnp.maximum(a1, 0.0)
    c1 = jnp.maximum(cb1, 0.0)
    m0 = jnp.maximum(a1, c1)
    cw2 = cw2_ref[...]
    cb2 = cb2_ref[...]
    w20 = cw2[:, :, 0]
    wsum = jnp.sum(cw2, axis=2)
    wrest = wsum - w20
    t_rest = lax.dot_general(c1, wrest, (((1,), (1,)), ((), ())),
                             preferred_element_type=jnp.float32)
    out0 = lax.dot_general(m0, w20, (((1,), (1,)), ((), ())),
                           preferred_element_type=jnp.float32) + t_rest + cb2
    out0 = jnp.maximum(out0, 0.0)
    cv = lax.dot_general(c1, wsum, (((1,), (1,)), ((), ())),
                         preferred_element_type=jnp.float32) + cb2
    cv = jnp.maximum(cv, 0.0)
    f1w = f1w_ref[...]
    g0 = f1w[:, :, 0]
    grest = jnp.sum(f1w, axis=2) - g0
    cc = lax.dot_general(cv, grest, (((1,), (1,)), ((), ())),
                         preferred_element_type=jnp.float32)
    y1 = lax.dot_general(out0, g0, (((1,), (1,)), ((), ())),
                         preferred_element_type=jnp.float32) + cc + f1b_ref[...]
    y1 = jnp.maximum(y1, 0.0)
    o_ref[...] = lax.dot_general(
        y1, f2w_ref[...], (((1,), (1,)), ((), ())),
        preferred_element_type=jnp.float32) + f2b_ref[...]


def _tail(vt, cw1, cb1, cw2, cb2, f1w, f1b, f2w, f2b):
    return pl.pallas_call(
        _tail_body,
        out_shape=jax.ShapeDtypeStruct((B_GRAPHS, f2w.shape[0]), jnp.float32),
    )(vt, cw1, cb1, cw2, cb2, f1w, f1b, f2w, f2b)


@functools.lru_cache(maxsize=None)
def _get_sc_scatter(gather_rows):
    return _make_sc_scatter(gather_rows)



def kernel(x, edge_index, batch, W1, b1, W2, b2, W3, b3,
           cw1, cb1, cw2, cb2, f1w, f1b, f2w, f2b):
    f32 = jnp.float32
    pad_e = E_PAD - N_EDGES
    src = jnp.concatenate([edge_index[0], jnp.full((pad_e,), N_NODES, jnp.int32)])
    dst = jnp.concatenate([edge_index[1], jnp.full((pad_e,), N_NODES, jnp.int32)])
    src = src.reshape(-1, CHUNK)
    dst = dst.reshape(-1, CHUNK)
    xp = jnp.concatenate([x, jnp.zeros((N_PAD - N_NODES, x.shape[1]), f32)])
    z = jnp.zeros((ROWS_PER_TILE, HIDDEN), f32)
    ones = jnp.ones((CHUNK, HIDDEN), f32)

    degp = _get_sc_scatter(False)(ones, src, src, z)
    da, db = degp[:N_PAD, :16], degp[N_PAD:, :16]

    h1 = _matmul(xp, W1, b1.reshape(1, -1))
    s1 = _get_sc_scatter(True)(h1, src, dst, z)
    s1a, s1b = s1[:N_PAD], s1[N_PAD:]

    h2 = _fused_layer(h1, s1a, s1b, da, db, W2, b2.reshape(1, -1), HIDDEN)
    s2 = _get_sc_scatter(True)(h2, src, dst, z)
    s2a, s2b = s2[:N_PAD], s2[N_PAD:]

    w3r = jnp.broadcast_to(W3, (HIDDEN, HIDDEN))
    b3r = jnp.broadcast_to(b3.reshape(1, 1), (1, HIDDEN))
    h3 = _fused_layer(h2, s2a, s2b, da, db, w3r, b3r, HIDDEN)
    s3 = _get_sc_scatter(True)(h3, src, dst, z)

    def row(a):
        return a[:N_NODES, 0:1].reshape(1, N_NODES)
    batch2d = batch.reshape(1, N_NODES)
    vt = _topk(batch2d, row(h3), row(s3[:N_PAD]), row(s3[N_PAD:]),
               row(da), row(db))

    return _tail(vt, cw1[:, 0, :], cb1.reshape(1, -1),
                 cw2, cb2.reshape(1, -1),
                 f1w.reshape(128, 32, 28), f1b.reshape(1, -1),
                 f2w, f2b.reshape(1, -1))

# --- scband reference (transcript-rebuilt; emitter-appended) ---
"""Pipeline reference for scband-dgcnnmodel-21955872817623 (READ-ONLY COPY).

The authoritative reference and input builder live on the scoring server;
editing this copy changes nothing except your own understanding.
"""

import jax, jax.numpy as jnp
import numpy as np
from jax import lax

N_NODES = 10000
N_EDGES = 320000
IN_CH = 128
HIDDEN = 128
OUT_CH = 10
NUM_LAYERS = 4
K = 64
B_GRAPHS = 100
TOTAL_LATENT = (NUM_LAYERS - 1) * HIDDEN + 1
DENSE_IN = (K // 2 - 4) * 32


def setup_inputs(seed: int = 0):
    key = jax.random.key(seed)
    ks = jax.random.split(key, 20)
    inp = {}
    inp['x'] = jax.random.normal(ks[0], (N_NODES, IN_CH), dtype=jnp.float32)
    inp['edge_index'] = jax.random.randint(ks[1], (2, N_EDGES), 0, N_NODES, dtype=jnp.int32)
    inp['batch'] = jnp.sort(jax.random.randint(ks[2], (N_NODES,), 0, B_GRAPHS, dtype=jnp.int32))
    def lin(k, fo, fi):
        s = 1.0 / np.sqrt(fi)
        return jax.random.uniform(k, (fo, fi), jnp.float32, -s, s)
    def bias(k, fo, fi):
        s = 1.0 / np.sqrt(fi)
        return jax.random.uniform(k, (fo,), jnp.float32, -s, s)
    inp['W1'] = lin(ks[3], HIDDEN, IN_CH); inp['b1'] = bias(ks[4], HIDDEN, IN_CH)
    inp['W2'] = lin(ks[5], HIDDEN, HIDDEN); inp['b2'] = bias(ks[6], HIDDEN, HIDDEN)
    inp['W3'] = lin(ks[7], 1, HIDDEN); inp['b3'] = bias(ks[8], 1, HIDDEN)
    s1 = 1.0 / np.sqrt(1 * TOTAL_LATENT)
    inp['cw1'] = jax.random.uniform(ks[9], (16, 1, TOTAL_LATENT), jnp.float32, -s1, s1)
    inp['cb1'] = jax.random.uniform(ks[10], (16,), jnp.float32, -s1, s1)
    s2 = 1.0 / np.sqrt(16 * 5)
    inp['cw2'] = jax.random.uniform(ks[11], (32, 16, 5), jnp.float32, -s2, s2)
    inp['cb2'] = jax.random.uniform(ks[12], (32,), jnp.float32, -s2, s2)
    inp['f1w'] = lin(ks[13], 128, DENSE_IN); inp['f1b'] = bias(ks[14], 128, DENSE_IN)
    inp['f2w'] = lin(ks[15], OUT_CH, 128); inp['f2b'] = bias(ks[16], OUT_CH, 128)
    return inp


def _conv(x, src, dst, W, b):
    n = x.shape[0]
    h = x @ W.T + b
    deg = jnp.zeros((n,), x.dtype).at[src].add(1.0)
    norm = 1.0 / deg
    msg = norm[dst][:, None] * h[src]
    return jnp.zeros((n, h.shape[1]), x.dtype).at[dst].add(msg)


def _sort_pool(x, batch, k, B):
    n, d = x.shape
    fill = lax.stop_gradient(x).min() - 1.0
    counts = jnp.bincount(batch, length=B)
    starts = jnp.cumsum(counts) - counts
    pos = jnp.arange(n) - starts[batch]
    dense = jnp.full((B, n, d), fill, x.dtype).at[batch, pos].set(x)
    order = jnp.argsort(-dense[:, :, -1], axis=1)
    dense = jnp.take_along_axis(dense, order[:, :, None], axis=1)[:, :k, :]
    dense = jnp.where(dense == fill, jnp.zeros_like(dense), dense)
    return dense.reshape(B, k * d)


def reference(x, edge_index, batch, W1, b1, W2, b2, W3, b3, cw1, cb1, cw2, cb2, f1w, f1b, f2w, f2b):
    n = x.shape[0]
    loops = jnp.arange(n, dtype=edge_index.dtype)
    src = jnp.concatenate([edge_index[0], loops])
    dst = jnp.concatenate([edge_index[1], loops])
    h = jnp.tanh(_conv(x, src, dst, W1, b1))
    h = jnp.tanh(_conv(h, src, dst, W2, b2))
    h = jnp.tanh(_conv(h, src, dst, W3, b3))
    xp = _sort_pool(h, batch, K, B_GRAPHS)
    pad = K * TOTAL_LATENT - xp.shape[1]
    xp = jnp.concatenate([xp, jnp.zeros((B_GRAPHS, pad), xp.dtype)], axis=1)
    xc = xp[:, None, :]
    dn = ('NCH', 'OIH', 'NCH')
    xc = jax.nn.relu(lax.conv_general_dilated(xc, cw1, (TOTAL_LATENT,), 'VALID', dimension_numbers=dn) + cb1[None, :, None])
    xc = lax.reduce_window(xc, -jnp.inf, lax.max, (1, 1, 2), (1, 1, 2), 'VALID')
    xc = jax.nn.relu(lax.conv_general_dilated(xc, cw2, (1,), 'VALID', dimension_numbers=dn) + cb2[None, :, None])
    xf = xc.reshape(B_GRAPHS, -1)
    xf = jax.nn.relu(xf @ f1w.T + f1b)
    return xf @ f2w.T + f2b

if __name__ == "__main__":
    import jax
    _d = setup_inputs()
    print(jax.jit(kernel)(*tuple(_d.values())))

</pallas_src>

<mosaic_0001>
#map = affine_map<(d0, d1) -> (0, 0)>
module attributes {stable_mosaic.version = 14 : i64} {
  func.func @body(%arg0: i32, %arg1: i32, %arg2: memref<10240x128xf32, #tpu.memory_space<hbm>>, %arg3: memref<2560x128xi32, #tpu.memory_space<hbm>>, %arg4: memref<2560x128xi32, #tpu.memory_space<hbm>>, %arg5: memref<640x128xf32, #tpu.memory_space<hbm>>, %arg6: memref<20480x128xf32, #tpu.memory_space<hbm>>, %arg7: memref<40x128xi32, #tpu.memory_space<vmem>>, %arg8: memref<40x128xi32, #tpu.memory_space<vmem>>, %arg9: memref<128x128xf32, #tpu.memory_space<vmem>>, %arg10: memref<128x128xf32, #tpu.memory_space<vmem>>, %arg11: memref<10240x128xf32, #tpu.memory_space<vmem_shared>>, %arg12: memref<!tpu.dma_semaphore, #tpu.memory_space<semaphore_mem>>, %arg13: memref<!tpu.dma_semaphore, #tpu.memory_space<semaphore_mem>>, %arg14: memref<!tpu.dma_semaphore, #tpu.memory_space<semaphore_mem>>) attributes {dimension_semantics = [#tpu.dimension_semantics<core_parallel>, #tpu.dimension_semantics<subcore_parallel>], iteration_bounds = array<i64: 2, 16>, scalar_prefetch = 0 : i64, scratch_operands = 8 : i64, tpu.core_type = #tpu.core_type<sc_vector_subcore>, window_params = [{transform_indices = #map}, {transform_indices = #map}, {transform_indices = #map}, {transform_indices = #map}, {transform_indices = #map}]} {
    %mul3A = arith.constant 640 : i32
    %mul3A_0 = arith.muli %arg1, %mul3A : i32
    %scan3A = arith.constant 0 : i32
    %scan3A_1 = arith.constant 0 : i32
    %scan3A_2 = arith.constant 5 : i32
    %scan3A_3 = arith.addi %scan3A_1, %scan3A_2 : i32
    %scan3A_4 = arith.constant 1 : i32
    %scan3A_5 = scf.for %scan3A_30 = %scan3A_1 to %scan3A_3 step %scan3A_4 iter_args(%scan3A_31 = %scan3A) -> (i32)  : i32 {
      %mul3A_32 = arith.constant 128 : i32
      %mul3A_33 = arith.muli %scan3A_30, %mul3A_32 : i32
      "tpu.region"() ({
        %run_scoped3A = tpu.sem_alloc : memref<!tpu.dma_semaphore, #tpu.memory_space<semaphore_mem>>
        %dma_start3A = arith.constant 0 : i32
        %dma_start3A_36 = tpu.memref_slice %arg5[%mul3A_33, %dma_start3A] : memref<640x128xf32, #tpu.memory_space<hbm>> -> memref<128x128xf32, #tpu.memory_space<hbm>>
        %dma_start3A_37 = arith.constant 0 : i32
        %dma_start3A_38 = tpu.memref_slice %arg5[%mul3A_33, %dma_start3A_37] : memref<640x128xf32, #tpu.memory_space<hbm>> -> memref<128x128xf32, #tpu.memory_space<hbm>>
        tpu.enqueue_dma source(%dma_start3A_38 : memref<128x128xf32, #tpu.memory_space<hbm>>) target(%arg9 : memref<128x128xf32, #tpu.memory_space<vmem>>) target_semaphore(%run_scoped3A : memref<!tpu.dma_semaphore, #tpu.memory_space<semaphore_mem>>)
        %dma_wait3A = arith.constant 0 : i32
        %dma_wait3A_39 = tpu.memref_slice %arg5[%mul3A_33, %dma_wait3A] : memref<640x128xf32, #tpu.memory_space<hbm>> -> memref<128x128xf32, #tpu.memory_space<hbm>>
        %dma_wait3A_40 = arith.constant 0 : i32
        %dma_wait3A_41 = tpu.memref_slice %arg5[%mul3A_33, %dma_wait3A_40] : memref<640x128xf32, #tpu.memory_space<hbm>> -> memref<128x128xf32, #tpu.memory_space<hbm>>
        tpu.wait_dma2 semaphore(%run_scoped3A : memref<!tpu.dma_semaphore, #tpu.memory_space<semaphore_mem>>) src(%dma_wait3A_41 : memref<128x128xf32, #tpu.memory_space<hbm>>) dst(%arg9 : memref<128x128xf32, #tpu.memory_space<vmem>>)
        tpu.yield
      }) : () -> ()
      %add3A_34 = arith.addi %mul3A_0, %mul3A_33 : i32
      "tpu.region"() ({
        %run_scoped3A = tpu.sem_alloc : memref<!tpu.dma_semaphore, #tpu.memory_space<semaphore_mem>>
        %dma_start3A = arith.constant 0 : i32
        %dma_start3A_36 = tpu.memref_slice %arg11[%add3A_34, %dma_start3A] : memref<10240x128xf32, #tpu.memory_space<vmem_shared>> -> memref<128x128xf32, #tpu.memory_space<vmem_shared>>
        %dma_start3A_37 = arith.constant 0 : i32
        %dma_start3A_38 = tpu.memref_slice %arg11[%add3A_34, %dma_start3A_37] : memref<10240x128xf32, #tpu.memory_space<vmem_shared>> -> memref<128x128xf32, #tpu.memory_space<vmem_shared>>
        tpu.enqueue_dma source(%arg9 : memref<128x128xf32, #tpu.memory_space<vmem>>) target(%dma_start3A_38 : memref<128x128xf32, #tpu.memory_space<vmem_shared>>) target_semaphore(%run_scoped3A : memref<!tpu.dma_semaphore, #tpu.memory_space<semaphore_mem>>)
        %dma_wait3A = arith.constant 0 : i32
        %dma_wait3A_39 = tpu.memref_slice %arg11[%add3A_34, %dma_wait3A] : memref<10240x128xf32, #tpu.memory_space<vmem_shared>> -> memref<128x128xf32, #tpu.memory_space<vmem_shared>>
        %dma_wait3A_40 = arith.constant 0 : i32
        %dma_wait3A_41 = tpu.memref_slice %arg11[%add3A_34, %dma_wait3A_40] : memref<10240x128xf32, #tpu.memory_space<vmem_shared>> -> memref<128x128xf32, #tpu.memory_space<vmem_shared>>
        tpu.wait_dma2 semaphore(%run_scoped3A : memref<!tpu.dma_semaphore, #tpu.memory_space<semaphore_mem>>) src(%arg9 : memref<128x128xf32, #tpu.memory_space<vmem>>) dst(%dma_wait3A_41 : memref<128x128xf32, #tpu.memory_space<vmem_shared>>)
        tpu.yield
      }) : () -> ()
      %scan3A_35 = arith.constant 0 : i32
      scf.yield %scan3A_35 : i32
    }
    %scan3A_6 = arith.constant 5 : i32
    %barrier3A = arith.constant 0 : index
    tpu.barrier barrier_id(%barrier3A)
    %mul3A_7 = arith.constant 2 : i32
    %mul3A_8 = arith.muli %arg1, %mul3A_7 : i32
    %add3A = arith.addi %mul3A_8, %arg0 : i32
    %eq3A = arith.constant 0 : i32
    %eq3A_9 = arith.cmpi eq, %arg0, %eq3A : i32
    %jit3A = arith.constant 3 : i32
    %jit3A_10 = arith.constant 1 : i32
    %select_n3A = arith.select %eq3A_9, %jit3A, %jit3A_10 : i32
    %while3A = arith.constant 0 : i32
    %while3A_11 = arith.constant 0 : i32
    %while3A_12 = arith.subi %select_n3A, %while3A : i32
    %while3A_13 = arith.addi %while3A, %while3A_12 : i32
    %while3A_14 = arith.constant 1 : i32
    %while3A_15 = arith.divsi %while3A_12, %while3A_14 : i32
    %while3A_16 = arith.muli %while3A_15, %while3A_14 : i32
    %while3A_17 = arith.addi %while3A, %while3A_16 : i32
    %while3A_18 = arith.constant 1 : i32
    %while3A_19 = scf.for %while3A_30 = %while3A to %while3A_17 step %while3A_18 iter_args(%while3A_31 = %while3A_11) -> (i32)  : i32 {
      %mul3A_32 = arith.constant 160 : i32
      %mul3A_33 = arith.muli %arg1, %mul3A_32 : i32
      %mul3A_34 = arith.constant 120 : i32
      %mul3A_35 = arith.muli %arg0, %mul3A_34 : i32
      %add3A_36 = arith.addi %mul3A_33, %mul3A_35 : i32
      %mul3A_37 = arith.constant 40 : i32
      %mul3A_38 = arith.muli %while3A_30, %mul3A_37 : i32
      %add3A_39 = arith.addi %add3A_36, %mul3A_38 : i32
      "tpu.region"() ({
        %run_scoped3A = tpu.sem_alloc : memref<!tpu.dma_semaphore, #tpu.memory_space<semaphore_mem>>
        %dma_start3A_54 = arith.constant 0 : i32
        %dma_start3A_55 = tpu.memref_slice %arg4[%add3A_39, %dma_start3A_54] : memref<2560x128xi32, #tpu.memory_space<hbm>> -> memref<40x128xi32, #tpu.memory_space<hbm>>
        %dma_start3A_56 = arith.constant 0 : i32
        %dma_start3A_57 = tpu.memref_slice %arg4[%add3A_39, %dma_start3A_56] : memref<2560x128xi32, #tpu.memory_space<hbm>> -> memref<40x128xi32, #tpu.memory_space<hbm>>
        tpu.enqueue_dma source(%dma_start3A_57 : memref<40x128xi32, #tpu.memory_space<hbm>>) target(%arg7 : memref<40x128xi32, #tpu.memory_space<vmem>>) target_semaphore(%run_scoped3A : memref<!tpu.dma_semaphore, #tpu.memory_space<semaphore_mem>>)
        %dma_wait3A = arith.constant 0 : i32
        %dma_wait3A_58 = tpu.memref_slice %arg4[%add3A_39, %dma_wait3A] : memref<2560x128xi32, #tpu.memory_space<hbm>> -> memref<40x128xi32, #tpu.memory_space<hbm>>
        %dma_wait3A_59 = arith.constant 0 : i32
        %dma_wait3A_60 = tpu.memref_slice %arg4[%add3A_39, %dma_wait3A_59] : memref<2560x128xi32, #tpu.memory_space<hbm>> -> memref<40x128xi32, #tpu.memory_space<hbm>>
        tpu.wait_dma2 semaphore(%run_scoped3A : memref<!tpu.dma_semaphore, #tpu.memory_space<semaphore_mem>>) src(%dma_wait3A_60 : memref<40x128xi32, #tpu.memory_space<hbm>>) dst(%arg7 : memref<40x128xi32, #tpu.memory_space<vmem>>)
        tpu.yield
      }) : () -> ()
      "tpu.region"() ({
        %run_scoped3A = tpu.sem_alloc : memref<!tpu.dma_semaphore, #tpu.memory_space<semaphore_mem>>
        %dma_start3A_54 = arith.constant 0 : i32
        %dma_start3A_55 = tpu.memref_slice %arg3[%add3A_39, %dma_start3A_54] : memref<2560x128xi32, #tpu.memory_space<hbm>> -> memref<40x128xi32, #tpu.memory_space<hbm>>
        %dma_start3A_56 = arith.constant 0 : i32
        %dma_start3A_57 = tpu.memref_slice %arg3[%add3A_39, %dma_start3A_56] : memref<2560x128xi32, #tpu.memory_space<hbm>> -> memref<40x128xi32, #tpu.memory_space<hbm>>
        tpu.enqueue_dma source(%dma_start3A_57 : memref<40x128xi32, #tpu.memory_space<hbm>>) target(%arg8 : memref<40x128xi32, #tpu.memory_space<vmem>>) target_semaphore(%run_scoped3A : memref<!tpu.dma_semaphore, #tpu.memory_space<semaphore_mem>>)
        %dma_wait3A = arith.constant 0 : i32
        %dma_wait3A_58 = tpu.memref_slice %arg3[%add3A_39, %dma_wait3A] : memref<2560x128xi32, #tpu.memory_space<hbm>> -> memref<40x128xi32, #tpu.memory_space<hbm>>
        %dma_wait3A_59 = arith.constant 0 : i32
        %dma_wait3A_60 = tpu.memref_slice %arg3[%add3A_39, %dma_wait3A_59] : memref<2560x128xi32, #tpu.memory_space<hbm>> -> memref<40x128xi32, #tpu.memory_space<hbm>>
        tpu.wait_dma2 semaphore(%run_scoped3A : memref<!tpu.dma_semaphore, #tpu.memory_space<semaphore_mem>>) src(%dma_wait3A_60 : memref<40x128xi32, #tpu.memory_space<hbm>>) dst(%arg8 : memref<40x128xi32, #tpu.memory_space<vmem>>)
        tpu.yield
      }) : () -> ()
      %dma_start3A = arith.constant 0 : i32
      %dma_start3A_40 = arith.constant 0 : i32
      %dma_start3A_41 = tpu.memref_slice %arg8[%dma_start3A, %dma_start3A_40] : memref<40x128xi32, #tpu.memory_space<vmem>> -> memref<1x128xi32, #tpu.memory_space<vmem>>
      %dma_start3A_42 = tpu.memref_squeeze %dma_start3A_41 : memref<1x128xi32, #tpu.memory_space<vmem>> -> memref<128xi32, #tpu.memory_space<vmem>>
      %dma_start3A_43 = arith.constant 0 : i32
      %dma_start3A_44 = arith.constant 0 : i32
      %dma_start3A_45 = tpu.memref_slice %arg2[%dma_start3A_43, %dma_start3A_44] : memref<10240x128xf32, #tpu.memory_space<hbm>> -> memref<10240x128xf32, #tpu.memory_space<hbm>>
      tpu.enqueue_indirect_dma source(%dma_start3A_45 : memref<10240x128xf32, #tpu.memory_space<hbm>>) target(%arg9 : memref<128x128xf32, #tpu.memory_space<vmem>>) offsets(%dma_start3A_42 : memref<128xi32, #tpu.memory_space<vmem>>) semaphore(%arg12 : memref<!tpu.dma_semaphore, #tpu.memory_space<semaphore_mem>>)
      %scan3A_46 = arith.constant 0 : i32
      %scan3A_47 = arith.constant 0 : i32
      %scan3A_48 = arith.constant 20 : i32
      %scan3A_49 = arith.addi %scan3A_47, %scan3A_48 : i32
      %scan3A_50 = arith.constant 1 : i32
      %scan3A_51 = scf.for %scan3A_54 = %scan3A_47 to %scan3A_49 step %scan3A_50 iter_args(%scan3A_55 = %scan3A_46) -> (i32)  : i32 {
        %mul3A_56 = arith.constant 2 : i32
        %mul3A_57 = arith.muli %mul3A_56, %scan3A_54 : i32
        %dma_wait3A = arith.constant 0 : i32
        %dma_wait3A_58 = arith.constant 0 : i32
        %dma_wait3A_59 = tpu.memref_slice %arg8[%dma_wait3A, %dma_wait3A_58] : memref<40x128xi32, #tpu.memory_space<vmem>> -> memref<1x128xi32, #tpu.memory_space<vmem>>
        %dma_wait3A_60 = tpu.memref_squeeze %dma_wait3A_59 : memref<1x128xi32, #tpu.memory_space<vmem>> -> memref<128xi32, #tpu.memory_space<vmem>>
        %dma_wait3A_61 = arith.constant 0 : i32
        %dma_wait3A_62 = arith.constant 0 : i32
        %dma_wait3A_63 = tpu.memref_slice %arg2[%dma_wait3A_61, %dma_wait3A_62] : memref<10240x128xf32, #tpu.memory_space<hbm>> -> memref<10240x128xf32, #tpu.memory_space<hbm>>
        tpu.wait_indirect_dma semaphore(%arg12 : memref<!tpu.dma_semaphore, #tpu.memory_space<semaphore_mem>>) src(%dma_wait3A_63 : memref<10240x128xf32, #tpu.memory_space<hbm>>) dst(%arg9 : memref<128x128xf32, #tpu.memory_space<vmem>>)
        %add3A_64 = arith.constant 1 : i32
        %add3A_65 = arith.addi %mul3A_57, %add3A_64 : i32
        %dma_start3A_66 = arith.constant 0 : i32
        %dma_start3A_67 = tpu.memref_slice %arg8[%add3A_65, %dma_start3A_66] : memref<40x128xi32, #tpu.memory_space<vmem>> -> memref<1x128xi32, #tpu.memory_space<vmem>>
        %dma_start3A_68 = tpu.memref_squeeze %dma_start3A_67 : memref<1x128xi32, #tpu.memory_space<vmem>> -> memref<128xi32, #tpu.memory_space<vmem>>
        %dma_start3A_69 = arith.constant 0 : i32
        %dma_start3A_70 = arith.constant 0 : i32
        %dma_start3A_71 = tpu.memref_slice %arg2[%dma_start3A_69, %dma_start3A_70] : memref<10240x128xf32, #tpu.memory_space<hbm>> -> memref<10240x128xf32, #tpu.memory_space<hbm>>
        tpu.enqueue_indirect_dma source(%dma_start3A_71 : memref<10240x128xf32, #tpu.memory_space<hbm>>) target(%arg10 : memref<128x128xf32, #tpu.memory_space<vmem>>) offsets(%dma_start3A_68 : memref<128xi32, #tpu.memory_space<vmem>>) semaphore(%arg13 : memref<!tpu.dma_semaphore, #tpu.memory_space<semaphore_mem>>)
        %dma_start3A_72 = arith.constant 0 : i32
        %dma_start3A_73 = tpu.memref_slice %arg7[%mul3A_57, %dma_start3A_72] : memref<40x128xi32, #tpu.memory_space<vmem>> -> memref<1x128xi32, #tpu.memory_space<vmem>>
        %dma_start3A_74 = tpu.memref_squeeze %dma_start3A_73 : memref<1x128xi32, #tpu.memory_space<vmem>> -> memref<128xi32, #tpu.memory_space<vmem>>
        %dma_start3A_75 = arith.constant 0 : i32
        %dma_start3A_76 = arith.constant 0 : i32
        %dma_start3A_77 = tpu.memref_slice %arg11[%dma_start3A_75, %dma_start3A_76] : memref<10240x128xf32, #tpu.memory_space<vmem_shared>> -> memref<10240x128xf32, #tpu.memory_space<vmem_shared>>
        tpu.enqueue_indirect_dma source(%arg9 : memref<128x128xf32, #tpu.memory_space<vmem>>) target(%dma_start3A_77 : memref<10240x128xf32, #tpu.memory_space<vmem_shared>>) offsets(%dma_start3A_74 : memref<128xi32, #tpu.memory_space<vmem>>) semaphore(%arg14 : memref<!tpu.dma_semaphore, #tpu.memory_space<semaphore_mem>>) {add = true}
        %dma_wait3A_78 = arith.constant 0 : i32
        %dma_wait3A_79 = tpu.memref_slice %arg7[%mul3A_57, %dma_wait3A_78] : memref<40x128xi32, #tpu.memory_space<vmem>> -> memref<1x128xi32, #tpu.memory_space<vmem>>
        %dma_wait3A_80 = tpu.memref_squeeze %dma_wait3A_79 : memref<1x128xi32, #tpu.memory_space<vmem>> -> memref<128xi32, #tpu.memory_space<vmem>>
        %dma_wait3A_81 = arith.constant 0 : i32
        %dma_wait3A_82 = arith.constant 0 : i32
        %dma_wait3A_83 = tpu.memref_slice %arg11[%dma_wait3A_81, %dma_wait3A_82] : memref<10240x128xf32, #tpu.memory_space<vmem_shared>> -> memref<10240x128xf32, #tpu.memory_space<vmem_shared>>
        tpu.wait_indirect_dma semaphore(%arg14 : memref<!tpu.dma_semaphore, #tpu.memory_space<semaphore_mem>>) src(%arg9 : memref<128x128xf32, #tpu.memory_space<vmem>>) dst(%dma_wait3A_83 : memref<10240x128xf32, #tpu.memory_space<vmem_shared>>)
        %dma_wait3A_84 = arith.constant 0 : i32
        %dma_wait3A_85 = arith.constant 0 : i32
        %dma_wait3A_86 = tpu.memref_slice %arg8[%dma_wait3A_84, %dma_wait3A_85] : memref<40x128xi32, #tpu.memory_space<vmem>> -> memref<1x128xi32, #tpu.memory_space<vmem>>
        %dma_wait3A_87 = tpu.memref_squeeze %dma_wait3A_86 : memref<1x128xi32, #tpu.memory_space<vmem>> -> memref<128xi32, #tpu.memory_space<vmem>>
        %dma_wait3A_88 = arith.constant 0 : i32
        %dma_wait3A_89 = arith.constant 0 : i32
        %dma_wait3A_90 = tpu.memref_slice %arg2[%dma_wait3A_88, %dma_wait3A_89] : memref<10240x128xf32, #tpu.memory_space<hbm>> -> memref<10240x128xf32, #tpu.memory_space<hbm>>
        tpu.wait_indirect_dma semaphore(%arg13 : memref<!tpu.dma_semaphore, #tpu.memory_space<semaphore_mem>>) src(%dma_wait3A_90 : memref<10240x128xf32, #tpu.memory_space<hbm>>) dst(%arg10 : memref<128x128xf32, #tpu.memory_space<vmem>>)
        %lt3A = arith.constant 19 : i32
        %lt3A_91 = arith.cmpi slt, %scan3A_54, %lt3A : i32
        %convert_element_type3A = arith.extui %lt3A_91 : i1 to i32
        %cond3A = arith.constant 0 : i32
        %cond3A_92 = arith.cmpi ne, %convert_element_type3A, %cond3A : i32
        scf.if %cond3A_92 {
          %add3A_108 = arith.constant 2 : i32
          %add3A_109 = arith.addi %mul3A_57, %add3A_108 : i32
          %dma_start3A_110 = arith.constant 0 : i32
          %dma_start3A_111 = tpu.memref_slice %arg8[%add3A_109, %dma_start3A_110] : memref<40x128xi32, #tpu.memory_space<vmem>> -> memref<1x128xi32, #tpu.memory_space<vmem>>
          %dma_start3A_112 = tpu.memref_squeeze %dma_start3A_111 : memref<1x128xi32, #tpu.memory_space<vmem>> -> memref<128xi32, #tpu.memory_space<vmem>>
          %dma_start3A_113 = arith.constant 0 : i32
          %dma_start3A_114 = arith.constant 0 : i32
          %dma_start3A_115 = tpu.memref_slice %arg2[%dma_start3A_113, %dma_start3A_114] : memref<10240x128xf32, #tpu.memory_space<hbm>> -> memref<10240x128xf32, #tpu.memory_space<hbm>>
          tpu.enqueue_indirect_dma source(%dma_start3A_115 : memref<10240x128xf32, #tpu.memory_space<hbm>>) target(%arg9 : memref<128x128xf32, #tpu.memory_space<vmem>>) offsets(%dma_start3A_112 : memref<128xi32, #tpu.memory_space<vmem>>) semaphore(%arg12 : memref<!tpu.dma_semaphore, #tpu.memory_space<semaphore_mem>>)
        } else {
        }
        %add3A_93 = arith.constant 1 : i32
        %add3A_94 = arith.addi %mul3A_57, %add3A_93 : i32
        %dma_start3A_95 = arith.constant 0 : i32
        %dma_start3A_96 = tpu.memref_slice %arg7[%add3A_94, %dma_start3A_95] : memref<40x128xi32, #tpu.memory_space<vmem>> -> memref<1x128xi32, #tpu.memory_space<vmem>>
        %dma_start3A_97 = tpu.memref_squeeze %dma_start3A_96 : memref<1x128xi32, #tpu.memory_space<vmem>> -> memref<128xi32, #tpu.memory_space<vmem>>
        %dma_start3A_98 = arith.constant 0 : i32
        %dma_start3A_99 = arith.constant 0 : i32
        %dma_start3A_100 = tpu.memref_slice %arg11[%dma_start3A_98, %dma_start3A_99] : memref<10240x128xf32, #tpu.memory_space<vmem_shared>> -> memref<10240x128xf32, #tpu.memory_space<vmem_shared>>
        tpu.enqueue_indirect_dma source(%arg10 : memref<128x128xf32, #tpu.memory_space<vmem>>) target(%dma_start3A_100 : memref<10240x128xf32, #tpu.memory_space<vmem_shared>>) offsets(%dma_start3A_97 : memref<128xi32, #tpu.memory_space<vmem>>) semaphore(%arg14 : memref<!tpu.dma_semaphore, #tpu.memory_space<semaphore_mem>>) {add = true}
        %dma_wait3A_101 = arith.constant 0 : i32
        %dma_wait3A_102 = tpu.memref_slice %arg7[%add3A_94, %dma_wait3A_101] : memref<40x128xi32, #tpu.memory_space<vmem>> -> memref<1x128xi32, #tpu.memory_space<vmem>>
        %dma_wait3A_103 = tpu.memref_squeeze %dma_wait3A_102 : memref<1x128xi32, #tpu.memory_space<vmem>> -> memref<128xi32, #tpu.memory_space<vmem>>
        %dma_wait3A_104 = arith.constant 0 : i32
        %dma_wait3A_105 = arith.constant 0 : i32
        %dma_wait3A_106 = tpu.memref_slice %arg11[%dma_wait3A_104, %dma_wait3A_105] : memref<10240x128xf32, #tpu.memory_space<vmem_shared>> -> memref<10240x128xf32, #tpu.memory_space<vmem_shared>>
        tpu.wait_indirect_dma semaphore(%arg14 : memref<!tpu.dma_semaphore, #tpu.memory_space<semaphore_mem>>) src(%arg10 : memref<128x128xf32, #tpu.memory_space<vmem>>) dst(%dma_wait3A_106 : memref<10240x128xf32, #tpu.memory_space<vmem_shared>>)
        %scan3A_107 = arith.constant 0 : i32
        scf.yield %scan3A_107 : i32
      }
      %scan3A_52 = arith.constant 20 : i32
      %while3A_53 = arith.constant 0 : i32
      scf.yield %while3A_53 : i32
    }
    %while3A_20 = arith.constant 1 : i32
    %while3A_21 = scf.for %while3A_30 = %while3A_17 to %while3A_13 step %while3A_20 iter_args(%while3A_31 = %while3A_19) -> (i32)  : i32 {
      %mul3A_32 = arith.constant 160 : i32
      %mul3A_33 = arith.muli %arg1, %mul3A_32 : i32
      %mul3A_34 = arith.constant 120 : i32
      %mul3A_35 = arith.muli %arg0, %mul3A_34 : i32
      %add3A_36 = arith.addi %mul3A_33, %mul3A_35 : i32
      %mul3A_37 = arith.constant 40 : i32
      %mul3A_38 = arith.muli %while3A_30, %mul3A_37 : i32
      %add3A_39 = arith.addi %add3A_36, %mul3A_38 : i32
      "tpu.region"() ({
        %run_scoped3A = tpu.sem_alloc : memref<!tpu.dma_semaphore, #tpu.memory_space<semaphore_mem>>
        %dma_start3A_54 = arith.constant 0 : i32
        %dma_start3A_55 = tpu.memref_slice %arg4[%add3A_39, %dma_start3A_54] : memref<2560x128xi32, #tpu.memory_space<hbm>> -> memref<40x128xi32, #tpu.memory_space<hbm>>
        %dma_start3A_56 = arith.constant 0 : i32
        %dma_start3A_57 = tpu.memref_slice %arg4[%add3A_39, %dma_start3A_56] : memref<2560x128xi32, #tpu.memory_space<hbm>> -> memref<40x128xi32, #tpu.memory_space<hbm>>
        tpu.enqueue_dma source(%dma_start3A_57 : memref<40x128xi32, #tpu.memory_space<hbm>>) target(%arg7 : memref<40x128xi32, #tpu.memory_space<vmem>>) target_semaphore(%run_scoped3A : memref<!tpu.dma_semaphore, #tpu.memory_space<semaphore_mem>>)
        %dma_wait3A = arith.constant 0 : i32
        %dma_wait3A_58 = tpu.memref_slice %arg4[%add3A_39, %dma_wait3A] : memref<2560x128xi32, #tpu.memory_space<hbm>> -> memref<40x128xi32, #tpu.memory_space<hbm>>
        %dma_wait3A_59 = arith.constant 0 : i32
        %dma_wait3A_60 = tpu.memref_slice %arg4[%add3A_39, %dma_wait3A_59] : memref<2560x128xi32, #tpu.memory_space<hbm>> -> memref<40x128xi32, #tpu.memory_space<hbm>>
        tpu.wait_dma2 semaphore(%run_scoped3A : memref<!tpu.dma_semaphore, #tpu.memory_space<semaphore_mem>>) src(%dma_wait3A_60 : memref<40x128xi32, #tpu.memory_space<hbm>>) dst(%arg7 : memref<40x128xi32, #tpu.memory_space<vmem>>)
        tpu.yield
      }) : () -> ()
      "tpu.region"() ({
        %run_scoped3A = tpu.sem_alloc : memref<!tpu.dma_semaphore, #tpu.memory_space<semaphore_mem>>
        %dma_start3A_54 = arith.constant 0 : i32
        %dma_start3A_55 = tpu.memref_slice %arg3[%add3A_39, %dma_start3A_54] : memref<2560x128xi32, #tpu.memory_space<hbm>> -> memref<40x128xi32, #tpu.memory_space<hbm>>
        %dma_start3A_56 = arith.constant 0 : i32
        %dma_start3A_57 = tpu.memref_slice %arg3[%add3A_39, %dma_start3A_56] : memref<2560x128xi32, #tpu.memory_space<hbm>> -> memref<40x128xi32, #tpu.memory_space<hbm>>
        tpu.enqueue_dma source(%dma_start3A_57 : memref<40x128xi32, #tpu.memory_space<hbm>>) target(%arg8 : memref<40x128xi32, #tpu.memory_space<vmem>>) target_semaphore(%run_scoped3A : memref<!tpu.dma_semaphore, #tpu.memory_space<semaphore_mem>>)
        %dma_wait3A = arith.constant 0 : i32
        %dma_wait3A_58 = tpu.memref_slice %arg3[%add3A_39, %dma_wait3A] : memref<2560x128xi32, #tpu.memory_space<hbm>> -> memref<40x128xi32, #tpu.memory_space<hbm>>
        %dma_wait3A_59 = arith.constant 0 : i32
        %dma_wait3A_60 = tpu.memref_slice %arg3[%add3A_39, %dma_wait3A_59] : memref<2560x128xi32, #tpu.memory_space<hbm>> -> memref<40x128xi32, #tpu.memory_space<hbm>>
        tpu.wait_dma2 semaphore(%run_scoped3A : memref<!tpu.dma_semaphore, #tpu.memory_space<semaphore_mem>>) src(%dma_wait3A_60 : memref<40x128xi32, #tpu.memory_space<hbm>>) dst(%arg8 : memref<40x128xi32, #tpu.memory_space<vmem>>)
        tpu.yield
      }) : () -> ()
      %dma_start3A = arith.constant 0 : i32
      %dma_start3A_40 = arith.constant 0 : i32
      %dma_start3A_41 = tpu.memref_slice %arg8[%dma_start3A, %dma_start3A_40] : memref<40x128xi32, #tpu.memory_space<vmem>> -> memref<1x128xi32, #tpu.memory_space<vmem>>
      %dma_start3A_42 = tpu.memref_squeeze %dma_start3A_41 : memref<1x128xi32, #tpu.memory_space<vmem>> -> memref<128xi32, #tpu.memory_space<vmem>>
      %dma_start3A_43 = arith.constant 0 : i32
      %dma_start3A_44 = arith.constant 0 : i32
      %dma_start3A_45 = tpu.memref_slice %arg2[%dma_start3A_43, %dma_start3A_44] : memref<10240x128xf32, #tpu.memory_space<hbm>> -> memref<10240x128xf32, #tpu.memory_space<hbm>>
      tpu.enqueue_indirect_dma source(%dma_start3A_45 : memref<10240x128xf32, #tpu.memory_space<hbm>>) target(%arg9 : memref<128x128xf32, #tpu.memory_space<vmem>>) offsets(%dma_start3A_42 : memref<128xi32, #tpu.memory_space<vmem>>) semaphore(%arg12 : memref<!tpu.dma_semaphore, #tpu.memory_space<semaphore_mem>>)
      %scan3A_46 = arith.constant 0 : i32
      %scan3A_47 = arith.constant 0 : i32
      %scan3A_48 = arith.constant 20 : i32
      %scan3A_49 = arith.addi %scan3A_47, %scan3A_48 : i32
      %scan3A_50 = arith.constant 1 : i32
      %scan3A_51 = scf.for %scan3A_54 = %scan3A_47 to %scan3A_49 step %scan3A_50 iter_args(%scan3A_55 = %scan3A_46) -> (i32)  : i32 {
        %mul3A_56 = arith.constant 2 : i32
        %mul3A_57 = arith.muli %mul3A_56, %scan3A_54 : i32
        %dma_wait3A = arith.constant 0 : i32
        %dma_wait3A_58 = arith.constant 0 : i32
        %dma_wait3A_59 = tpu.memref_slice %arg8[%dma_wait3A, %dma_wait3A_58] : memref<40x128xi32, #tpu.memory_space<vmem>> -> memref<1x128xi32, #tpu.memory_space<vmem>>
        %dma_wait3A_60 = tpu.memref_squeeze %dma_wait3A_59 : memref<1x128xi32, #tpu.memory_space<vmem>> -> memref<128xi32, #tpu.memory_space<vmem>>
        %dma_wait3A_61 = arith.constant 0 : i32
        %dma_wait3A_62 = arith.constant 0 : i32
        %dma_wait3A_63 = tpu.memref_slice %arg2[%dma_wait3A_61, %dma_wait3A_62] : memref<10240x128xf32, #tpu.memory_space<hbm>> -> memref<10240x128xf32, #tpu.memory_space<hbm>>
        tpu.wait_indirect_dma semaphore(%arg12 : memref<!tpu.dma_semaphore, #tpu.memory_space<semaphore_mem>>) src(%dma_wait3A_63 : memref<10240x128xf32, #tpu.memory_space<hbm>>) dst(%arg9 : memref<128x128xf32, #tpu.memory_space<vmem>>)
        %add3A_64 = arith.constant 1 : i32
        %add3A_65 = arith.addi %mul3A_57, %add3A_64 : i32
        %dma_start3A_66 = arith.constant 0 : i32
        %dma_start3A_67 = tpu.memref_slice %arg8[%add3A_65, %dma_start3A_66] : memref<40x128xi32, #tpu.memory_space<vmem>> -> memref<1x128xi32, #tpu.memory_space<vmem>>
        %dma_start3A_68 = tpu.memref_squeeze %dma_start3A_67 : memref<1x128xi32, #tpu.memory_space<vmem>> -> memref<128xi32, #tpu.memory_space<vmem>>
        %dma_start3A_69 = arith.constant 0 : i32
        %dma_start3A_70 = arith.constant 0 : i32
        %dma_start3A_71 = tpu.memref_slice %arg2[%dma_start3A_69, %dma_start3A_70] : memref<10240x128xf32, #tpu.memory_space<hbm>> -> memref<10240x128xf32, #tpu.memory_space<hbm>>
        tpu.enqueue_indirect_dma source(%dma_start3A_71 : memref<10240x128xf32, #tpu.memory_space<hbm>>) target(%arg10 : memref<128x128xf32, #tpu.memory_space<vmem>>) offsets(%dma_start3A_68 : memref<128xi32, #tpu.memory_space<vmem>>) semaphore(%arg13 : memref<!tpu.dma_semaphore, #tpu.memory_space<semaphore_mem>>)
        %dma_start3A_72 = arith.constant 0 : i32
        %dma_start3A_73 = tpu.memref_slice %arg7[%mul3A_57, %dma_start3A_72] : memref<40x128xi32, #tpu.memory_space<vmem>> -> memref<1x128xi32, #tpu.memory_space<vmem>>
        %dma_start3A_74 = tpu.memref_squeeze %dma_start3A_73 : memref<1x128xi32, #tpu.memory_space<vmem>> -> memref<128xi32, #tpu.memory_space<vmem>>
        %dma_start3A_75 = arith.constant 0 : i32
        %dma_start3A_76 = arith.constant 0 : i32
        %dma_start3A_77 = tpu.memref_slice %arg11[%dma_start3A_75, %dma_start3A_76] : memref<10240x128xf32, #tpu.memory_space<vmem_shared>> -> memref<10240x128xf32, #tpu.memory_space<vmem_shared>>
        tpu.enqueue_indirect_dma source(%arg9 : memref<128x128xf32, #tpu.memory_space<vmem>>) target(%dma_start3A_77 : memref<10240x128xf32, #tpu.memory_space<vmem_shared>>) offsets(%dma_start3A_74 : memref<128xi32, #tpu.memory_space<vmem>>) semaphore(%arg14 : memref<!tpu.dma_semaphore, #tpu.memory_space<semaphore_mem>>) {add = true}
        %dma_wait3A_78 = arith.constant 0 : i32
        %dma_wait3A_79 = tpu.memref_slice %arg7[%mul3A_57, %dma_wait3A_78] : memref<40x128xi32, #tpu.memory_space<vmem>> -> memref<1x128xi32, #tpu.memory_space<vmem>>
        %dma_wait3A_80 = tpu.memref_squeeze %dma_wait3A_79 : memref<1x128xi32, #tpu.memory_space<vmem>> -> memref<128xi32, #tpu.memory_space<vmem>>
        %dma_wait3A_81 = arith.constant 0 : i32
        %dma_wait3A_82 = arith.constant 0 : i32
        %dma_wait3A_83 = tpu.memref_slice %arg11[%dma_wait3A_81, %dma_wait3A_82] : memref<10240x128xf32, #tpu.memory_space<vmem_shared>> -> memref<10240x128xf32, #tpu.memory_space<vmem_shared>>
        tpu.wait_indirect_dma semaphore(%arg14 : memref<!tpu.dma_semaphore, #tpu.memory_space<semaphore_mem>>) src(%arg9 : memref<128x128xf32, #tpu.memory_space<vmem>>) dst(%dma_wait3A_83 : memref<10240x128xf32, #tpu.memory_space<vmem_shared>>)
        %dma_wait3A_84 = arith.constant 0 : i32
        %dma_wait3A_85 = arith.constant 0 : i32
        %dma_wait3A_86 = tpu.memref_slice %arg8[%dma_wait3A_84, %dma_wait3A_85] : memref<40x128xi32, #tpu.memory_space<vmem>> -> memref<1x128xi32, #tpu.memory_space<vmem>>
        %dma_wait3A_87 = tpu.memref_squeeze %dma_wait3A_86 : memref<1x128xi32, #tpu.memory_space<vmem>> -> memref<128xi32, #tpu.memory_space<vmem>>
        %dma_wait3A_88 = arith.constant 0 : i32
        %dma_wait3A_89 = arith.constant 0 : i32
        %dma_wait3A_90 = tpu.memref_slice %arg2[%dma_wait3A_88, %dma_wait3A_89] : memref<10240x128xf32, #tpu.memory_space<hbm>> -> memref<10240x128xf32, #tpu.memory_space<hbm>>
        tpu.wait_indirect_dma semaphore(%arg13 : memref<!tpu.dma_semaphore, #tpu.memory_space<semaphore_mem>>) src(%dma_wait3A_90 : memref<10240x128xf32, #tpu.memory_space<hbm>>) dst(%arg10 : memref<128x128xf32, #tpu.memory_space<vmem>>)
        %lt3A = arith.constant 19 : i32
        %lt3A_91 = arith.cmpi slt, %scan3A_54, %lt3A : i32
        %convert_element_type3A = arith.extui %lt3A_91 : i1 to i32
        %cond3A = arith.constant 0 : i32
        %cond3A_92 = arith.cmpi ne, %convert_element_type3A, %cond3A : i32
        scf.if %cond3A_92 {
          %add3A_108 = arith.constant 2 : i32
          %add3A_109 = arith.addi %mul3A_57, %add3A_108 : i32
          %dma_start3A_110 = arith.constant 0 : i32
          %dma_start3A_111 = tpu.memref_slice %arg8[%add3A_109, %dma_start3A_110] : memref<40x128xi32, #tpu.memory_space<vmem>> -> memref<1x128xi32, #tpu.memory_space<vmem>>
          %dma_start3A_112 = tpu.memref_squeeze %dma_start3A_111 : memref<1x128xi32, #tpu.memory_space<vmem>> -> memref<128xi32, #tpu.memory_space<vmem>>
          %dma_start3A_113 = arith.constant 0 : i32
          %dma_start3A_114 = arith.constant 0 : i32
          %dma_start3A_115 = tpu.memref_slice %arg2[%dma_start3A_113, %dma_start3A_114] : memref<10240x128xf32, #tpu.memory_space<hbm>> -> memref<10240x128xf32, #tpu.memory_space<hbm>>
          tpu.enqueue_indirect_dma source(%dma_start3A_115 : memref<10240x128xf32, #tpu.memory_space<hbm>>) target(%arg9 : memref<128x128xf32, #tpu.memory_space<vmem>>) offsets(%dma_start3A_112 : memref<128xi32, #tpu.memory_space<vmem>>) semaphore(%arg12 : memref<!tpu.dma_semaphore, #tpu.memory_space<semaphore_mem>>)
        } else {
        }
        %add3A_93 = arith.constant 1 : i32
        %add3A_94 = arith.addi %mul3A_57, %add3A_93 : i32
        %dma_start3A_95 = arith.constant 0 : i32
        %dma_start3A_96 = tpu.memref_slice %arg7[%add3A_94, %dma_start3A_95] : memref<40x128xi32, #tpu.memory_space<vmem>> -> memref<1x128xi32, #tpu.memory_space<vmem>>
        %dma_start3A_97 = tpu.memref_squeeze %dma_start3A_96 : memref<1x128xi32, #tpu.memory_space<vmem>> -> memref<128xi32, #tpu.memory_space<vmem>>
        %dma_start3A_98 = arith.constant 0 : i32
        %dma_start3A_99 = arith.constant 0 : i32
        %dma_start3A_100 = tpu.memref_slice %arg11[%dma_start3A_98, %dma_start3A_99] : memref<10240x128xf32, #tpu.memory_space<vmem_shared>> -> memref<10240x128xf32, #tpu.memory_space<vmem_shared>>
        tpu.enqueue_indirect_dma source(%arg10 : memref<128x128xf32, #tpu.memory_space<vmem>>) target(%dma_start3A_100 : memref<10240x128xf32, #tpu.memory_space<vmem_shared>>) offsets(%dma_start3A_97 : memref<128xi32, #tpu.memory_space<vmem>>) semaphore(%arg14 : memref<!tpu.dma_semaphore, #tpu.memory_space<semaphore_mem>>) {add = true}
        %dma_wait3A_101 = arith.constant 0 : i32
        %dma_wait3A_102 = tpu.memref_slice %arg7[%add3A_94, %dma_wait3A_101] : memref<40x128xi32, #tpu.memory_space<vmem>> -> memref<1x128xi32, #tpu.memory_space<vmem>>
        %dma_wait3A_103 = tpu.memref_squeeze %dma_wait3A_102 : memref<1x128xi32, #tpu.memory_space<vmem>> -> memref<128xi32, #tpu.memory_space<vmem>>
        %dma_wait3A_104 = arith.constant 0 : i32
        %dma_wait3A_105 = arith.constant 0 : i32
        %dma_wait3A_106 = tpu.memref_slice %arg11[%dma_wait3A_104, %dma_wait3A_105] : memref<10240x128xf32, #tpu.memory_space<vmem_shared>> -> memref<10240x128xf32, #tpu.memory_space<vmem_shared>>
        tpu.wait_indirect_dma semaphore(%arg14 : memref<!tpu.dma_semaphore, #tpu.memory_space<semaphore_mem>>) src(%arg10 : memref<128x128xf32, #tpu.memory_space<vmem>>) dst(%dma_wait3A_106 : memref<10240x128xf32, #tpu.memory_space<vmem_shared>>)
        %scan3A_107 = arith.constant 0 : i32
        scf.yield %scan3A_107 : i32
      }
      %scan3A_52 = arith.constant 20 : i32
      %while3A_53 = arith.constant 0 : i32
      scf.yield %while3A_53 : i32
    }
    %barrier3A_22 = arith.constant 0 : index
    tpu.barrier barrier_id(%barrier3A_22)
    %scan3A_23 = arith.constant 0 : i32
    %scan3A_24 = arith.constant 0 : i32
    %scan3A_25 = arith.constant 5 : i32
    %scan3A_26 = arith.addi %scan3A_24, %scan3A_25 : i32
    %scan3A_27 = arith.constant 1 : i32
    %scan3A_28 = scf.for %scan3A_30 = %scan3A_24 to %scan3A_26 step %scan3A_27 iter_args(%scan3A_31 = %scan3A_23) -> (i32)  : i32 {
      %mul3A_32 = arith.constant 128 : i32
      %mul3A_33 = arith.muli %scan3A_30, %mul3A_32 : i32
      %add3A_34 = arith.addi %mul3A_0, %mul3A_33 : i32
      "tpu.region"() ({
        %run_scoped3A = tpu.sem_alloc : memref<!tpu.dma_semaphore, #tpu.memory_space<semaphore_mem>>
        %dma_start3A = arith.constant 0 : i32
        %dma_start3A_40 = tpu.memref_slice %arg11[%add3A_34, %dma_start3A] : memref<10240x128xf32, #tpu.memory_space<vmem_shared>> -> memref<128x128xf32, #tpu.memory_space<vmem_shared>>
        %dma_start3A_41 = arith.constant 0 : i32
        %dma_start3A_42 = tpu.memref_slice %arg11[%add3A_34, %dma_start3A_41] : memref<10240x128xf32, #tpu.memory_space<vmem_shared>> -> memref<128x128xf32, #tpu.memory_space<vmem_shared>>
        tpu.enqueue_dma source(%dma_start3A_42 : memref<128x128xf32, #tpu.memory_space<vmem_shared>>) target(%arg9 : memref<128x128xf32, #tpu.memory_space<vmem>>) target_semaphore(%run_scoped3A : memref<!tpu.dma_semaphore, #tpu.memory_space<semaphore_mem>>)
        %dma_wait3A = arith.constant 0 : i32
        %dma_wait3A_43 = tpu.memref_slice %arg11[%add3A_34, %dma_wait3A] : memref<10240x128xf32, #tpu.memory_space<vmem_shared>> -> memref<128x128xf32, #tpu.memory_space<vmem_shared>>
        %dma_wait3A_44 = arith.constant 0 : i32
        %dma_wait3A_45 = tpu.memref_slice %arg11[%add3A_34, %dma_wait3A_44] : memref<10240x128xf32, #tpu.memory_space<vmem_shared>> -> memref<128x128xf32, #tpu.memory_space<vmem_shared>>
        tpu.wait_dma2 semaphore(%run_scoped3A : memref<!tpu.dma_semaphore, #tpu.memory_space<semaphore_mem>>) src(%dma_wait3A_45 : memref<128x128xf32, #tpu.memory_space<vmem_shared>>) dst(%arg9 : memref<128x128xf32, #tpu.memory_space<vmem>>)
        tpu.yield
      }) : () -> ()
      %mul3A_35 = arith.constant 10240 : i32
      %mul3A_36 = arith.muli %arg0, %mul3A_35 : i32
      %add3A_37 = arith.addi %mul3A_36, %mul3A_0 : i32
      %add3A_38 = arith.addi %add3A_37, %mul3A_33 : i32
      "tpu.region"() ({
        %run_scoped3A = tpu.sem_alloc : memref<!tpu.dma_semaphore, #tpu.memory_space<semaphore_mem>>
        %dma_start3A = arith.constant 0 : i32
        %dma_start3A_40 = tpu.memref_slice %arg6[%add3A_38, %dma_start3A] : memref<20480x128xf32, #tpu.memory_space<hbm>> -> memref<128x128xf32, #tpu.memory_space<hbm>>
        %dma_start3A_41 = arith.constant 0 : i32
        %dma_start3A_42 = tpu.memref_slice %arg6[%add3A_38, %dma_start3A_41] : memref<20480x128xf32, #tpu.memory_space<hbm>> -> memref<128x128xf32, #tpu.memory_space<hbm>>
        tpu.enqueue_dma source(%arg9 : memref<128x128xf32, #tpu.memory_space<vmem>>) target(%dma_start3A_42 : memref<128x128xf32, #tpu.memory_space<hbm>>) target_semaphore(%run_scoped3A : memref<!tpu.dma_semaphore, #tpu.memory_space<semaphore_mem>>)
        %dma_wait3A = arith.constant 0 : i32
        %dma_wait3A_43 = tpu.memref_slice %arg6[%add3A_38, %dma_wait3A] : memref<20480x128xf32, #tpu.memory_space<hbm>> -> memref<128x128xf32, #tpu.memory_space<hbm>>
        %dma_wait3A_44 = arith.constant 0 : i32
        %dma_wait3A_45 = tpu.memref_slice %arg6[%add3A_38, %dma_wait3A_44] : memref<20480x128xf32, #tpu.memory_space<hbm>> -> memref<128x128xf32, #tpu.memory_space<hbm>>
        tpu.wait_dma2 semaphore(%run_scoped3A : memref<!tpu.dma_semaphore, #tpu.memory_space<semaphore_mem>>) src(%arg9 : memref<128x128xf32, #tpu.memory_space<vmem>>) dst(%dma_wait3A_45 : memref<128x128xf32, #tpu.memory_space<hbm>>)
        tpu.yield
      }) : () -> ()
      %scan3A_39 = arith.constant 0 : i32
      scf.yield %scan3A_39 : i32
    }
    %scan3A_29 = arith.constant 5 : i32
    return
  }
}

#map = affine_map<(d0, d1) -> (0, 0)>
module attributes {stable_mosaic.version = 14 : i64} {
  func.func @body(%arg0: i32, %arg1: i32, %arg2: memref<10240x128xf32, #tpu.memory_space<hbm>>, %arg3: memref<2560x128xi32, #tpu.memory_space<hbm>>, %arg4: memref<2560x128xi32, #tpu.memory_space<hbm>>, %arg5: memref<640x128xf32, #tpu.memory_space<hbm>>, %arg6: memref<20480x128xf32, #tpu.memory_space<hbm>>, %arg7: memref<40x128xi32, #tpu.memory_space<vmem>>, %arg8: memref<40x128xi32, #tpu.memory_space<vmem>>, %arg9: memref<128x128xf32, #tpu.memory_space<vmem>>, %arg10: memref<128x128xf32, #tpu.memory_space<vmem>>, %arg11: memref<10240x128xf32, #tpu.memory_space<vmem_shared>>, %arg12: memref<!tpu.dma_semaphore, #tpu.memory_space<semaphore_mem>>, %arg13: memref<!tpu.dma_semaphore, #tpu.memory_space<semaphore_mem>>, %arg14: memref<!tpu.dma_semaphore, #tpu.memory_space<semaphore_mem>>) attributes {dimension_semantics = [#tpu.dimension_semantics<core_parallel>, #tpu.dimension_semantics<subcore_parallel>], iteration_bounds = array<i64: 2, 16>, scalar_prefetch = 0 : i64, scratch_operands = 8 : i64, tpu.core_type = #tpu.core_type<sc_vector_subcore>, window_params = [{transform_indices = #map}, {transform_indices = #map}, {transform_indices = #map}, {transform_indices = #map}, {transform_indices = #map}]} {
    %mul3A = arith.constant 640 : i32
    %mul3A_0 = arith.muli %arg1, %mul3A : i32
    %scan3A = arith.constant 0 : i32
    %scan3A_1 = arith.constant 0 : i32
    %scan3A_2 = arith.constant 5 : i32
    %scan3A_3 = arith.addi %scan3A_1, %scan3A_2 : i32
    %scan3A_4 = arith.constant 1 : i32
    %scan3A_5 = scf.for %scan3A_30 = %scan3A_1 to %scan3A_3 step %scan3A_4 iter_args(%scan3A_31 = %scan3A) -> (i32)  : i32 {
      %mul3A_32 = arith.constant 128 : i32
      %mul3A_33 = arith.muli %scan3A_30, %mul3A_32 : i32
      "tpu.region"() ({
        %run_scoped3A = tpu.sem_alloc : memref<!tpu.dma_semaphore, #tpu.memory_space<semaphore_mem>>
        %dma_start3A = arith.constant 0 : i32
        %dma_start3A_36 = tpu.memref_slice %arg5[%mul3A_33, %dma_start3A] : memref<640x128xf32, #tpu.memory_space<hbm>> -> memref<128x128xf32, #tpu.memory_space<hbm>>
        %dma_start3A_37 = arith.constant 0 : i32
        %dma_start3A_38 = tpu.memref_slice %arg5[%mul3A_33, %dma_start3A_37] : memref<640x128xf32, #tpu.memory_space<hbm>> -> memref<128x128xf32, #tpu.memory_space<hbm>>
        tpu.enqueue_dma source(%dma_start3A_38 : memref<128x128xf32, #tpu.memory_space<hbm>>) target(%arg9 : memref<128x128xf32, #tpu.memory_space<vmem>>) target_semaphore(%run_scoped3A : memref<!tpu.dma_semaphore, #tpu.memory_space<semaphore_mem>>)
        %dma_wait3A = arith.constant 0 : i32
        %dma_wait3A_39 = tpu.memref_slice %arg5[%mul3A_33, %dma_wait3A] : memref<640x128xf32, #tpu.memory_space<hbm>> -> memref<128x128xf32, #tpu.memory_space<hbm>>
        %dma_wait3A_40 = arith.constant 0 : i32
        %dma_wait3A_41 = tpu.memref_slice %arg5[%mul3A_33, %dma_wait3A_40] : memref<640x128xf32, #tpu.memory_space<hbm>> -> memref<128x128xf32, #tpu.memory_space<hbm>>
        tpu.wait_dma2 semaphore(%run_scoped3A : memref<!tpu.dma_semaphore, #tpu.memory_space<semaphore_mem>>) src(%dma_wait3A_41 : memref<128x128xf32, #tpu.memory_space<hbm>>) dst(%arg9 : memref<128x128xf32, #tpu.memory_space<vmem>>)
        tpu.yield
      }) : () -> ()
      %add3A_34 = arith.addi %mul3A_0, %mul3A_33 : i32
      "tpu.region"() ({
        %run_scoped3A = tpu.sem_alloc : memref<!tpu.dma_semaphore, #tpu.memory_space<semaphore_mem>>
        %dma_start3A = arith.constant 0 : i32
        %dma_start3A_36 = tpu.memref_slice %arg11[%add3A_34, %dma_start3A] : memref<10240x128xf32, #tpu.memory_space<vmem_shared>> -> memref<128x128xf32, #tpu.memory_space<vmem_shared>>
        %dma_start3A_37 = arith.constant 0 : i32
        %dma_start3A_38 = tpu.memref_slice %arg11[%add3A_34, %dma_start3A_37] : memref<10240x128xf32, #tpu.memory_space<vmem_shared>> -> memref<128x128xf32, #tpu.memory_space<vmem_shared>>
        tpu.enqueue_dma source(%arg9 : memref<128x128xf32, #tpu.memory_space<vmem>>) target(%dma_start3A_38 : memref<128x128xf32, #tpu.memory_space<vmem_shared>>) target_semaphore(%run_scoped3A : memref<!tpu.dma_semaphore, #tpu.memory_space<semaphore_mem>>)
        %dma_wait3A = arith.constant 0 : i32
        %dma_wait3A_39 = tpu.memref_slice %arg11[%add3A_34, %dma_wait3A] : memref<10240x128xf32, #tpu.memory_space<vmem_shared>> -> memref<128x128xf32, #tpu.memory_space<vmem_shared>>
        %dma_wait3A_40 = arith.constant 0 : i32
        %dma_wait3A_41 = tpu.memref_slice %arg11[%add3A_34, %dma_wait3A_40] : memref<10240x128xf32, #tpu.memory_space<vmem_shared>> -> memref<128x128xf32, #tpu.memory_space<vmem_shared>>
        tpu.wait_dma2 semaphore(%run_scoped3A : memref<!tpu.dma_semaphore, #tpu.memory_space<semaphore_mem>>) src(%arg9 : memref<128x128xf32, #tpu.memory_space<vmem>>) dst(%dma_wait3A_41 : memref<128x128xf32, #tpu.memory_space<vmem_shared>>)
        tpu.yield
      }) : () -> ()
      %scan3A_35 = arith.constant 0 : i32
      scf.yield %scan3A_35 : i32
    }
    %scan3A_6 = arith.constant 5 : i32
    %barrier3A = arith.constant 0 : index
    tpu.barrier barrier_id(%barrier3A)
    %mul3A_7 = arith.constant 2 : i32
    %mul3A_8 = arith.muli %arg1, %mul3A_7 : i32
    %add3A = arith.addi %mul3A_8, %arg0 : i32
    %eq3A = arith.constant 0 : i32
    %eq3A_9 = arith.cmpi eq, %arg0, %eq3A : i32
    %jit3A = arith.constant 3 : i32
    %jit3A_10 = arith.constant 1 : i32
    %select_n3A = arith.select %eq3A_9, %jit3A, %jit3A_10 : i32
    %while3A = arith.constant 0 : i32
    %while3A_11 = arith.constant 0 : i32
    %while3A_12 = arith.subi %select_n3A, %while3A : i32
    %while3A_13 = arith.addi %while3A, %while3A_12 : i32
    %while3A_14 = arith.constant 1 : i32
    %while3A_15 = arith.divsi %while3A_12, %while3A_14 : i32
    %while3A_16 = arith.muli %while3A_15, %while3A_14 : i32
    %while3A_17 = arith.addi %while3A, %while3A_16 : i32
    %while3A_18 = arith.constant 1 : i32
    %while3A_19 = scf.for %while3A_30 = %while3A to %while3A_17 step %while3A_18 iter_args(%while3A_31 = %while3A_11) -> (i32)  : i32 {
      %mul3A_32 = arith.constant 160 : i32
      %mul3A_33 = arith.muli %arg1, %mul3A_32 : i32
      %mul3A_34 = arith.constant 120 : i32
      %mul3A_35 = arith.muli %arg0, %mul3A_34 : i32
      %add3A_36 = arith.addi %mul3A_33, %mul3A_35 : i32
      %mul3A_37 = arith.constant 40 : i32
      %mul3A_38 = arith.muli %while3A_30, %mul3A_37 : i32
      %add3A_39 = arith.addi %add3A_36, %mul3A_38 : i32
      "tpu.region"() ({
        %run_scoped3A = tpu.sem_alloc : memref<!tpu.dma_semaphore, #tpu.memory_space<semaphore_mem>>
        %dma_start3A_54 = arith.constant 0 : i32
        %dma_start3A_55 = tpu.memref_slice %arg4[%add3A_39, %dma_start3A_54] : memref<2560x128xi32, #tpu.memory_space<hbm>> -> memref<40x128xi32, #tpu.memory_space<hbm>>
        %dma_start3A_56 = arith.constant 0 : i32
        %dma_start3A_57 = tpu.memref_slice %arg4[%add3A_39, %dma_start3A_56] : memref<2560x128xi32, #tpu.memory_space<hbm>> -> memref<40x128xi32, #tpu.memory_space<hbm>>
        tpu.enqueue_dma source(%dma_start3A_57 : memref<40x128xi32, #tpu.memory_space<hbm>>) target(%arg7 : memref<40x128xi32, #tpu.memory_space<vmem>>) target_semaphore(%run_scoped3A : memref<!tpu.dma_semaphore, #tpu.memory_space<semaphore_mem>>)
        %dma_wait3A = arith.constant 0 : i32
        %dma_wait3A_58 = tpu.memref_slice %arg4[%add3A_39, %dma_wait3A] : memref<2560x128xi32, #tpu.memory_space<hbm>> -> memref<40x128xi32, #tpu.memory_space<hbm>>
        %dma_wait3A_59 = arith.constant 0 : i32
        %dma_wait3A_60 = tpu.memref_slice %arg4[%add3A_39, %dma_wait3A_59] : memref<2560x128xi32, #tpu.memory_space<hbm>> -> memref<40x128xi32, #tpu.memory_space<hbm>>
        tpu.wait_dma2 semaphore(%run_scoped3A : memref<!tpu.dma_semaphore, #tpu.memory_space<semaphore_mem>>) src(%dma_wait3A_60 : memref<40x128xi32, #tpu.memory_space<hbm>>) dst(%arg7 : memref<40x128xi32, #tpu.memory_space<vmem>>)
        tpu.yield
      }) : () -> ()
      "tpu.region"() ({
        %run_scoped3A = tpu.sem_alloc : memref<!tpu.dma_semaphore, #tpu.memory_space<semaphore_mem>>
        %dma_start3A_54 = arith.constant 0 : i32
        %dma_start3A_55 = tpu.memref_slice %arg3[%add3A_39, %dma_start3A_54] : memref<2560x128xi32, #tpu.memory_space<hbm>> -> memref<40x128xi32, #tpu.memory_space<hbm>>
        %dma_start3A_56 = arith.constant 0 : i32
        %dma_start3A_57 = tpu.memref_slice %arg3[%add3A_39, %dma_start3A_56] : memref<2560x128xi32, #tpu.memory_space<hbm>> -> memref<40x128xi32, #tpu.memory_space<hbm>>
        tpu.enqueue_dma source(%dma_start3A_57 : memref<40x128xi32, #tpu.memory_space<hbm>>) target(%arg8 : memref<40x128xi32, #tpu.memory_space<vmem>>) target_semaphore(%run_scoped3A : memref<!tpu.dma_semaphore, #tpu.memory_space<semaphore_mem>>)
        %dma_wait3A = arith.constant 0 : i32
        %dma_wait3A_58 = tpu.memref_slice %arg3[%add3A_39, %dma_wait3A] : memref<2560x128xi32, #tpu.memory_space<hbm>> -> memref<40x128xi32, #tpu.memory_space<hbm>>
        %dma_wait3A_59 = arith.constant 0 : i32
        %dma_wait3A_60 = tpu.memref_slice %arg3[%add3A_39, %dma_wait3A_59] : memref<2560x128xi32, #tpu.memory_space<hbm>> -> memref<40x128xi32, #tpu.memory_space<hbm>>
        tpu.wait_dma2 semaphore(%run_scoped3A : memref<!tpu.dma_semaphore, #tpu.memory_space<semaphore_mem>>) src(%dma_wait3A_60 : memref<40x128xi32, #tpu.memory_space<hbm>>) dst(%arg8 : memref<40x128xi32, #tpu.memory_space<vmem>>)
        tpu.yield
      }) : () -> ()
      %dma_start3A = arith.constant 0 : i32
      %dma_start3A_40 = arith.constant 0 : i32
      %dma_start3A_41 = tpu.memref_slice %arg8[%dma_start3A, %dma_start3A_40] : memref<40x128xi32, #tpu.memory_space<vmem>> -> memref<1x128xi32, #tpu.memory_space<vmem>>
      %dma_start3A_42 = tpu.memref_squeeze %dma_start3A_41 : memref<1x128xi32, #tpu.memory_space<vmem>> -> memref<128xi32, #tpu.memory_space<vmem>>
      %dma_start3A_43 = arith.constant 0 : i32
      %dma_start3A_44 = arith.constant 0 : i32
      %dma_start3A_45 = tpu.memref_slice %arg2[%dma_start3A_43, %dma_start3A_44] : memref<10240x128xf32, #tpu.memory_space<hbm>> -> memref<10240x128xf32, #tpu.memory_space<hbm>>
      tpu.enqueue_indirect_dma source(%dma_start3A_45 : memref<10240x128xf32, #tpu.memory_space<hbm>>) target(%arg9 : memref<128x128xf32, #tpu.memory_space<vmem>>) offsets(%dma_start3A_42 : memref<128xi32, #tpu.memory_space<vmem>>) semaphore(%arg12 : memref<!tpu.dma_semaphore, #tpu.memory_space<semaphore_mem>>)
      %scan3A_46 = arith.constant 0 : i32
      %scan3A_47 = arith.constant 0 : i32
      %scan3A_48 = arith.constant 20 : i32
      %scan3A_49 = arith.addi %scan3A_47, %scan3A_48 : i32
      %scan3A_50 = arith.constant 1 : i32
      %scan3A_51 = scf.for %scan3A_54 = %scan3A_47 to %scan3A_49 step %scan3A_50 iter_args(%scan3A_55 = %scan3A_46) -> (i32)  : i32 {
        %mul3A_56 = arith.constant 2 : i32
        %mul3A_57 = arith.muli %mul3A_56, %scan3A_54 : i32
        %dma_wait3A = arith.constant 0 : i32
        %dma_wait3A_58 = arith.constant 0 : i32
        %dma_wait3A_59 = tpu.memref_slice %arg8[%dma_wait3A, %dma_wait3A_58] : memref<40x128xi32, #tpu.memory_space<vmem>> -> memref<1x128xi32, #tpu.memory_space<vmem>>
        %dma_wait3A_60 = tpu.memref_squeeze %dma_wait3A_59 : memref<1x128xi32, #tpu.memory_space<vmem>> -> memref<128xi32, #tpu.memory_space<vmem>>
        %dma_wait3A_61 = arith.constant 0 : i32
        %dma_wait3A_62 = arith.constant 0 : i32
        %dma_wait3A_63 = tpu.memref_slice %arg2[%dma_wait3A_61, %dma_wait3A_62] : memref<10240x128xf32, #tpu.memory_space<hbm>> -> memref<10240x128xf32, #tpu.memory_space<hbm>>
        tpu.wait_indirect_dma semaphore(%arg12 : memref<!tpu.dma_semaphore, #tpu.memory_space<semaphore_mem>>) src(%dma_wait3A_63 : memref<10240x128xf32, #tpu.memory_space<hbm>>) dst(%arg9 : memref<128x128xf32, #tpu.memory_space<vmem>>)
        %add3A_64 = arith.constant 1 : i32
        %add3A_65 = arith.addi %mul3A_57, %add3A_64 : i32
        %dma_start3A_66 = arith.constant 0 : i32
        %dma_start3A_67 = tpu.memref_slice %arg8[%add3A_65, %dma_start3A_66] : memref<40x128xi32, #tpu.memory_space<vmem>> -> memref<1x128xi32, #tpu.memory_space<vmem>>
        %dma_start3A_68 = tpu.memref_squeeze %dma_start3A_67 : memref<1x128xi32, #tpu.memory_space<vmem>> -> memref<128xi32, #tpu.memory_space<vmem>>
        %dma_start3A_69 = arith.constant 0 : i32
        %dma_start3A_70 = arith.constant 0 : i32
        %dma_start3A_71 = tpu.memref_slice %arg2[%dma_start3A_69, %dma_start3A_70] : memref<10240x128xf32, #tpu.memory_space<hbm>> -> memref<10240x128xf32, #tpu.memory_space<hbm>>
        tpu.enqueue_indirect_dma source(%dma_start3A_71 : memref<10240x128xf32, #tpu.memory_space<hbm>>) target(%arg10 : memref<128x128xf32, #tpu.memory_space<vmem>>) offsets(%dma_start3A_68 : memref<128xi32, #tpu.memory_space<vmem>>) semaphore(%arg13 : memref<!tpu.dma_semaphore, #tpu.memory_space<semaphore_mem>>)
        %dma_start3A_72 = arith.constant 0 : i32
        %dma_start3A_73 = tpu.memref_slice %arg7[%mul3A_57, %dma_start3A_72] : memref<40x128xi32, #tpu.memory_space<vmem>> -> memref<1x128xi32, #tpu.memory_space<vmem>>
        %dma_start3A_74 = tpu.memref_squeeze %dma_start3A_73 : memref<1x128xi32, #tpu.memory_space<vmem>> -> memref<128xi32, #tpu.memory_space<vmem>>
        %dma_start3A_75 = arith.constant 0 : i32
        %dma_start3A_76 = arith.constant 0 : i32
        %dma_start3A_77 = tpu.memref_slice %arg11[%dma_start3A_75, %dma_start3A_76] : memref<10240x128xf32, #tpu.memory_space<vmem_shared>> -> memref<10240x128xf32, #tpu.memory_space<vmem_shared>>
        tpu.enqueue_indirect_dma source(%arg9 : memref<128x128xf32, #tpu.memory_space<vmem>>) target(%dma_start3A_77 : memref<10240x128xf32, #tpu.memory_space<vmem_shared>>) offsets(%dma_start3A_74 : memref<128xi32, #tpu.memory_space<vmem>>) semaphore(%arg14 : memref<!tpu.dma_semaphore, #tpu.memory_space<semaphore_mem>>) {add = true}
        %dma_wait3A_78 = arith.constant 0 : i32
        %dma_wait3A_79 = tpu.memref_slice %arg7[%mul3A_57, %dma_wait3A_78] : memref<40x128xi32, #tpu.memory_space<vmem>> -> memref<1x128xi32, #tpu.memory_space<vmem>>
        %dma_wait3A_80 = tpu.memref_squeeze %dma_wait3A_79 : memref<1x128xi32, #tpu.memory_space<vmem>> -> memref<128xi32, #tpu.memory_space<vmem>>
        %dma_wait3A_81 = arith.constant 0 : i32
        %dma_wait3A_82 = arith.constant 0 : i32
        %dma_wait3A_83 = tpu.memref_slice %arg11[%dma_wait3A_81, %dma_wait3A_82] : memref<10240x128xf32, #tpu.memory_space<vmem_shared>> -> memref<10240x128xf32, #tpu.memory_space<vmem_shared>>
        tpu.wait_indirect_dma semaphore(%arg14 : memref<!tpu.dma_semaphore, #tpu.memory_space<semaphore_mem>>) src(%arg9 : memref<128x128xf32, #tpu.memory_space<vmem>>) dst(%dma_wait3A_83 : memref<10240x128xf32, #tpu.memory_space<vmem_shared>>)
        %dma_wait3A_84 = arith.constant 0 : i32
        %dma_wait3A_85 = arith.constant 0 : i32
        %dma_wait3A_86 = tpu.memref_slice %arg8[%dma_wait3A_84, %dma_wait3A_85] : memref<40x128xi32, #tpu.memory_space<vmem>> -> memref<1x128xi32, #tpu.memory_space<vmem>>
        %dma_wait3A_87 = tpu.memref_squeeze %dma_wait3A_86 : memref<1x128xi32, #tpu.memory_space<vmem>> -> memref<128xi32, #tpu.memory_space<vmem>>
        %dma_wait3A_88 = arith.constant 0 : i32
        %dma_wait3A_89 = arith.constant 0 : i32
        %dma_wait3A_90 = tpu.memref_slice %arg2[%dma_wait3A_88, %dma_wait3A_89] : memref<10240x128xf32, #tpu.memory_space<hbm>> -> memref<10240x128xf32, #tpu.memory_space<hbm>>
        tpu.wait_indirect_dma semaphore(%arg13 : memref<!tpu.dma_semaphore, #tpu.memory_space<semaphore_mem>>) src(%dma_wait3A_90 : memref<10240x128xf32, #tpu.memory_space<hbm>>) dst(%arg10 : memref<128x128xf32, #tpu.memory_space<vmem>>)
        %lt3A = arith.constant 19 : i32
        %lt3A_91 = arith.cmpi slt, %scan3A_54, %lt3A : i32
        %convert_element_type3A = arith.extui %lt3A_91 : i1 to i32
        %cond3A = arith.constant 0 : i32
        %cond3A_92 = arith.cmpi ne, %convert_element_type3A, %cond3A : i32
        scf.if %cond3A_92 {
          %add3A_108 = arith.constant 2 : i32
          %add3A_109 = arith.addi %mul3A_57, %add3A_108 : i32
          %dma_start3A_110 = arith.constant 0 : i32
          %dma_start3A_111 = tpu.memref_slice %arg8[%add3A_109, %dma_start3A_110] : memref<40x128xi32, #tpu.memory_space<vmem>> -> memref<1x128xi32, #tpu.memory_space<vmem>>
          %dma_start3A_112 = tpu.memref_squeeze %dma_start3A_111 : memref<1x128xi32, #tpu.memory_space<vmem>> -> memref<128xi32, #tpu.memory_space<vmem>>
          %dma_start3A_113 = arith.constant 0 : i32
          %dma_start3A_114 = arith.constant 0 : i32
          %dma_start3A_115 = tpu.memref_slice %arg2[%dma_start3A_113, %dma_start3A_114] : memref<10240x128xf32, #tpu.memory_space<hbm>> -> memref<10240x128xf32, #tpu.memory_space<hbm>>
          tpu.enqueue_indirect_dma source(%dma_start3A_115 : memref<10240x128xf32, #tpu.memory_space<hbm>>) target(%arg9 : memref<128x128xf32, #tpu.memory_space<vmem>>) offsets(%dma_start3A_112 : memref<128xi32, #tpu.memory_space<vmem>>) semaphore(%arg12 : memref<!tpu.dma_semaphore, #tpu.memory_space<semaphore_mem>>)
        } else {
        }
        %add3A_93 = arith.constant 1 : i32
        %add3A_94 = arith.addi %mul3A_57, %add3A_93 : i32
        %dma_start3A_95 = arith.constant 0 : i32
        %dma_start3A_96 = tpu.memref_slice %arg7[%add3A_94, %dma_start3A_95] : memref<40x128xi32, #tpu.memory_space<vmem>> -> memref<1x128xi32, #tpu.memory_space<vmem>>
        %dma_start3A_97 = tpu.memref_squeeze %dma_start3A_96 : memref<1x128xi32, #tpu.memory_space<vmem>> -> memref<128xi32, #tpu.memory_space<vmem>>
        %dma_start3A_98 = arith.constant 0 : i32
        %dma_start3A_99 = arith.constant 0 : i32
        %dma_start3A_100 = tpu.memref_slice %arg11[%dma_start3A_98, %dma_start3A_99] : memref<10240x128xf32, #tpu.memory_space<vmem_shared>> -> memref<10240x128xf32, #tpu.memory_space<vmem_shared>>
        tpu.enqueue_indirect_dma source(%arg10 : memref<128x128xf32, #tpu.memory_space<vmem>>) target(%dma_start3A_100 : memref<10240x128xf32, #tpu.memory_space<vmem_shared>>) offsets(%dma_start3A_97 : memref<128xi32, #tpu.memory_space<vmem>>) semaphore(%arg14 : memref<!tpu.dma_semaphore, #tpu.memory_space<semaphore_mem>>) {add = true}
        %dma_wait3A_101 = arith.constant 0 : i32
        %dma_wait3A_102 = tpu.memref_slice %arg7[%add3A_94, %dma_wait3A_101] : memref<40x128xi32, #tpu.memory_space<vmem>> -> memref<1x128xi32, #tpu.memory_space<vmem>>
        %dma_wait3A_103 = tpu.memref_squeeze %dma_wait3A_102 : memref<1x128xi32, #tpu.memory_space<vmem>> -> memref<128xi32, #tpu.memory_space<vmem>>
        %dma_wait3A_104 = arith.constant 0 : i32
        %dma_wait3A_105 = arith.constant 0 : i32
        %dma_wait3A_106 = tpu.memref_slice %arg11[%dma_wait3A_104, %dma_wait3A_105] : memref<10240x128xf32, #tpu.memory_space<vmem_shared>> -> memref<10240x128xf32, #tpu.memory_space<vmem_shared>>
        tpu.wait_indirect_dma semaphore(%arg14 : memref<!tpu.dma_semaphore, #tpu.memory_space<semaphore_mem>>) src(%arg10 : memref<128x128xf32, #tpu.memory_space<vmem>>) dst(%dma_wait3A_106 : memref<10240x128xf32, #tpu.memory_space<vmem_shared>>)
        %scan3A_107 = arith.constant 0 : i32
        scf.yield %scan3A_107 : i32
      }
      %scan3A_52 = arith.constant 20 : i32
      %while3A_53 = arith.constant 0 : i32
      scf.yield %while3A_53 : i32
    }
    %while3A_20 = arith.constant 1 : i32
    %while3A_21 = scf.for %while3A_30 = %while3A_17 to %while3A_13 step %while3A_20 iter_args(%while3A_31 = %while3A_19) -> (i32)  : i32 {
      %mul3A_32 = arith.constant 160 : i32
      %mul3A_33 = arith.muli %arg1, %mul3A_32 : i32
      %mul3A_34 = arith.constant 120 : i32
      %mul3A_35 = arith.muli %arg0, %mul3A_34 : i32
      %add3A_36 = arith.addi %mul3A_33, %mul3A_35 : i32
      %mul3A_37 = arith.constant 40 : i32
      %mul3A_38 = arith.muli %while3A_30, %mul3A_37 : i32
      %add3A_39 = arith.addi %add3A_36, %mul3A_38 : i32
      "tpu.region"() ({
        %run_scoped3A = tpu.sem_alloc : memref<!tpu.dma_semaphore, #tpu.memory_space<semaphore_mem>>
        %dma_start3A_54 = arith.constant 0 : i32
        %dma_start3A_55 = tpu.memref_slice %arg4[%add3A_39, %dma_start3A_54] : memref<2560x128xi32, #tpu.memory_space<hbm>> -> memref<40x128xi32, #tpu.memory_space<hbm>>
        %dma_start3A_56 = arith.constant 0 : i32
        %dma_start3A_57 = tpu.memref_slice %arg4[%add3A_39, %dma_start3A_56] : memref<2560x128xi32, #tpu.memory_space<hbm>> -> memref<40x128xi32, #tpu.memory_space<hbm>>
        tpu.enqueue_dma source(%dma_start3A_57 : memref<40x128xi32, #tpu.memory_space<hbm>>) target(%arg7 : memref<40x128xi32, #tpu.memory_space<vmem>>) target_semaphore(%run_scoped3A : memref<!tpu.dma_semaphore, #tpu.memory_space<semaphore_mem>>)
        %dma_wait3A = arith.constant 0 : i32
        %dma_wait3A_58 = tpu.memref_slice %arg4[%add3A_39, %dma_wait3A] : memref<2560x128xi32, #tpu.memory_space<hbm>> -> memref<40x128xi32, #tpu.memory_space<hbm>>
        %dma_wait3A_59 = arith.constant 0 : i32
        %dma_wait3A_60 = tpu.memref_slice %arg4[%add3A_39, %dma_wait3A_59] : memref<2560x128xi32, #tpu.memory_space<hbm>> -> memref<40x128xi32, #tpu.memory_space<hbm>>
        tpu.wait_dma2 semaphore(%run_scoped3A : memref<!tpu.dma_semaphore, #tpu.memory_space<semaphore_mem>>) src(%dma_wait3A_60 : memref<40x128xi32, #tpu.memory_space<hbm>>) dst(%arg7 : memref<40x128xi32, #tpu.memory_space<vmem>>)
        tpu.yield
      }) : () -> ()
      "tpu.region"() ({
        %run_scoped3A = tpu.sem_alloc : memref<!tpu.dma_semaphore, #tpu.memory_space<semaphore_mem>>
        %dma_start3A_54 = arith.constant 0 : i32
        %dma_start3A_55 = tpu.memref_slice %arg3[%add3A_39, %dma_start3A_54] : memref<2560x128xi32, #tpu.memory_space<hbm>> -> memref<40x128xi32, #tpu.memory_space<hbm>>
        %dma_start3A_56 = arith.constant 0 : i32
        %dma_start3A_57 = tpu.memref_slice %arg3[%add3A_39, %dma_start3A_56] : memref<2560x128xi32, #tpu.memory_space<hbm>> -> memref<40x128xi32, #tpu.memory_space<hbm>>
        tpu.enqueue_dma source(%dma_start3A_57 : memref<40x128xi32, #tpu.memory_space<hbm>>) target(%arg8 : memref<40x128xi32, #tpu.memory_space<vmem>>) target_semaphore(%run_scoped3A : memref<!tpu.dma_semaphore, #tpu.memory_space<semaphore_mem>>)
        %dma_wait3A = arith.constant 0 : i32
        %dma_wait3A_58 = tpu.memref_slice %arg3[%add3A_39, %dma_wait3A] : memref<2560x128xi32, #tpu.memory_space<hbm>> -> memref<40x128xi32, #tpu.memory_space<hbm>>
        %dma_wait3A_59 = arith.constant 0 : i32
        %dma_wait3A_60 = tpu.memref_slice %arg3[%add3A_39, %dma_wait3A_59] : memref<2560x128xi32, #tpu.memory_space<hbm>> -> memref<40x128xi32, #tpu.memory_space<hbm>>
        tpu.wait_dma2 semaphore(%run_scoped3A : memref<!tpu.dma_semaphore, #tpu.memory_space<semaphore_mem>>) src(%dma_wait3A_60 : memref<40x128xi32, #tpu.memory_space<hbm>>) dst(%arg8 : memref<40x128xi32, #tpu.memory_space<vmem>>)
        tpu.yield
      }) : () -> ()
      %dma_start3A = arith.constant 0 : i32
      %dma_start3A_40 = arith.constant 0 : i32
      %dma_start3A_41 = tpu.memref_slice %arg8[%dma_start3A, %dma_start3A_40] : memref<40x128xi32, #tpu.memory_space<vmem>> -> memref<1x128xi32, #tpu.memory_space<vmem>>
      %dma_start3A_42 = tpu.memref_squeeze %dma_start3A_41 : memref<1x128xi32, #tpu.memory_space<vmem>> -> memref<128xi32, #tpu.memory_space<vmem>>
      %dma_start3A_43 = arith.constant 0 : i32
      %dma_start3A_44 = arith.constant 0 : i32
      %dma_start3A_45 = tpu.memref_slice %arg2[%dma_start3A_43, %dma_start3A_44] : memref<10240x128xf32, #tpu.memory_space<hbm>> -> memref<10240x128xf32, #tpu.memory_space<hbm>>
      tpu.enqueue_indirect_dma source(%dma_start3A_45 : memref<10240x128xf32, #tpu.memory_space<hbm>>) target(%arg9 : memref<128x128xf32, #tpu.memory_space<vmem>>) offsets(%dma_start3A_42 : memref<128xi32, #tpu.memory_space<vmem>>) semaphore(%arg12 : memref<!tpu.dma_semaphore, #tpu.memory_space<semaphore_mem>>)
      %scan3A_46 = arith.constant 0 : i32
      %scan3A_47 = arith.constant 0 : i32
      %scan3A_48 = arith.constant 20 : i32
      %scan3A_49 = arith.addi %scan3A_47, %scan3A_48 : i32
      %scan3A_50 = arith.constant 1 : i32
      %scan3A_51 = scf.for %scan3A_54 = %scan3A_47 to %scan3A_49 step %scan3A_50 iter_args(%scan3A_55 = %scan3A_46) -> (i32)  : i32 {
        %mul3A_56 = arith.constant 2 : i32
        %mul3A_57 = arith.muli %mul3A_56, %scan3A_54 : i32
        %dma_wait3A = arith.constant 0 : i32
        %dma_wait3A_58 = arith.constant 0 : i32
        %dma_wait3A_59 = tpu.memref_slice %arg8[%dma_wait3A, %dma_wait3A_58] : memref<40x128xi32, #tpu.memory_space<vmem>> -> memref<1x128xi32, #tpu.memory_space<vmem>>
        %dma_wait3A_60 = tpu.memref_squeeze %dma_wait3A_59 : memref<1x128xi32, #tpu.memory_space<vmem>> -> memref<128xi32, #tpu.memory_space<vmem>>
        %dma_wait3A_61 = arith.constant 0 : i32
        %dma_wait3A_62 = arith.constant 0 : i32
        %dma_wait3A_63 = tpu.memref_slice %arg2[%dma_wait3A_61, %dma_wait3A_62] : memref<10240x128xf32, #tpu.memory_space<hbm>> -> memref<10240x128xf32, #tpu.memory_space<hbm>>
        tpu.wait_indirect_dma semaphore(%arg12 : memref<!tpu.dma_semaphore, #tpu.memory_space<semaphore_mem>>) src(%dma_wait3A_63 : memref<10240x128xf32, #tpu.memory_space<hbm>>) dst(%arg9 : memref<128x128xf32, #tpu.memory_space<vmem>>)
        %add3A_64 = arith.constant 1 : i32
        %add3A_65 = arith.addi %mul3A_57, %add3A_64 : i32
        %dma_start3A_66 = arith.constant 0 : i32
        %dma_start3A_67 = tpu.memref_slice %arg8[%add3A_65, %dma_start3A_66] : memref<40x128xi32, #tpu.memory_space<vmem>> -> memref<1x128xi32, #tpu.memory_space<vmem>>
        %dma_start3A_68 = tpu.memref_squeeze %dma_start3A_67 : memref<1x128xi32, #tpu.memory_space<vmem>> -> memref<128xi32, #tpu.memory_space<vmem>>
        %dma_start3A_69 = arith.constant 0 : i32
        %dma_start3A_70 = arith.constant 0 : i32
        %dma_start3A_71 = tpu.memref_slice %arg2[%dma_start3A_69, %dma_start3A_70] : memref<10240x128xf32, #tpu.memory_space<hbm>> -> memref<10240x128xf32, #tpu.memory_space<hbm>>
        tpu.enqueue_indirect_dma source(%dma_start3A_71 : memref<10240x128xf32, #tpu.memory_space<hbm>>) target(%arg10 : memref<128x128xf32, #tpu.memory_space<vmem>>) offsets(%dma_start3A_68 : memref<128xi32, #tpu.memory_space<vmem>>) semaphore(%arg13 : memref<!tpu.dma_semaphore, #tpu.memory_space<semaphore_mem>>)
        %dma_start3A_72 = arith.constant 0 : i32
        %dma_start3A_73 = tpu.memref_slice %arg7[%mul3A_57, %dma_start3A_72] : memref<40x128xi32, #tpu.memory_space<vmem>> -> memref<1x128xi32, #tpu.memory_space<vmem>>
        %dma_start3A_74 = tpu.memref_squeeze %dma_start3A_73 : memref<1x128xi32, #tpu.memory_space<vmem>> -> memref<128xi32, #tpu.memory_space<vmem>>
        %dma_start3A_75 = arith.constant 0 : i32
        %dma_start3A_76 = arith.constant 0 : i32
        %dma_start3A_77 = tpu.memref_slice %arg11[%dma_start3A_75, %dma_start3A_76] : memref<10240x128xf32, #tpu.memory_space<vmem_shared>> -> memref<10240x128xf32, #tpu.memory_space<vmem_shared>>
        tpu.enqueue_indirect_dma source(%arg9 : memref<128x128xf32, #tpu.memory_space<vmem>>) target(%dma_start3A_77 : memref<10240x128xf32, #tpu.memory_space<vmem_shared>>) offsets(%dma_start3A_74 : memref<128xi32, #tpu.memory_space<vmem>>) semaphore(%arg14 : memref<!tpu.dma_semaphore, #tpu.memory_space<semaphore_mem>>) {add = true}
        %dma_wait3A_78 = arith.constant 0 : i32
        %dma_wait3A_79 = tpu.memref_slice %arg7[%mul3A_57, %dma_wait3A_78] : memref<40x128xi32, #tpu.memory_space<vmem>> -> memref<1x128xi32, #tpu.memory_space<vmem>>
        %dma_wait3A_80 = tpu.memref_squeeze %dma_wait3A_79 : memref<1x128xi32, #tpu.memory_space<vmem>> -> memref<128xi32, #tpu.memory_space<vmem>>
        %dma_wait3A_81 = arith.constant 0 : i32
        %dma_wait3A_82 = arith.constant 0 : i32
        %dma_wait3A_83 = tpu.memref_slice %arg11[%dma_wait3A_81, %dma_wait3A_82] : memref<10240x128xf32, #tpu.memory_space<vmem_shared>> -> memref<10240x128xf32, #tpu.memory_space<vmem_shared>>
        tpu.wait_indirect_dma semaphore(%arg14 : memref<!tpu.dma_semaphore, #tpu.memory_space<semaphore_mem>>) src(%arg9 : memref<128x128xf32, #tpu.memory_space<vmem>>) dst(%dma_wait3A_83 : memref<10240x128xf32, #tpu.memory_space<vmem_shared>>)
        %dma_wait3A_84 = arith.constant 0 : i32
        %dma_wait3A_85 = arith.constant 0 : i32
        %dma_wait3A_86 = tpu.memref_slice %arg8[%dma_wait3A_84, %dma_wait3A_85] : memref<40x128xi32, #tpu.memory_space<vmem>> -> memref<1x128xi32, #tpu.memory_space<vmem>>
        %dma_wait3A_87 = tpu.memref_squeeze %dma_wait3A_86 : memref<1x128xi32, #tpu.memory_space<vmem>> -> memref<128xi32, #tpu.memory_space<vmem>>
        %dma_wait3A_88 = arith.constant 0 : i32
        %dma_wait3A_89 = arith.constant 0 : i32
        %dma_wait3A_90 = tpu.memref_slice %arg2[%dma_wait3A_88, %dma_wait3A_89] : memref<10240x128xf32, #tpu.memory_space<hbm>> -> memref<10240x128xf32, #tpu.memory_space<hbm>>
        tpu.wait_indirect_dma semaphore(%arg13 : memref<!tpu.dma_semaphore, #tpu.memory_space<semaphore_mem>>) src(%dma_wait3A_90 : memref<10240x128xf32, #tpu.memory_space<hbm>>) dst(%arg10 : memref<128x128xf32, #tpu.memory_space<vmem>>)
        %lt3A = arith.constant 19 : i32
        %lt3A_91 = arith.cmpi slt, %scan3A_54, %lt3A : i32
        %convert_element_type3A = arith.extui %lt3A_91 : i1 to i32
        %cond3A = arith.constant 0 : i32
        %cond3A_92 = arith.cmpi ne, %convert_element_type3A, %cond3A : i32
        scf.if %cond3A_92 {
          %add3A_108 = arith.constant 2 : i32
          %add3A_109 = arith.addi %mul3A_57, %add3A_108 : i32
          %dma_start3A_110 = arith.constant 0 : i32
          %dma_start3A_111 = tpu.memref_slice %arg8[%add3A_109, %dma_start3A_110] : memref<40x128xi32, #tpu.memory_space<vmem>> -> memref<1x128xi32, #tpu.memory_space<vmem>>
          %dma_start3A_112 = tpu.memref_squeeze %dma_start3A_111 : memref<1x128xi32, #tpu.memory_space<vmem>> -> memref<128xi32, #tpu.memory_space<vmem>>
          %dma_start3A_113 = arith.constant 0 : i32
          %dma_start3A_114 = arith.constant 0 : i32
          %dma_start3A_115 = tpu.memref_slice %arg2[%dma_start3A_113, %dma_start3A_114] : memref<10240x128xf32, #tpu.memory_space<hbm>> -> memref<10240x128xf32, #tpu.memory_space<hbm>>
          tpu.enqueue_indirect_dma source(%dma_start3A_115 : memref<10240x128xf32, #tpu.memory_space<hbm>>) target(%arg9 : memref<128x128xf32, #tpu.memory_space<vmem>>) offsets(%dma_start3A_112 : memref<128xi32, #tpu.memory_space<vmem>>) semaphore(%arg12 : memref<!tpu.dma_semaphore, #tpu.memory_space<semaphore_mem>>)
        } else {
        }
        %add3A_93 = arith.constant 1 : i32
        %add3A_94 = arith.addi %mul3A_57, %add3A_93 : i32
        %dma_start3A_95 = arith.constant 0 : i32
        %dma_start3A_96 = tpu.memref_slice %arg7[%add3A_94, %dma_start3A_95] : memref<40x128xi32, #tpu.memory_space<vmem>> -> memref<1x128xi32, #tpu.memory_space<vmem>>
        %dma_start3A_97 = tpu.memref_squeeze %dma_start3A_96 : memref<1x128xi32, #tpu.memory_space<vmem>> -> memref<128xi32, #tpu.memory_space<vmem>>
        %dma_start3A_98 = arith.constant 0 : i32
        %dma_start3A_99 = arith.constant 0 : i32
        %dma_start3A_100 = tpu.memref_slice %arg11[%dma_start3A_98, %dma_start3A_99] : memref<10240x128xf32, #tpu.memory_space<vmem_shared>> -> memref<10240x128xf32, #tpu.memory_space<vmem_shared>>
        tpu.enqueue_indirect_dma source(%arg10 : memref<128x128xf32, #tpu.memory_space<vmem>>) target(%dma_start3A_100 : memref<10240x128xf32, #tpu.memory_space<vmem_shared>>) offsets(%dma_start3A_97 : memref<128xi32, #tpu.memory_space<vmem>>) semaphore(%arg14 : memref<!tpu.dma_semaphore, #tpu.memory_space<semaphore_mem>>) {add = true}
        %dma_wait3A_101 = arith.constant 0 : i32
        %dma_wait3A_102 = tpu.memref_slice %arg7[%add3A_94, %dma_wait3A_101] : memref<40x128xi32, #tpu.memory_space<vmem>> -> memref<1x128xi32, #tpu.memory_space<vmem>>
        %dma_wait3A_103 = tpu.memref_squeeze %dma_wait3A_102 : memref<1x128xi32, #tpu.memory_space<vmem>> -> memref<128xi32, #tpu.memory_space<vmem>>
        %dma_wait3A_104 = arith.constant 0 : i32
        %dma_wait3A_105 = arith.constant 0 : i32
        %dma_wait3A_106 = tpu.memref_slice %arg11[%dma_wait3A_104, %dma_wait3A_105] : memref<10240x128xf32, #tpu.memory_space<vmem_shared>> -> memref<10240x128xf32, #tpu.memory_space<vmem_shared>>
        tpu.wait_indirect_dma semaphore(%arg14 : memref<!tpu.dma_semaphore, #tpu.memory_space<semaphore_mem>>) src(%arg10 : memref<128x128xf32, #tpu.memory_space<vmem>>) dst(%dma_wait3A_106 : memref<10240x128xf32, #tpu.memory_space<vmem_shared>>)
        %scan3A_107 = arith.constant 0 : i32
        scf.yield %scan3A_107 : i32
      }
      %scan3A_52 = arith.constant 20 : i32
      %while3A_53 = arith.constant 0 : i32
      scf.yield %while3A_53 : i32
    }
    %barrier3A_22 = arith.constant 0 : index
    tpu.barrier barrier_id(%barrier3A_22)
    %scan3A_23 = arith.constant 0 : i32
    %scan3A_24 = arith.constant 0 : i32
    %scan3A_25 = arith.constant 5 : i32
    %scan3A_26 = arith.addi %scan3A_24, %scan3A_25 : i32
    %scan3A_27 = arith.constant 1 : i32
    %scan3A_28 = scf.for %scan3A_30 = %scan3A_24 to %scan3A_26 step %scan3A_27 iter_args(%scan3A_31 = %scan3A_23) -> (i32)  : i32 {
      %mul3A_32 = arith.constant 128 : i32
      %mul3A_33 = arith.muli %scan3A_30, %mul3A_32 : i32
      %add3A_34 = arith.addi %mul3A_0, %mul3A_33 : i32
      "tpu.region"() ({
        %run_scoped3A = tpu.sem_alloc : memref<!tpu.dma_semaphore, #tpu.memory_space<semaphore_mem>>
        %dma_start3A = arith.constant 0 : i32
        %dma_start3A_40 = tpu.memref_slice %arg11[%add3A_34, %dma_start3A] : memref<10240x128xf32, #tpu.memory_space<vmem_shared>> -> memref<128x128xf32, #tpu.memory_space<vmem_shared>>
        %dma_start3A_41 = arith.constant 0 : i32
        %dma_start3A_42 = tpu.memref_slice %arg11[%add3A_34, %dma_start3A_41] : memref<10240x128xf32, #tpu.memory_space<vmem_shared>> -> memref<128x128xf32, #tpu.memory_space<vmem_shared>>
        tpu.enqueue_dma source(%dma_start3A_42 : memref<128x128xf32, #tpu.memory_space<vmem_shared>>) target(%arg9 : memref<128x128xf32, #tpu.memory_space<vmem>>) target_semaphore(%run_scoped3A : memref<!tpu.dma_semaphore, #tpu.memory_space<semaphore_mem>>)
        %dma_wait3A = arith.constant 0 : i32
        %dma_wait3A_43 = tpu.memref_slice %arg11[%add3A_34, %dma_wait3A] : memref<10240x128xf32, #tpu.memory_space<vmem_shared>> -> memref<128x128xf32, #tpu.memory_space<vmem_shared>>
        %dma_wait3A_44 = arith.constant 0 : i32
        %dma_wait3A_45 = tpu.memref_slice %arg11[%add3A_34, %dma_wait3A_44] : memref<10240x128xf32, #tpu.memory_space<vmem_shared>> -> memref<128x128xf32, #tpu.memory_space<vmem_shared>>
        tpu.wait_dma2 semaphore(%run_scoped3A : memref<!tpu.dma_semaphore, #tpu.memory_space<semaphore_mem>>) src(%dma_wait3A_45 : memref<128x128xf32, #tpu.memory_space<vmem_shared>>) dst(%arg9 : memref<128x128xf32, #tpu.memory_space<vmem>>)
        tpu.yield
      }) : () -> ()
      %mul3A_35 = arith.constant 10240 : i32
      %mul3A_36 = arith.muli %arg0, %mul3A_35 : i32
      %add3A_37 = arith.addi %mul3A_36, %mul3A_0 : i32
      %add3A_38 = arith.addi %add3A_37, %mul3A_33 : i32
      "tpu.region"() ({
        %run_scoped3A = tpu.sem_alloc : memref<!tpu.dma_semaphore, #tpu.memory_space<semaphore_mem>>
        %dma_start3A = arith.constant 0 : i32
        %dma_start3A_40 = tpu.memref_slice %arg6[%add3A_38, %dma_start3A] : memref<20480x128xf32, #tpu.memory_space<hbm>> -> memref<128x128xf32, #tpu.memory_space<hbm>>
        %dma_start3A_41 = arith.constant 0 : i32
        %dma_start3A_42 = tpu.memref_slice %arg6[%add3A_38, %dma_start3A_41] : memref<20480x128xf32, #tpu.memory_space<hbm>> -> memref<128x128xf32, #tpu.memory_space<hbm>>
        tpu.enqueue_dma source(%arg9 : memref<128x128xf32, #tpu.memory_space<vmem>>) target(%dma_start3A_42 : memref<128x128xf32, #tpu.memory_space<hbm>>) target_semaphore(%run_scoped3A : memref<!tpu.dma_semaphore, #tpu.memory_space<semaphore_mem>>)
        %dma_wait3A = arith.constant 0 : i32
        %dma_wait3A_43 = tpu.memref_slice %arg6[%add3A_38, %dma_wait3A] : memref<20480x128xf32, #tpu.memory_space<hbm>> -> memref<128x128xf32, #tpu.memory_space<hbm>>
        %dma_wait3A_44 = arith.constant 0 : i32
        %dma_wait3A_45 = tpu.memref_slice %arg6[%add3A_38, %dma_wait3A_44] : memref<20480x128xf32, #tpu.memory_space<hbm>> -> memref<128x128xf32, #tpu.memory_space<hbm>>
        tpu.wait_dma2 semaphore(%run_scoped3A : memref<!tpu.dma_semaphore, #tpu.memory_space<semaphore_mem>>) src(%arg9 : memref<128x128xf32, #tpu.memory_space<vmem>>) dst(%dma_wait3A_45 : memref<128x128xf32, #tpu.memory_space<hbm>>)
        tpu.yield
      }) : () -> ()
      %scan3A_39 = arith.constant 0 : i32
      scf.yield %scan3A_39 : i32
    }
    %scan3A_29 = arith.constant 5 : i32
    return
  }
}

#map = affine_map<(d0, d1) -> (0, 0)>
module attributes {stable_mosaic.version = 14 : i64} {
  func.func @body(%arg0: i32, %arg1: i32, %arg2: memref<128x128xf32, #tpu.memory_space<hbm>>, %arg3: memref<2560x128xi32, #tpu.memory_space<hbm>>, %arg4: memref<2560x128xi32, #tpu.memory_space<hbm>>, %arg5: memref<640x128xf32, #tpu.memory_space<hbm>>, %arg6: memref<20480x128xf32, #tpu.memory_space<hbm>>, %arg7: memref<40x128xi32, #tpu.memory_space<vmem>>, %arg8: memref<40x128xi32, #tpu.memory_space<vmem>>, %arg9: memref<128x128xf32, #tpu.memory_space<vmem>>, %arg10: memref<128x128xf32, #tpu.memory_space<vmem>>, %arg11: memref<10240x128xf32, #tpu.memory_space<vmem_shared>>, %arg12: memref<!tpu.dma_semaphore, #tpu.memory_space<semaphore_mem>>, %arg13: memref<!tpu.dma_semaphore, #tpu.memory_space<semaphore_mem>>, %arg14: memref<!tpu.dma_semaphore, #tpu.memory_space<semaphore_mem>>) attributes {dimension_semantics = [#tpu.dimension_semantics<core_parallel>, #tpu.dimension_semantics<subcore_parallel>], iteration_bounds = array<i64: 2, 16>, scalar_prefetch = 0 : i64, scratch_operands = 8 : i64, tpu.core_type = #tpu.core_type<sc_vector_subcore>, window_params = [{transform_indices = #map}, {transform_indices = #map}, {transform_indices = #map}, {transform_indices = #map}, {transform_indices = #map}]} {
    %mul3A = arith.constant 640 : i32
    %mul3A_0 = arith.muli %arg1, %mul3A : i32
    %scan3A = arith.constant 0 : i32
    %scan3A_1 = arith.constant 0 : i32
    %scan3A_2 = arith.constant 5 : i32
    %scan3A_3 = arith.addi %scan3A_1, %scan3A_2 : i32
    %scan3A_4 = arith.constant 1 : i32
    %scan3A_5 = scf.for %scan3A_39 = %scan3A_1 to %scan3A_3 step %scan3A_4 iter_args(%scan3A_40 = %scan3A) -> (i32)  : i32 {
      %mul3A_41 = arith.constant 128 : i32
      %mul3A_42 = arith.muli %scan3A_39, %mul3A_41 : i32
      "tpu.region"() ({
        %run_scoped3A = tpu.sem_alloc : memref<!tpu.dma_semaphore, #tpu.memory_space<semaphore_mem>>
        %dma_start3A = arith.constant 0 : i32
        %dma_start3A_45 = tpu.memref_slice %arg5[%mul3A_42, %dma_start3A] : memref<640x128xf32, #tpu.memory_space<hbm>> -> memref<128x128xf32, #tpu.memory_space<hbm>>
        %dma_start3A_46 = arith.constant 0 : i32
        %dma_start3A_47 = tpu.memref_slice %arg5[%mul3A_42, %dma_start3A_46] : memref<640x128xf32, #tpu.memory_space<hbm>> -> memref<128x128xf32, #tpu.memory_space<hbm>>
        tpu.enqueue_dma source(%dma_start3A_47 : memref<128x128xf32, #tpu.memory_space<hbm>>) target(%arg9 : memref<128x128xf32, #tpu.memory_space<vmem>>) target_semaphore(%run_scoped3A : memref<!tpu.dma_semaphore, #tpu.memory_space<semaphore_mem>>)
        %dma_wait3A = arith.constant 0 : i32
        %dma_wait3A_48 = tpu.memref_slice %arg5[%mul3A_42, %dma_wait3A] : memref<640x128xf32, #tpu.memory_space<hbm>> -> memref<128x128xf32, #tpu.memory_space<hbm>>
        %dma_wait3A_49 = arith.constant 0 : i32
        %dma_wait3A_50 = tpu.memref_slice %arg5[%mul3A_42, %dma_wait3A_49] : memref<640x128xf32, #tpu.memory_space<hbm>> -> memref<128x128xf32, #tpu.memory_space<hbm>>
        tpu.wait_dma2 semaphore(%run_scoped3A : memref<!tpu.dma_semaphore, #tpu.memory_space<semaphore_mem>>) src(%dma_wait3A_50 : memref<128x128xf32, #tpu.memory_space<hbm>>) dst(%arg9 : memref<128x128xf32, #tpu.memory_space<vmem>>)
        tpu.yield
      }) : () -> ()
      %add3A_43 = arith.addi %mul3A_0, %mul3A_42 : i32
      "tpu.region"() ({
        %run_scoped3A = tpu.sem_alloc : memref<!tpu.dma_semaphore, #tpu.memory_space<semaphore_mem>>
        %dma_start3A = arith.constant 0 : i32
        %dma_start3A_45 = tpu.memref_slice %arg11[%add3A_43, %dma_start3A] : memref<10240x128xf32, #tpu.memory_space<vmem_shared>> -> memref<128x128xf32, #tpu.memory_space<vmem_shared>>
        %dma_start3A_46 = arith.constant 0 : i32
        %dma_start3A_47 = tpu.memref_slice %arg11[%add3A_43, %dma_start3A_46] : memref<10240x128xf32, #tpu.memory_space<vmem_shared>> -> memref<128x128xf32, #tpu.memory_space<vmem_shared>>
        tpu.enqueue_dma source(%arg9 : memref<128x128xf32, #tpu.memory_space<vmem>>) target(%dma_start3A_47 : memref<128x128xf32, #tpu.memory_space<vmem_shared>>) target_semaphore(%run_scoped3A : memref<!tpu.dma_semaphore, #tpu.memory_space<semaphore_mem>>)
        %dma_wait3A = arith.constant 0 : i32
        %dma_wait3A_48 = tpu.memref_slice %arg11[%add3A_43, %dma_wait3A] : memref<10240x128xf32, #tpu.memory_space<vmem_shared>> -> memref<128x128xf32, #tpu.memory_space<vmem_shared>>
        %dma_wait3A_49 = arith.constant 0 : i32
        %dma_wait3A_50 = tpu.memref_slice %arg11[%add3A_43, %dma_wait3A_49] : memref<10240x128xf32, #tpu.memory_space<vmem_shared>> -> memref<128x128xf32, #tpu.memory_space<vmem_shared>>
        tpu.wait_dma2 semaphore(%run_scoped3A : memref<!tpu.dma_semaphore, #tpu.memory_space<semaphore_mem>>) src(%arg9 : memref<128x128xf32, #tpu.memory_space<vmem>>) dst(%dma_wait3A_50 : memref<128x128xf32, #tpu.memory_space<vmem_shared>>)
        tpu.yield
      }) : () -> ()
      %scan3A_44 = arith.constant 0 : i32
      scf.yield %scan3A_44 : i32
    }
    %scan3A_6 = arith.constant 5 : i32
    %barrier3A = arith.constant 0 : index
    tpu.barrier barrier_id(%barrier3A)
    %mul3A_7 = arith.constant 2 : i32
    %mul3A_8 = arith.muli %arg1, %mul3A_7 : i32
    %add3A = arith.addi %mul3A_8, %arg0 : i32
    "tpu.region"() ({
      %run_scoped3A = tpu.sem_alloc : memref<!tpu.dma_semaphore, #tpu.memory_space<semaphore_mem>>
      %dma_start3A = arith.constant 0 : i32
      %dma_start3A_39 = arith.constant 0 : i32
      %dma_start3A_40 = tpu.memref_slice %arg2[%dma_start3A, %dma_start3A_39] : memref<128x128xf32, #tpu.memory_space<hbm>> -> memref<128x128xf32, #tpu.memory_space<hbm>>
      %dma_start3A_41 = arith.constant 0 : i32
      %dma_start3A_42 = arith.constant 0 : i32
      %dma_start3A_43 = tpu.memref_slice %arg2[%dma_start3A_41, %dma_start3A_42] : memref<128x128xf32, #tpu.memory_space<hbm>> -> memref<128x128xf32, #tpu.memory_space<hbm>>
      tpu.enqueue_dma source(%dma_start3A_43 : memref<128x128xf32, #tpu.memory_space<hbm>>) target(%arg9 : memref<128x128xf32, #tpu.memory_space<vmem>>) target_semaphore(%run_scoped3A : memref<!tpu.dma_semaphore, #tpu.memory_space<semaphore_mem>>)
      %dma_wait3A = arith.constant 0 : i32
      %dma_wait3A_44 = arith.constant 0 : i32
      %dma_wait3A_45 = tpu.memref_slice %arg2[%dma_wait3A, %dma_wait3A_44] : memref<128x128xf32, #tpu.memory_space<hbm>> -> memref<128x128xf32, #tpu.memory_space<hbm>>
      %dma_wait3A_46 = arith.constant 0 : i32
      %dma_wait3A_47 = arith.constant 0 : i32
      %dma_wait3A_48 = tpu.memref_slice %arg2[%dma_wait3A_46, %dma_wait3A_47] : memref<128x128xf32, #tpu.memory_space<hbm>> -> memref<128x128xf32, #tpu.memory_space<hbm>>
      tpu.wait_dma2 semaphore(%run_scoped3A : memref<!tpu.dma_semaphore, #tpu.memory_space<semaphore_mem>>) src(%dma_wait3A_48 : memref<128x128xf32, #tpu.memory_space<hbm>>) dst(%arg9 : memref<128x128xf32, #tpu.memory_space<vmem>>)
      tpu.yield
    }) : () -> ()
    %mul3A_9 = arith.constant 80 : i32
    %mul3A_10 = arith.muli %add3A, %mul3A_9 : i32
    %add3A_11 = arith.constant 0 : i32
    %add3A_12 = arith.addi %mul3A_10, %add3A_11 : i32
    "tpu.region"() ({
      %run_scoped3A = tpu.sem_alloc : memref<!tpu.dma_semaphore, #tpu.memory_space<semaphore_mem>>
      %dma_start3A = arith.constant 0 : i32
      %dma_start3A_39 = tpu.memref_slice %arg4[%add3A_12, %dma_start3A] : memref<2560x128xi32, #tpu.memory_space<hbm>> -> memref<40x128xi32, #tpu.memory_space<hbm>>
      %dma_start3A_40 = arith.constant 0 : i32
      %dma_start3A_41 = tpu.memref_slice %arg4[%add3A_12, %dma_start3A_40] : memref<2560x128xi32, #tpu.memory_space<hbm>> -> memref<40x128xi32, #tpu.memory_space<hbm>>
      tpu.enqueue_dma source(%dma_start3A_41 : memref<40x128xi32, #tpu.memory_space<hbm>>) target(%arg7 : memref<40x128xi32, #tpu.memory_space<vmem>>) target_semaphore(%run_scoped3A : memref<!tpu.dma_semaphore, #tpu.memory_space<semaphore_mem>>)
      %dma_wait3A = arith.constant 0 : i32
      %dma_wait3A_42 = tpu.memref_slice %arg4[%add3A_12, %dma_wait3A] : memref<2560x128xi32, #tpu.memory_space<hbm>> -> memref<40x128xi32, #tpu.memory_space<hbm>>
      %dma_wait3A_43 = arith.constant 0 : i32
      %dma_wait3A_44 = tpu.memref_slice %arg4[%add3A_12, %dma_wait3A_43] : memref<2560x128xi32, #tpu.memory_space<hbm>> -> memref<40x128xi32, #tpu.memory_space<hbm>>
      tpu.wait_dma2 semaphore(%run_scoped3A : memref<!tpu.dma_semaphore, #tpu.memory_space<semaphore_mem>>) src(%dma_wait3A_44 : memref<40x128xi32, #tpu.memory_space<hbm>>) dst(%arg7 : memref<40x128xi32, #tpu.memory_space<vmem>>)
      tpu.yield
    }) : () -> ()
    %scan3A_13 = arith.constant 0 : i32
    %scan3A_14 = arith.constant 0 : i32
    %scan3A_15 = arith.constant 40 : i32
    %scan3A_16 = arith.addi %scan3A_14, %scan3A_15 : i32
    %scan3A_17 = arith.constant 1 : i32
    %scan3A_18 = scf.for %scan3A_39 = %scan3A_14 to %scan3A_16 step %scan3A_17 iter_args(%scan3A_40 = %scan3A_13) -> (i32)  : i32 {
      %dma_start3A = arith.constant 0 : i32
      %dma_start3A_41 = tpu.memref_slice %arg7[%scan3A_39, %dma_start3A] : memref<40x128xi32, #tpu.memory_space<vmem>> -> memref<1x128xi32, #tpu.memory_space<vmem>>
      %dma_start3A_42 = tpu.memref_squeeze %dma_start3A_41 : memref<1x128xi32, #tpu.memory_space<vmem>> -> memref<128xi32, #tpu.memory_space<vmem>>
      %dma_start3A_43 = arith.constant 0 : i32
      %dma_start3A_44 = arith.constant 0 : i32
      %dma_start3A_45 = tpu.memref_slice %arg11[%dma_start3A_43, %dma_start3A_44] : memref<10240x128xf32, #tpu.memory_space<vmem_shared>> -> memref<10240x128xf32, #tpu.memory_space<vmem_shared>>
      tpu.enqueue_indirect_dma source(%arg9 : memref<128x128xf32, #tpu.memory_space<vmem>>) target(%dma_start3A_45 : memref<10240x128xf32, #tpu.memory_space<vmem_shared>>) offsets(%dma_start3A_42 : memref<128xi32, #tpu.memory_space<vmem>>) semaphore(%arg14 : memref<!tpu.dma_semaphore, #tpu.memory_space<semaphore_mem>>) {add = true}
      %dma_wait3A = arith.constant 0 : i32
      %dma_wait3A_46 = tpu.memref_slice %arg7[%scan3A_39, %dma_wait3A] : memref<40x128xi32, #tpu.memory_space<vmem>> -> memref<1x128xi32, #tpu.memory_space<vmem>>
      %dma_wait3A_47 = tpu.memref_squeeze %dma_wait3A_46 : memref<1x128xi32, #tpu.memory_space<vmem>> -> memref<128xi32, #tpu.memory_space<vmem>>
      %dma_wait3A_48 = arith.constant 0 : i32
      %dma_wait3A_49 = arith.constant 0 : i32
      %dma_wait3A_50 = tpu.memref_slice %arg11[%dma_wait3A_48, %dma_wait3A_49] : memref<10240x128xf32, #tpu.memory_space<vmem_shared>> -> memref<10240x128xf32, #tpu.memory_space<vmem_shared>>
      tpu.wait_indirect_dma semaphore(%arg14 : memref<!tpu.dma_semaphore, #tpu.memory_space<semaphore_mem>>) src(%arg9 : memref<128x128xf32, #tpu.memory_space<vmem>>) dst(%dma_wait3A_50 : memref<10240x128xf32, #tpu.memory_space<vmem_shared>>)
      %scan3A_51 = arith.constant 0 : i32
      scf.yield %scan3A_51 : i32
    }
    %scan3A_19 = arith.constant 40 : i32
    %mul3A_20 = arith.constant 80 : i32
    %mul3A_21 = arith.muli %add3A, %mul3A_20 : i32
    %add3A_22 = arith.constant 40 : i32
    %add3A_23 = arith.addi %mul3A_21, %add3A_22 : i32
    "tpu.region"() ({
      %run_scoped3A = tpu.sem_alloc : memref<!tpu.dma_semaphore, #tpu.memory_space<semaphore_mem>>
      %dma_start3A = arith.constant 0 : i32
      %dma_start3A_39 = tpu.memref_slice %arg4[%add3A_23, %dma_start3A] : memref<2560x128xi32, #tpu.memory_space<hbm>> -> memref<40x128xi32, #tpu.memory_space<hbm>>
      %dma_start3A_40 = arith.constant 0 : i32
      %dma_start3A_41 = tpu.memref_slice %arg4[%add3A_23, %dma_start3A_40] : memref<2560x128xi32, #tpu.memory_space<hbm>> -> memref<40x128xi32, #tpu.memory_space<hbm>>
      tpu.enqueue_dma source(%dma_start3A_41 : memref<40x128xi32, #tpu.memory_space<hbm>>) target(%arg7 : memref<40x128xi32, #tpu.memory_space<vmem>>) target_semaphore(%run_scoped3A : memref<!tpu.dma_semaphore, #tpu.memory_space<semaphore_mem>>)
      %dma_wait3A = arith.constant 0 : i32
      %dma_wait3A_42 = tpu.memref_slice %arg4[%add3A_23, %dma_wait3A] : memref<2560x128xi32, #tpu.memory_space<hbm>> -> memref<40x128xi32, #tpu.memory_space<hbm>>
      %dma_wait3A_43 = arith.constant 0 : i32
      %dma_wait3A_44 = tpu.memref_slice %arg4[%add3A_23, %dma_wait3A_43] : memref<2560x128xi32, #tpu.memory_space<hbm>> -> memref<40x128xi32, #tpu.memory_space<hbm>>
      tpu.wait_dma2 semaphore(%run_scoped3A : memref<!tpu.dma_semaphore, #tpu.memory_space<semaphore_mem>>) src(%dma_wait3A_44 : memref<40x128xi32, #tpu.memory_space<hbm>>) dst(%arg7 : memref<40x128xi32, #tpu.memory_space<vmem>>)
      tpu.yield
    }) : () -> ()
    %scan3A_24 = arith.constant 0 : i32
    %scan3A_25 = arith.constant 0 : i32
    %scan3A_26 = arith.constant 40 : i32
    %scan3A_27 = arith.addi %scan3A_25, %scan3A_26 : i32
    %scan3A_28 = arith.constant 1 : i32
    %scan3A_29 = scf.for %scan3A_39 = %scan3A_25 to %scan3A_27 step %scan3A_28 iter_args(%scan3A_40 = %scan3A_24) -> (i32)  : i32 {
      %dma_start3A = arith.constant 0 : i32
      %dma_start3A_41 = tpu.memref_slice %arg7[%scan3A_39, %dma_start3A] : memref<40x128xi32, #tpu.memory_space<vmem>> -> memref<1x128xi32, #tpu.memory_space<vmem>>
      %dma_start3A_42 = tpu.memref_squeeze %dma_start3A_41 : memref<1x128xi32, #tpu.memory_space<vmem>> -> memref<128xi32, #tpu.memory_space<vmem>>
      %dma_start3A_43 = arith.constant 0 : i32
      %dma_start3A_44 = arith.constant 0 : i32
      %dma_start3A_45 = tpu.memref_slice %arg11[%dma_start3A_43, %dma_start3A_44] : memref<10240x128xf32, #tpu.memory_space<vmem_shared>> -> memref<10240x128xf32, #tpu.memory_space<vmem_shared>>
      tpu.enqueue_indirect_dma source(%arg9 : memref<128x128xf32, #tpu.memory_space<vmem>>) target(%dma_start3A_45 : memref<10240x128xf32, #tpu.memory_space<vmem_shared>>) offsets(%dma_start3A_42 : memref<128xi32, #tpu.memory_space<vmem>>) semaphore(%arg14 : memref<!tpu.dma_semaphore, #tpu.memory_space<semaphore_mem>>) {add = true}
      %dma_wait3A = arith.constant 0 : i32
      %dma_wait3A_46 = tpu.memref_slice %arg7[%scan3A_39, %dma_wait3A] : memref<40x128xi32, #tpu.memory_space<vmem>> -> memref<1x128xi32, #tpu.memory_space<vmem>>
      %dma_wait3A_47 = tpu.memref_squeeze %dma_wait3A_46 : memref<1x128xi32, #tpu.memory_space<vmem>> -> memref<128xi32, #tpu.memory_space<vmem>>
      %dma_wait3A_48 = arith.constant 0 : i32
      %dma_wait3A_49 = arith.constant 0 : i32
      %dma_wait3A_50 = tpu.memref_slice %arg11[%dma_wait3A_48, %dma_wait3A_49] : memref<10240x128xf32, #tpu.memory_space<vmem_shared>> -> memref<10240x128xf32, #tpu.memory_space<vmem_shared>>
      tpu.wait_indirect_dma semaphore(%arg14 : memref<!tpu.dma_semaphore, #tpu.memory_space<semaphore_mem>>) src(%arg9 : memref<128x128xf32, #tpu.memory_space<vmem>>) dst(%dma_wait3A_50 : memref<10240x128xf32, #tpu.memory_space<vmem_shared>>)
      %scan3A_51 = arith.constant 0 : i32
      scf.yield %scan3A_51 : i32
    }
    %scan3A_30 = arith.constant 40 : i32
    %barrier3A_31 = arith.constant 0 : index
    tpu.barrier barrier_id(%barrier3A_31)
    %scan3A_32 = arith.constant 0 : i32
    %scan3A_33 = arith.constant 0 : i32
    %scan3A_34 = arith.constant 5 : i32
    %scan3A_35 = arith.addi %scan3A_33, %scan3A_34 : i32
    %scan3A_36 = arith.constant 1 : i32
    %scan3A_37 = scf.for %scan3A_39 = %scan3A_33 to %scan3A_35 step %scan3A_36 iter_args(%scan3A_40 = %scan3A_32) -> (i32)  : i32 {
      %mul3A_41 = arith.constant 128 : i32
      %mul3A_42 = arith.muli %scan3A_39, %mul3A_41 : i32
      %add3A_43 = arith.addi %mul3A_0, %mul3A_42 : i32
      "tpu.region"() ({
        %run_scoped3A = tpu.sem_alloc : memref<!tpu.dma_semaphore, #tpu.memory_space<semaphore_mem>>
        %dma_start3A = arith.constant 0 : i32
        %dma_start3A_49 = tpu.memref_slice %arg11[%add3A_43, %dma_start3A] : memref<10240x128xf32, #tpu.memory_space<vmem_shared>> -> memref<128x128xf32, #tpu.memory_space<vmem_shared>>
        %dma_start3A_50 = arith.constant 0 : i32
        %dma_start3A_51 = tpu.memref_slice %arg11[%add3A_43, %dma_start3A_50] : memref<10240x128xf32, #tpu.memory_space<vmem_shared>> -> memref<128x128xf32, #tpu.memory_space<vmem_shared>>
        tpu.enqueue_dma source(%dma_start3A_51 : memref<128x128xf32, #tpu.memory_space<vmem_shared>>) target(%arg9 : memref<128x128xf32, #tpu.memory_space<vmem>>) target_semaphore(%run_scoped3A : memref<!tpu.dma_semaphore, #tpu.memory_space<semaphore_mem>>)
        %dma_wait3A = arith.constant 0 : i32
        %dma_wait3A_52 = tpu.memref_slice %arg11[%add3A_43, %dma_wait3A] : memref<10240x128xf32, #tpu.memory_space<vmem_shared>> -> memref<128x128xf32, #tpu.memory_space<vmem_shared>>
        %dma_wait3A_53 = arith.constant 0 : i32
        %dma_wait3A_54 = tpu.memref_slice %arg11[%add3A_43, %dma_wait3A_53] : memref<10240x128xf32, #tpu.memory_space<vmem_shared>> -> memref<128x128xf32, #tpu.memory_space<vmem_shared>>
        tpu.wait_dma2 semaphore(%run_scoped3A : memref<!tpu.dma_semaphore, #tpu.memory_space<semaphore_mem>>) src(%dma_wait3A_54 : memref<128x128xf32, #tpu.memory_space<vmem_shared>>) dst(%arg9 : memref<128x128xf32, #tpu.memory_space<vmem>>)
        tpu.yield
      }) : () -> ()
      %mul3A_44 = arith.constant 10240 : i32
      %mul3A_45 = arith.muli %arg0, %mul3A_44 : i32
      %add3A_46 = arith.addi %mul3A_45, %mul3A_0 : i32
      %add3A_47 = arith.addi %add3A_46, %mul3A_42 : i32
      "tpu.region"() ({
        %run_scoped3A = tpu.sem_alloc : memref<!tpu.dma_semaphore, #tpu.memory_space<semaphore_mem>>
        %dma_start3A = arith.constant 0 : i32
        %dma_start3A_49 = tpu.memref_slice %arg6[%add3A_47, %dma_start3A] : memref<20480x128xf32, #tpu.memory_space<hbm>> -> memref<128x128xf32, #tpu.memory_space<hbm>>
        %dma_start3A_50 = arith.constant 0 : i32
        %dma_start3A_51 = tpu.memref_slice %arg6[%add3A_47, %dma_start3A_50] : memref<20480x128xf32, #tpu.memory_space<hbm>> -> memref<128x128xf32, #tpu.memory_space<hbm>>
        tpu.enqueue_dma source(%arg9 : memref<128x128xf32, #tpu.memory_space<vmem>>) target(%dma_start3A_51 : memref<128x128xf32, #tpu.memory_space<hbm>>) target_semaphore(%run_scoped3A : memref<!tpu.dma_semaphore, #tpu.memory_space<semaphore_mem>>)
        %dma_wait3A = arith.constant 0 : i32
        %dma_wait3A_52 = tpu.memref_slice %arg6[%add3A_47, %dma_wait3A] : memref<20480x128xf32, #tpu.memory_space<hbm>> -> memref<128x128xf32, #tpu.memory_space<hbm>>
        %dma_wait3A_53 = arith.constant 0 : i32
        %dma_wait3A_54 = tpu.memref_slice %arg6[%add3A_47, %dma_wait3A_53] : memref<20480x128xf32, #tpu.memory_space<hbm>> -> memref<128x128xf32, #tpu.memory_space<hbm>>
        tpu.wait_dma2 semaphore(%run_scoped3A : memref<!tpu.dma_semaphore, #tpu.memory_space<semaphore_mem>>) src(%arg9 : memref<128x128xf32, #tpu.memory_space<vmem>>) dst(%dma_wait3A_54 : memref<128x128xf32, #tpu.memory_space<hbm>>)
        tpu.yield
      }) : () -> ()
      %scan3A_48 = arith.constant 0 : i32
      scf.yield %scan3A_48 : i32
    }
    %scan3A_38 = arith.constant 5 : i32
    return
  }
}

#map = affine_map<(d0, d1) -> (0, 0)>
module attributes {stable_mosaic.version = 14 : i64} {
  func.func @body(%arg0: i32, %arg1: i32, %arg2: memref<10240x128xf32, #tpu.memory_space<hbm>>, %arg3: memref<2560x128xi32, #tpu.memory_space<hbm>>, %arg4: memref<2560x128xi32, #tpu.memory_space<hbm>>, %arg5: memref<640x128xf32, #tpu.memory_space<hbm>>, %arg6: memref<20480x128xf32, #tpu.memory_space<hbm>>, %arg7: memref<40x128xi32, #tpu.memory_space<vmem>>, %arg8: memref<40x128xi32, #tpu.memory_space<vmem>>, %arg9: memref<128x128xf32, #tpu.memory_space<vmem>>, %arg10: memref<128x128xf32, #tpu.memory_space<vmem>>, %arg11: memref<10240x128xf32, #tpu.memory_space<vmem_shared>>, %arg12: memref<!tpu.dma_semaphore, #tpu.memory_space<semaphore_mem>>, %arg13: memref<!tpu.dma_semaphore, #tpu.memory_space<semaphore_mem>>, %arg14: memref<!tpu.dma_semaphore, #tpu.memory_space<semaphore_mem>>) attributes {dimension_semantics = [#tpu.dimension_semantics<core_parallel>, #tpu.dimension_semantics<subcore_parallel>], iteration_bounds = array<i64: 2, 16>, scalar_prefetch = 0 : i64, scratch_operands = 8 : i64, tpu.core_type = #tpu.core_type<sc_vector_subcore>, window_params = [{transform_indices = #map}, {transform_indices = #map}, {transform_indices = #map}, {transform_indices = #map}, {transform_indices = #map}]} {
    %mul3A = arith.constant 640 : i32
    %mul3A_0 = arith.muli %arg1, %mul3A : i32
    %scan3A = arith.constant 0 : i32
    %scan3A_1 = arith.constant 0 : i32
    %scan3A_2 = arith.constant 5 : i32
    %scan3A_3 = arith.addi %scan3A_1, %scan3A_2 : i32
    %scan3A_4 = arith.constant 1 : i32
    %scan3A_5 = scf.for %scan3A_30 = %scan3A_1 to %scan3A_3 step %scan3A_4 iter_args(%scan3A_31 = %scan3A) -> (i32)  : i32 {
      %mul3A_32 = arith.constant 128 : i32
      %mul3A_33 = arith.muli %scan3A_30, %mul3A_32 : i32
      "tpu.region"() ({
        %run_scoped3A = tpu.sem_alloc : memref<!tpu.dma_semaphore, #tpu.memory_space<semaphore_mem>>
        %dma_start3A = arith.constant 0 : i32
        %dma_start3A_36 = tpu.memref_slice %arg5[%mul3A_33, %dma_start3A] : memref<640x128xf32, #tpu.memory_space<hbm>> -> memref<128x128xf32, #tpu.memory_space<hbm>>
        %dma_start3A_37 = arith.constant 0 : i32
        %dma_start3A_38 = tpu.memref_slice %arg5[%mul3A_33, %dma_start3A_37] : memref<640x128xf32, #tpu.memory_space<hbm>> -> memref<128x128xf32, #tpu.memory_space<hbm>>
        tpu.enqueue_dma source(%dma_start3A_38 : memref<128x128xf32, #tpu.memory_space<hbm>>) target(%arg9 : memref<128x128xf32, #tpu.memory_space<vmem>>) target_semaphore(%run_scoped3A : memref<!tpu.dma_semaphore, #tpu.memory_space<semaphore_mem>>)
        %dma_wait3A = arith.constant 0 : i32
        %dma_wait3A_39 = tpu.memref_slice %arg5[%mul3A_33, %dma_wait3A] : memref<640x128xf32, #tpu.memory_space<hbm>> -> memref<128x128xf32, #tpu.memory_space<hbm>>
        %dma_wait3A_40 = arith.constant 0 : i32
        %dma_wait3A_41 = tpu.memref_slice %arg5[%mul3A_33, %dma_wait3A_40] : memref<640x128xf32, #tpu.memory_space<hbm>> -> memref<128x128xf32, #tpu.memory_space<hbm>>
        tpu.wait_dma2 semaphore(%run_scoped3A : memref<!tpu.dma_semaphore, #tpu.memory_space<semaphore_mem>>) src(%dma_wait3A_41 : memref<128x128xf32, #tpu.memory_space<hbm>>) dst(%arg9 : memref<128x128xf32, #tpu.memory_space<vmem>>)
        tpu.yield
      }) : () -> ()
      %add3A_34 = arith.addi %mul3A_0, %mul3A_33 : i32
      "tpu.region"() ({
        %run_scoped3A = tpu.sem_alloc : memref<!tpu.dma_semaphore, #tpu.memory_space<semaphore_mem>>
        %dma_start3A = arith.constant 0 : i32
        %dma_start3A_36 = tpu.memref_slice %arg11[%add3A_34, %dma_start3A] : memref<10240x128xf32, #tpu.memory_space<vmem_shared>> -> memref<128x128xf32, #tpu.memory_space<vmem_shared>>
        %dma_start3A_37 = arith.constant 0 : i32
        %dma_start3A_38 = tpu.memref_slice %arg11[%add3A_34, %dma_start3A_37] : memref<10240x128xf32, #tpu.memory_space<vmem_shared>> -> memref<128x128xf32, #tpu.memory_space<vmem_shared>>
        tpu.enqueue_dma source(%arg9 : memref<128x128xf32, #tpu.memory_space<vmem>>) target(%dma_start3A_38 : memref<128x128xf32, #tpu.memory_space<vmem_shared>>) target_semaphore(%run_scoped3A : memref<!tpu.dma_semaphore, #tpu.memory_space<semaphore_mem>>)
        %dma_wait3A = arith.constant 0 : i32
        %dma_wait3A_39 = tpu.memref_slice %arg11[%add3A_34, %dma_wait3A] : memref<10240x128xf32, #tpu.memory_space<vmem_shared>> -> memref<128x128xf32, #tpu.memory_space<vmem_shared>>
        %dma_wait3A_40 = arith.constant 0 : i32
        %dma_wait3A_41 = tpu.memref_slice %arg11[%add3A_34, %dma_wait3A_40] : memref<10240x128xf32, #tpu.memory_space<vmem_shared>> -> memref<128x128xf32, #tpu.memory_space<vmem_shared>>
        tpu.wait_dma2 semaphore(%run_scoped3A : memref<!tpu.dma_semaphore, #tpu.memory_space<semaphore_mem>>) src(%arg9 : memref<128x128xf32, #tpu.memory_space<vmem>>) dst(%dma_wait3A_41 : memref<128x128xf32, #tpu.memory_space<vmem_shared>>)
        tpu.yield
      }) : () -> ()
      %scan3A_35 = arith.constant 0 : i32
      scf.yield %scan3A_35 : i32
    }
    %scan3A_6 = arith.constant 5 : i32
    %barrier3A = arith.constant 0 : index
    tpu.barrier barrier_id(%barrier3A)
    %mul3A_7 = arith.constant 2 : i32
    %mul3A_8 = arith.muli %arg1, %mul3A_7 : i32
    %add3A = arith.addi %mul3A_8, %arg0 : i32
    %eq3A = arith.constant 0 : i32
    %eq3A_9 = arith.cmpi eq, %arg0, %eq3A : i32
    %jit3A = arith.constant 3 : i32
    %jit3A_10 = arith.constant 1 : i32
    %select_n3A = arith.select %eq3A_9, %jit3A, %jit3A_10 : i32
    %while3A = arith.constant 0 : i32
    %while3A_11 = arith.constant 0 : i32
    %while3A_12 = arith.subi %select_n3A, %while3A : i32
    %while3A_13 = arith.addi %while3A, %while3A_12 : i32
    %while3A_14 = arith.constant 1 : i32
    %while3A_15 = arith.divsi %while3A_12, %while3A_14 : i32
    %while3A_16 = arith.muli %while3A_15, %while3A_14 : i32
    %while3A_17 = arith.addi %while3A, %while3A_16 : i32
    %while3A_18 = arith.constant 1 : i32
    %while3A_19 = scf.for %while3A_30 = %while3A to %while3A_17 step %while3A_18 iter_args(%while3A_31 = %while3A_11) -> (i32)  : i32 {
      %mul3A_32 = arith.constant 160 : i32
      %mul3A_33 = arith.muli %arg1, %mul3A_32 : i32
      %mul3A_34 = arith.constant 120 : i32
      %mul3A_35 = arith.muli %arg0, %mul3A_34 : i32
      %add3A_36 = arith.addi %mul3A_33, %mul3A_35 : i32
      %mul3A_37 = arith.constant 40 : i32
      %mul3A_38 = arith.muli %while3A_30, %mul3A_37 : i32
      %add3A_39 = arith.addi %add3A_36, %mul3A_38 : i32
      "tpu.region"() ({
        %run_scoped3A = tpu.sem_alloc : memref<!tpu.dma_semaphore, #tpu.memory_space<semaphore_mem>>
        %dma_start3A_54 = arith.constant 0 : i32
        %dma_start3A_55 = tpu.memref_slice %arg4[%add3A_39, %dma_start3A_54] : memref<2560x128xi32, #tpu.memory_space<hbm>> -> memref<40x128xi32, #tpu.memory_space<hbm>>
        %dma_start3A_56 = arith.constant 0 : i32
        %dma_start3A_57 = tpu.memref_slice %arg4[%add3A_39, %dma_start3A_56] : memref<2560x128xi32, #tpu.memory_space<hbm>> -> memref<40x128xi32, #tpu.memory_space<hbm>>
        tpu.enqueue_dma source(%dma_start3A_57 : memref<40x128xi32, #tpu.memory_space<hbm>>) target(%arg7 : memref<40x128xi32, #tpu.memory_space<vmem>>) target_semaphore(%run_scoped3A : memref<!tpu.dma_semaphore, #tpu.memory_space<semaphore_mem>>)
        %dma_wait3A = arith.constant 0 : i32
        %dma_wait3A_58 = tpu.memref_slice %arg4[%add3A_39, %dma_wait3A] : memref<2560x128xi32, #tpu.memory_space<hbm>> -> memref<40x128xi32, #tpu.memory_space<hbm>>
        %dma_wait3A_59 = arith.constant 0 : i32
        %dma_wait3A_60 = tpu.memref_slice %arg4[%add3A_39, %dma_wait3A_59] : memref<2560x128xi32, #tpu.memory_space<hbm>> -> memref<40x128xi32, #tpu.memory_space<hbm>>
        tpu.wait_dma2 semaphore(%run_scoped3A : memref<!tpu.dma_semaphore, #tpu.memory_space<semaphore_mem>>) src(%dma_wait3A_60 : memref<40x128xi32, #tpu.memory_space<hbm>>) dst(%arg7 : memref<40x128xi32, #tpu.memory_space<vmem>>)
        tpu.yield
      }) : () -> ()
      "tpu.region"() ({
        %run_scoped3A = tpu.sem_alloc : memref<!tpu.dma_semaphore, #tpu.memory_space<semaphore_mem>>
        %dma_start3A_54 = arith.constant 0 : i32
        %dma_start3A_55 = tpu.memref_slice %arg3[%add3A_39, %dma_start3A_54] : memref<2560x128xi32, #tpu.memory_space<hbm>> -> memref<40x128xi32, #tpu.memory_space<hbm>>
        %dma_start3A_56 = arith.constant 0 : i32
        %dma_start3A_57 = tpu.memref_slice %arg3[%add3A_39, %dma_start3A_56] : memref<2560x128xi32, #tpu.memory_space<hbm>> -> memref<40x128xi32, #tpu.memory_space<hbm>>
        tpu.enqueue_dma source(%dma_start3A_57 : memref<40x128xi32, #tpu.memory_space<hbm>>) target(%arg8 : memref<40x128xi32, #tpu.memory_space<vmem>>) target_semaphore(%run_scoped3A : memref<!tpu.dma_semaphore, #tpu.memory_space<semaphore_mem>>)
        %dma_wait3A = arith.constant 0 : i32
        %dma_wait3A_58 = tpu.memref_slice %arg3[%add3A_39, %dma_wait3A] : memref<2560x128xi32, #tpu.memory_space<hbm>> -> memref<40x128xi32, #tpu.memory_space<hbm>>
        %dma_wait3A_59 = arith.constant 0 : i32
        %dma_wait3A_60 = tpu.memref_slice %arg3[%add3A_39, %dma_wait3A_59] : memref<2560x128xi32, #tpu.memory_space<hbm>> -> memref<40x128xi32, #tpu.memory_space<hbm>>
        tpu.wait_dma2 semaphore(%run_scoped3A : memref<!tpu.dma_semaphore, #tpu.memory_space<semaphore_mem>>) src(%dma_wait3A_60 : memref<40x128xi32, #tpu.memory_space<hbm>>) dst(%arg8 : memref<40x128xi32, #tpu.memory_space<vmem>>)
        tpu.yield
      }) : () -> ()
      %dma_start3A = arith.constant 0 : i32
      %dma_start3A_40 = arith.constant 0 : i32
      %dma_start3A_41 = tpu.memref_slice %arg8[%dma_start3A, %dma_start3A_40] : memref<40x128xi32, #tpu.memory_space<vmem>> -> memref<1x128xi32, #tpu.memory_space<vmem>>
      %dma_start3A_42 = tpu.memref_squeeze %dma_start3A_41 : memref<1x128xi32, #tpu.memory_space<vmem>> -> memref<128xi32, #tpu.memory_space<vmem>>
      %dma_start3A_43 = arith.constant 0 : i32
      %dma_start3A_44 = arith.constant 0 : i32
      %dma_start3A_45 = tpu.memref_slice %arg2[%dma_start3A_43, %dma_start3A_44] : memref<10240x128xf32, #tpu.memory_space<hbm>> -> memref<10240x128xf32, #tpu.memory_space<hbm>>
      tpu.enqueue_indirect_dma source(%dma_start3A_45 : memref<10240x128xf32, #tpu.memory_space<hbm>>) target(%arg9 : memref<128x128xf32, #tpu.memory_space<vmem>>) offsets(%dma_start3A_42 : memref<128xi32, #tpu.memory_space<vmem>>) semaphore(%arg12 : memref<!tpu.dma_semaphore, #tpu.memory_space<semaphore_mem>>)
      %scan3A_46 = arith.constant 0 : i32
      %scan3A_47 = arith.constant 0 : i32
      %scan3A_48 = arith.constant 20 : i32
      %scan3A_49 = arith.addi %scan3A_47, %scan3A_48 : i32
      %scan3A_50 = arith.constant 1 : i32
      %scan3A_51 = scf.for %scan3A_54 = %scan3A_47 to %scan3A_49 step %scan3A_50 iter_args(%scan3A_55 = %scan3A_46) -> (i32)  : i32 {
        %mul3A_56 = arith.constant 2 : i32
        %mul3A_57 = arith.muli %mul3A_56, %scan3A_54 : i32
        %dma_wait3A = arith.constant 0 : i32
        %dma_wait3A_58 = arith.constant 0 : i32
        %dma_wait3A_59 = tpu.memref_slice %arg8[%dma_wait3A, %dma_wait3A_58] : memref<40x128xi32, #tpu.memory_space<vmem>> -> memref<1x128xi32, #tpu.memory_space<vmem>>
        %dma_wait3A_60 = tpu.memref_squeeze %dma_wait3A_59 : memref<1x128xi32, #tpu.memory_space<vmem>> -> memref<128xi32, #tpu.memory_space<vmem>>
        %dma_wait3A_61 = arith.constant 0 : i32
        %dma_wait3A_62 = arith.constant 0 : i32
        %dma_wait3A_63 = tpu.memref_slice %arg2[%dma_wait3A_61, %dma_wait3A_62] : memref<10240x128xf32, #tpu.memory_space<hbm>> -> memref<10240x128xf32, #tpu.memory_space<hbm>>
        tpu.wait_indirect_dma semaphore(%arg12 : memref<!tpu.dma_semaphore, #tpu.memory_space<semaphore_mem>>) src(%dma_wait3A_63 : memref<10240x128xf32, #tpu.memory_space<hbm>>) dst(%arg9 : memref<128x128xf32, #tpu.memory_space<vmem>>)
        %add3A_64 = arith.constant 1 : i32
        %add3A_65 = arith.addi %mul3A_57, %add3A_64 : i32
        %dma_start3A_66 = arith.constant 0 : i32
        %dma_start3A_67 = tpu.memref_slice %arg8[%add3A_65, %dma_start3A_66] : memref<40x128xi32, #tpu.memory_space<vmem>> -> memref<1x128xi32, #tpu.memory_space<vmem>>
        %dma_start3A_68 = tpu.memref_squeeze %dma_start3A_67 : memref<1x128xi32, #tpu.memory_space<vmem>> -> memref<128xi32, #tpu.memory_space<vmem>>
        %dma_start3A_69 = arith.constant 0 : i32
        %dma_start3A_70 = arith.constant 0 : i32
        %dma_start3A_71 = tpu.memref_slice %arg2[%dma_start3A_69, %dma_start3A_70] : memref<10240x128xf32, #tpu.memory_space<hbm>> -> memref<10240x128xf32, #tpu.memory_space<hbm>>
        tpu.enqueue_indirect_dma source(%dma_start3A_71 : memref<10240x128xf32, #tpu.memory_space<hbm>>) target(%arg10 : memref<128x128xf32, #tpu.memory_space<vmem>>) offsets(%dma_start3A_68 : memref<128xi32, #tpu.memory_space<vmem>>) semaphore(%arg13 : memref<!tpu.dma_semaphore, #tpu.memory_space<semaphore_mem>>)
        %dma_start3A_72 = arith.constant 0 : i32
        %dma_start3A_73 = tpu.memref_slice %arg7[%mul3A_57, %dma_start3A_72] : memref<40x128xi32, #tpu.memory_space<vmem>> -> memref<1x128xi32, #tpu.memory_space<vmem>>
        %dma_start3A_74 = tpu.memref_squeeze %dma_start3A_73 : memref<1x128xi32, #tpu.memory_space<vmem>> -> memref<128xi32, #tpu.memory_space<vmem>>
        %dma_start3A_75 = arith.constant 0 : i32
        %dma_start3A_76 = arith.constant 0 : i32
        %dma_start3A_77 = tpu.memref_slice %arg11[%dma_start3A_75, %dma_start3A_76] : memref<10240x128xf32, #tpu.memory_space<vmem_shared>> -> memref<10240x128xf32, #tpu.memory_space<vmem_shared>>
        tpu.enqueue_indirect_dma source(%arg9 : memref<128x128xf32, #tpu.memory_space<vmem>>) target(%dma_start3A_77 : memref<10240x128xf32, #tpu.memory_space<vmem_shared>>) offsets(%dma_start3A_74 : memref<128xi32, #tpu.memory_space<vmem>>) semaphore(%arg14 : memref<!tpu.dma_semaphore, #tpu.memory_space<semaphore_mem>>) {add = true}
        %dma_wait3A_78 = arith.constant 0 : i32
        %dma_wait3A_79 = tpu.memref_slice %arg7[%mul3A_57, %dma_wait3A_78] : memref<40x128xi32, #tpu.memory_space<vmem>> -> memref<1x128xi32, #tpu.memory_space<vmem>>
        %dma_wait3A_80 = tpu.memref_squeeze %dma_wait3A_79 : memref<1x128xi32, #tpu.memory_space<vmem>> -> memref<128xi32, #tpu.memory_space<vmem>>
        %dma_wait3A_81 = arith.constant 0 : i32
        %dma_wait3A_82 = arith.constant 0 : i32
        %dma_wait3A_83 = tpu.memref_slice %arg11[%dma_wait3A_81, %dma_wait3A_82] : memref<10240x128xf32, #tpu.memory_space<vmem_shared>> -> memref<10240x128xf32, #tpu.memory_space<vmem_shared>>
        tpu.wait_indirect_dma semaphore(%arg14 : memref<!tpu.dma_semaphore, #tpu.memory_space<semaphore_mem>>) src(%arg9 : memref<128x128xf32, #tpu.memory_space<vmem>>) dst(%dma_wait3A_83 : memref<10240x128xf32, #tpu.memory_space<vmem_shared>>)
        %dma_wait3A_84 = arith.constant 0 : i32
        %dma_wait3A_85 = arith.constant 0 : i32
        %dma_wait3A_86 = tpu.memref_slice %arg8[%dma_wait3A_84, %dma_wait3A_85] : memref<40x128xi32, #tpu.memory_space<vmem>> -> memref<1x128xi32, #tpu.memory_space<vmem>>
        %dma_wait3A_87 = tpu.memref_squeeze %dma_wait3A_86 : memref<1x128xi32, #tpu.memory_space<vmem>> -> memref<128xi32, #tpu.memory_space<vmem>>
        %dma_wait3A_88 = arith.constant 0 : i32
        %dma_wait3A_89 = arith.constant 0 : i32
        %dma_wait3A_90 = tpu.memref_slice %arg2[%dma_wait3A_88, %dma_wait3A_89] : memref<10240x128xf32, #tpu.memory_space<hbm>> -> memref<10240x128xf32, #tpu.memory_space<hbm>>
        tpu.wait_indirect_dma semaphore(%arg13 : memref<!tpu.dma_semaphore, #tpu.memory_space<semaphore_mem>>) src(%dma_wait3A_90 : memref<10240x128xf32, #tpu.memory_space<hbm>>) dst(%arg10 : memref<128x128xf32, #tpu.memory_space<vmem>>)
        %lt3A = arith.constant 19 : i32
        %lt3A_91 = arith.cmpi slt, %scan3A_54, %lt3A : i32
        %convert_element_type3A = arith.extui %lt3A_91 : i1 to i32
        %cond3A = arith.constant 0 : i32
        %cond3A_92 = arith.cmpi ne, %convert_element_type3A, %cond3A : i32
        scf.if %cond3A_92 {
          %add3A_108 = arith.constant 2 : i32
          %add3A_109 = arith.addi %mul3A_57, %add3A_108 : i32
          %dma_start3A_110 = arith.constant 0 : i32
          %dma_start3A_111 = tpu.memref_slice %arg8[%add3A_109, %dma_start3A_110] : memref<40x128xi32, #tpu.memory_space<vmem>> -> memref<1x128xi32, #tpu.memory_space<vmem>>
          %dma_start3A_112 = tpu.memref_squeeze %dma_start3A_111 : memref<1x128xi32, #tpu.memory_space<vmem>> -> memref<128xi32, #tpu.memory_space<vmem>>
          %dma_start3A_113 = arith.constant 0 : i32
          %dma_start3A_114 = arith.constant 0 : i32
          %dma_start3A_115 = tpu.memref_slice %arg2[%dma_start3A_113, %dma_start3A_114] : memref<10240x128xf32, #tpu.memory_space<hbm>> -> memref<10240x128xf32, #tpu.memory_space<hbm>>
          tpu.enqueue_indirect_dma source(%dma_start3A_115 : memref<10240x128xf32, #tpu.memory_space<hbm>>) target(%arg9 : memref<128x128xf32, #tpu.memory_space<vmem>>) offsets(%dma_start3A_112 : memref<128xi32, #tpu.memory_space<vmem>>) semaphore(%arg12 : memref<!tpu.dma_semaphore, #tpu.memory_space<semaphore_mem>>)
        } else {
        }
        %add3A_93 = arith.constant 1 : i32
        %add3A_94 = arith.addi %mul3A_57, %add3A_93 : i32
        %dma_start3A_95 = arith.constant 0 : i32
        %dma_start3A_96 = tpu.memref_slice %arg7[%add3A_94, %dma_start3A_95] : memref<40x128xi32, #tpu.memory_space<vmem>> -> memref<1x128xi32, #tpu.memory_space<vmem>>
        %dma_start3A_97 = tpu.memref_squeeze %dma_start3A_96 : memref<1x128xi32, #tpu.memory_space<vmem>> -> memref<128xi32, #tpu.memory_space<vmem>>
        %dma_start3A_98 = arith.constant 0 : i32
        %dma_start3A_99 = arith.constant 0 : i32
        %dma_start3A_100 = tpu.memref_slice %arg11[%dma_start3A_98, %dma_start3A_99] : memref<10240x128xf32, #tpu.memory_space<vmem_shared>> -> memref<10240x128xf32, #tpu.memory_space<vmem_shared>>
        tpu.enqueue_indirect_dma source(%arg10 : memref<128x128xf32, #tpu.memory_space<vmem>>) target(%dma_start3A_100 : memref<10240x128xf32, #tpu.memory_space<vmem_shared>>) offsets(%dma_start3A_97 : memref<128xi32, #tpu.memory_space<vmem>>) semaphore(%arg14 : memref<!tpu.dma_semaphore, #tpu.memory_space<semaphore_mem>>) {add = true}
        %dma_wait3A_101 = arith.constant 0 : i32
        %dma_wait3A_102 = tpu.memref_slice %arg7[%add3A_94, %dma_wait3A_101] : memref<40x128xi32, #tpu.memory_space<vmem>> -> memref<1x128xi32, #tpu.memory_space<vmem>>
        %dma_wait3A_103 = tpu.memref_squeeze %dma_wait3A_102 : memref<1x128xi32, #tpu.memory_space<vmem>> -> memref<128xi32, #tpu.memory_space<vmem>>
        %dma_wait3A_104 = arith.constant 0 : i32
        %dma_wait3A_105 = arith.constant 0 : i32
        %dma_wait3A_106 = tpu.memref_slice %arg11[%dma_wait3A_104, %dma_wait3A_105] : memref<10240x128xf32, #tpu.memory_space<vmem_shared>> -> memref<10240x128xf32, #tpu.memory_space<vmem_shared>>
        tpu.wait_indirect_dma semaphore(%arg14 : memref<!tpu.dma_semaphore, #tpu.memory_space<semaphore_mem>>) src(%arg10 : memref<128x128xf32, #tpu.memory_space<vmem>>) dst(%dma_wait3A_106 : memref<10240x128xf32, #tpu.memory_space<vmem_shared>>)
        %scan3A_107 = arith.constant 0 : i32
        scf.yield %scan3A_107 : i32
      }
      %scan3A_52 = arith.constant 20 : i32
      %while3A_53 = arith.constant 0 : i32
      scf.yield %while3A_53 : i32
    }
    %while3A_20 = arith.constant 1 : i32
    %while3A_21 = scf.for %while3A_30 = %while3A_17 to %while3A_13 step %while3A_20 iter_args(%while3A_31 = %while3A_19) -> (i32)  : i32 {
      %mul3A_32 = arith.constant 160 : i32
      %mul3A_33 = arith.muli %arg1, %mul3A_32 : i32
      %mul3A_34 = arith.constant 120 : i32
      %mul3A_35 = arith.muli %arg0, %mul3A_34 : i32
      %add3A_36 = arith.addi %mul3A_33, %mul3A_35 : i32
      %mul3A_37 = arith.constant 40 : i32
      %mul3A_38 = arith.muli %while3A_30, %mul3A_37 : i32
      %add3A_39 = arith.addi %add3A_36, %mul3A_38 : i32
      "tpu.region"() ({
        %run_scoped3A = tpu.sem_alloc : memref<!tpu.dma_semaphore, #tpu.memory_space<semaphore_mem>>
        %dma_start3A_54 = arith.constant 0 : i32
        %dma_start3A_55 = tpu.memref_slice %arg4[%add3A_39, %dma_start3A_54] : memref<2560x128xi32, #tpu.memory_space<hbm>> -> memref<40x128xi32, #tpu.memory_space<hbm>>
        %dma_start3A_56 = arith.constant 0 : i32
        %dma_start3A_57 = tpu.memref_slice %arg4[%add3A_39, %dma_start3A_56] : memref<2560x128xi32, #tpu.memory_space<hbm>> -> memref<40x128xi32, #tpu.memory_space<hbm>>
        tpu.enqueue_dma source(%dma_start3A_57 : memref<40x128xi32, #tpu.memory_space<hbm>>) target(%arg7 : memref<40x128xi32, #tpu.memory_space<vmem>>) target_semaphore(%run_scoped3A : memref<!tpu.dma_semaphore, #tpu.memory_space<semaphore_mem>>)
        %dma_wait3A = arith.constant 0 : i32
        %dma_wait3A_58 = tpu.memref_slice %arg4[%add3A_39, %dma_wait3A] : memref<2560x128xi32, #tpu.memory_space<hbm>> -> memref<40x128xi32, #tpu.memory_space<hbm>>
        %dma_wait3A_59 = arith.constant 0 : i32
        %dma_wait3A_60 = tpu.memref_slice %arg4[%add3A_39, %dma_wait3A_59] : memref<2560x128xi32, #tpu.memory_space<hbm>> -> memref<40x128xi32, #tpu.memory_space<hbm>>
        tpu.wait_dma2 semaphore(%run_scoped3A : memref<!tpu.dma_semaphore, #tpu.memory_space<semaphore_mem>>) src(%dma_wait3A_60 : memref<40x128xi32, #tpu.memory_space<hbm>>) dst(%arg7 : memref<40x128xi32, #tpu.memory_space<vmem>>)
        tpu.yield
      }) : () -> ()
      "tpu.region"() ({
        %run_scoped3A = tpu.sem_alloc : memref<!tpu.dma_semaphore, #tpu.memory_space<semaphore_mem>>
        %dma_start3A_54 = arith.constant 0 : i32
        %dma_start3A_55 = tpu.memref_slice %arg3[%add3A_39, %dma_start3A_54] : memref<2560x128xi32, #tpu.memory_space<hbm>> -> memref<40x128xi32, #tpu.memory_space<hbm>>
        %dma_start3A_56 = arith.constant 0 : i32
        %dma_start3A_57 = tpu.memref_slice %arg3[%add3A_39, %dma_start3A_56] : memref<2560x128xi32, #tpu.memory_space<hbm>> -> memref<40x128xi32, #tpu.memory_space<hbm>>
        tpu.enqueue_dma source(%dma_start3A_57 : memref<40x128xi32, #tpu.memory_space<hbm>>) target(%arg8 : memref<40x128xi32, #tpu.memory_space<vmem>>) target_semaphore(%run_scoped3A : memref<!tpu.dma_semaphore, #tpu.memory_space<semaphore_mem>>)
        %dma_wait3A = arith.constant 0 : i32
        %dma_wait3A_58 = tpu.memref_slice %arg3[%add3A_39, %dma_wait3A] : memref<2560x128xi32, #tpu.memory_space<hbm>> -> memref<40x128xi32, #tpu.memory_space<hbm>>
        %dma_wait3A_59 = arith.constant 0 : i32
        %dma_wait3A_60 = tpu.memref_slice %arg3[%add3A_39, %dma_wait3A_59] : memref<2560x128xi32, #tpu.memory_space<hbm>> -> memref<40x128xi32, #tpu.memory_space<hbm>>
        tpu.wait_dma2 semaphore(%run_scoped3A : memref<!tpu.dma_semaphore, #tpu.memory_space<semaphore_mem>>) src(%dma_wait3A_60 : memref<40x128xi32, #tpu.memory_space<hbm>>) dst(%arg8 : memref<40x128xi32, #tpu.memory_space<vmem>>)
        tpu.yield
      }) : () -> ()
      %dma_start3A = arith.constant 0 : i32
      %dma_start3A_40 = arith.constant 0 : i32
      %dma_start3A_41 = tpu.memref_slice %arg8[%dma_start3A, %dma_start3A_40] : memref<40x128xi32, #tpu.memory_space<vmem>> -> memref<1x128xi32, #tpu.memory_space<vmem>>
      %dma_start3A_42 = tpu.memref_squeeze %dma_start3A_41 : memref<1x128xi32, #tpu.memory_space<vmem>> -> memref<128xi32, #tpu.memory_space<vmem>>
      %dma_start3A_43 = arith.constant 0 : i32
      %dma_start3A_44 = arith.constant 0 : i32
      %dma_start3A_45 = tpu.memref_slice %arg2[%dma_start3A_43, %dma_start3A_44] : memref<10240x128xf32, #tpu.memory_space<hbm>> -> memref<10240x128xf32, #tpu.memory_space<hbm>>
      tpu.enqueue_indirect_dma source(%dma_start3A_45 : memref<10240x128xf32, #tpu.memory_space<hbm>>) target(%arg9 : memref<128x128xf32, #tpu.memory_space<vmem>>) offsets(%dma_start3A_42 : memref<128xi32, #tpu.memory_space<vmem>>) semaphore(%arg12 : memref<!tpu.dma_semaphore, #tpu.memory_space<semaphore_mem>>)
      %scan3A_46 = arith.constant 0 : i32
      %scan3A_47 = arith.constant 0 : i32
      %scan3A_48 = arith.constant 20 : i32
      %scan3A_49 = arith.addi %scan3A_47, %scan3A_48 : i32
      %scan3A_50 = arith.constant 1 : i32
      %scan3A_51 = scf.for %scan3A_54 = %scan3A_47 to %scan3A_49 step %scan3A_50 iter_args(%scan3A_55 = %scan3A_46) -> (i32)  : i32 {
        %mul3A_56 = arith.constant 2 : i32
        %mul3A_57 = arith.muli %mul3A_56, %scan3A_54 : i32
        %dma_wait3A = arith.constant 0 : i32
        %dma_wait3A_58 = arith.constant 0 : i32
        %dma_wait3A_59 = tpu.memref_slice %arg8[%dma_wait3A, %dma_wait3A_58] : memref<40x128xi32, #tpu.memory_space<vmem>> -> memref<1x128xi32, #tpu.memory_space<vmem>>
        %dma_wait3A_60 = tpu.memref_squeeze %dma_wait3A_59 : memref<1x128xi32, #tpu.memory_space<vmem>> -> memref<128xi32, #tpu.memory_space<vmem>>
        %dma_wait3A_61 = arith.constant 0 : i32
        %dma_wait3A_62 = arith.constant 0 : i32
        %dma_wait3A_63 = tpu.memref_slice %arg2[%dma_wait3A_61, %dma_wait3A_62] : memref<10240x128xf32, #tpu.memory_space<hbm>> -> memref<10240x128xf32, #tpu.memory_space<hbm>>
        tpu.wait_indirect_dma semaphore(%arg12 : memref<!tpu.dma_semaphore, #tpu.memory_space<semaphore_mem>>) src(%dma_wait3A_63 : memref<10240x128xf32, #tpu.memory_space<hbm>>) dst(%arg9 : memref<128x128xf32, #tpu.memory_space<vmem>>)
        %add3A_64 = arith.constant 1 : i32
        %add3A_65 = arith.addi %mul3A_57, %add3A_64 : i32
        %dma_start3A_66 = arith.constant 0 : i32
        %dma_start3A_67 = tpu.memref_slice %arg8[%add3A_65, %dma_start3A_66] : memref<40x128xi32, #tpu.memory_space<vmem>> -> memref<1x128xi32, #tpu.memory_space<vmem>>
        %dma_start3A_68 = tpu.memref_squeeze %dma_start3A_67 : memref<1x128xi32, #tpu.memory_space<vmem>> -> memref<128xi32, #tpu.memory_space<vmem>>
        %dma_start3A_69 = arith.constant 0 : i32
        %dma_start3A_70 = arith.constant 0 : i32
        %dma_start3A_71 = tpu.memref_slice %arg2[%dma_start3A_69, %dma_start3A_70] : memref<10240x128xf32, #tpu.memory_space<hbm>> -> memref<10240x128xf32, #tpu.memory_space<hbm>>
        tpu.enqueue_indirect_dma source(%dma_start3A_71 : memref<10240x128xf32, #tpu.memory_space<hbm>>) target(%arg10 : memref<128x128xf32, #tpu.memory_space<vmem>>) offsets(%dma_start3A_68 : memref<128xi32, #tpu.memory_space<vmem>>) semaphore(%arg13 : memref<!tpu.dma_semaphore, #tpu.memory_space<semaphore_mem>>)
        %dma_start3A_72 = arith.constant 0 : i32
        %dma_start3A_73 = tpu.memref_slice %arg7[%mul3A_57, %dma_start3A_72] : memref<40x128xi32, #tpu.memory_space<vmem>> -> memref<1x128xi32, #tpu.memory_space<vmem>>
        %dma_start3A_74 = tpu.memref_squeeze %dma_start3A_73 : memref<1x128xi32, #tpu.memory_space<vmem>> -> memref<128xi32, #tpu.memory_space<vmem>>
        %dma_start3A_75 = arith.constant 0 : i32
        %dma_start3A_76 = arith.constant 0 : i32
        %dma_start3A_77 = tpu.memref_slice %arg11[%dma_start3A_75, %dma_start3A_76] : memref<10240x128xf32, #tpu.memory_space<vmem_shared>> -> memref<10240x128xf32, #tpu.memory_space<vmem_shared>>
        tpu.enqueue_indirect_dma source(%arg9 : memref<128x128xf32, #tpu.memory_space<vmem>>) target(%dma_start3A_77 : memref<10240x128xf32, #tpu.memory_space<vmem_shared>>) offsets(%dma_start3A_74 : memref<128xi32, #tpu.memory_space<vmem>>) semaphore(%arg14 : memref<!tpu.dma_semaphore, #tpu.memory_space<semaphore_mem>>) {add = true}
        %dma_wait3A_78 = arith.constant 0 : i32
        %dma_wait3A_79 = tpu.memref_slice %arg7[%mul3A_57, %dma_wait3A_78] : memref<40x128xi32, #tpu.memory_space<vmem>> -> memref<1x128xi32, #tpu.memory_space<vmem>>
        %dma_wait3A_80 = tpu.memref_squeeze %dma_wait3A_79 : memref<1x128xi32, #tpu.memory_space<vmem>> -> memref<128xi32, #tpu.memory_space<vmem>>
        %dma_wait3A_81 = arith.constant 0 : i32
        %dma_wait3A_82 = arith.constant 0 : i32
        %dma_wait3A_83 = tpu.memref_slice %arg11[%dma_wait3A_81, %dma_wait3A_82] : memref<10240x128xf32, #tpu.memory_space<vmem_shared>> -> memref<10240x128xf32, #tpu.memory_space<vmem_shared>>
        tpu.wait_indirect_dma semaphore(%arg14 : memref<!tpu.dma_semaphore, #tpu.memory_space<semaphore_mem>>) src(%arg9 : memref<128x128xf32, #tpu.memory_space<vmem>>) dst(%dma_wait3A_83 : memref<10240x128xf32, #tpu.memory_space<vmem_shared>>)
        %dma_wait3A_84 = arith.constant 0 : i32
        %dma_wait3A_85 = arith.constant 0 : i32
        %dma_wait3A_86 = tpu.memref_slice %arg8[%dma_wait3A_84, %dma_wait3A_85] : memref<40x128xi32, #tpu.memory_space<vmem>> -> memref<1x128xi32, #tpu.memory_space<vmem>>
        %dma_wait3A_87 = tpu.memref_squeeze %dma_wait3A_86 : memref<1x128xi32, #tpu.memory_space<vmem>> -> memref<128xi32, #tpu.memory_space<vmem>>
        %dma_wait3A_88 = arith.constant 0 : i32
        %dma_wait3A_89 = arith.constant 0 : i32
        %dma_wait3A_90 = tpu.memref_slice %arg2[%dma_wait3A_88, %dma_wait3A_89] : memref<10240x128xf32, #tpu.memory_space<hbm>> -> memref<10240x128xf32, #tpu.memory_space<hbm>>
        tpu.wait_indirect_dma semaphore(%arg13 : memref<!tpu.dma_semaphore, #tpu.memory_space<semaphore_mem>>) src(%dma_wait3A_90 : memref<10240x128xf32, #tpu.memory_space<hbm>>) dst(%arg10 : memref<128x128xf32, #tpu.memory_space<vmem>>)
        %lt3A = arith.constant 19 : i32
        %lt3A_91 = arith.cmpi slt, %scan3A_54, %lt3A : i32
        %convert_element_type3A = arith.extui %lt3A_91 : i1 to i32
        %cond3A = arith.constant 0 : i32
        %cond3A_92 = arith.cmpi ne, %convert_element_type3A, %cond3A : i32
        scf.if %cond3A_92 {
          %add3A_108 = arith.constant 2 : i32
          %add3A_109 = arith.addi %mul3A_57, %add3A_108 : i32
          %dma_start3A_110 = arith.constant 0 : i32
          %dma_start3A_111 = tpu.memref_slice %arg8[%add3A_109, %dma_start3A_110] : memref<40x128xi32, #tpu.memory_space<vmem>> -> memref<1x128xi32, #tpu.memory_space<vmem>>
          %dma_start3A_112 = tpu.memref_squeeze %dma_start3A_111 : memref<1x128xi32, #tpu.memory_space<vmem>> -> memref<128xi32, #tpu.memory_space<vmem>>
          %dma_start3A_113 = arith.constant 0 : i32
          %dma_start3A_114 = arith.constant 0 : i32
          %dma_start3A_115 = tpu.memref_slice %arg2[%dma_start3A_113, %dma_start3A_114] : memref<10240x128xf32, #tpu.memory_space<hbm>> -> memref<10240x128xf32, #tpu.memory_space<hbm>>
          tpu.enqueue_indirect_dma source(%dma_start3A_115 : memref<10240x128xf32, #tpu.memory_space<hbm>>) target(%arg9 : memref<128x128xf32, #tpu.memory_space<vmem>>) offsets(%dma_start3A_112 : memref<128xi32, #tpu.memory_space<vmem>>) semaphore(%arg12 : memref<!tpu.dma_semaphore, #tpu.memory_space<semaphore_mem>>)
        } else {
        }
        %add3A_93 = arith.constant 1 : i32
        %add3A_94 = arith.addi %mul3A_57, %add3A_93 : i32
        %dma_start3A_95 = arith.constant 0 : i32
        %dma_start3A_96 = tpu.memref_slice %arg7[%add3A_94, %dma_start3A_95] : memref<40x128xi32, #tpu.memory_space<vmem>> -> memref<1x128xi32, #tpu.memory_space<vmem>>
        %dma_start3A_97 = tpu.memref_squeeze %dma_start3A_96 : memref<1x128xi32, #tpu.memory_space<vmem>> -> memref<128xi32, #tpu.memory_space<vmem>>
        %dma_start3A_98 = arith.constant 0 : i32
        %dma_start3A_99 = arith.constant 0 : i32
        %dma_start3A_100 = tpu.memref_slice %arg11[%dma_start3A_98, %dma_start3A_99] : memref<10240x128xf32, #tpu.memory_space<vmem_shared>> -> memref<10240x128xf32, #tpu.memory_space<vmem_shared>>
        tpu.enqueue_indirect_dma source(%arg10 : memref<128x128xf32, #tpu.memory_space<vmem>>) target(%dma_start3A_100 : memref<10240x128xf32, #tpu.memory_space<vmem_shared>>) offsets(%dma_start3A_97 : memref<128xi32, #tpu.memory_space<vmem>>) semaphore(%arg14 : memref<!tpu.dma_semaphore, #tpu.memory_space<semaphore_mem>>) {add = true}
        %dma_wait3A_101 = arith.constant 0 : i32
        %dma_wait3A_102 = tpu.memref_slice %arg7[%add3A_94, %dma_wait3A_101] : memref<40x128xi32, #tpu.memory_space<vmem>> -> memref<1x128xi32, #tpu.memory_space<vmem>>
        %dma_wait3A_103 = tpu.memref_squeeze %dma_wait3A_102 : memref<1x128xi32, #tpu.memory_space<vmem>> -> memref<128xi32, #tpu.memory_space<vmem>>
        %dma_wait3A_104 = arith.constant 0 : i32
        %dma_wait3A_105 = arith.constant 0 : i32
        %dma_wait3A_106 = tpu.memref_slice %arg11[%dma_wait3A_104, %dma_wait3A_105] : memref<10240x128xf32, #tpu.memory_space<vmem_shared>> -> memref<10240x128xf32, #tpu.memory_space<vmem_shared>>
        tpu.wait_indirect_dma semaphore(%arg14 : memref<!tpu.dma_semaphore, #tpu.memory_space<semaphore_mem>>) src(%arg10 : memref<128x128xf32, #tpu.memory_space<vmem>>) dst(%dma_wait3A_106 : memref<10240x128xf32, #tpu.memory_space<vmem_shared>>)
        %scan3A_107 = arith.constant 0 : i32
        scf.yield %scan3A_107 : i32
      }
      %scan3A_52 = arith.constant 20 : i32
      %while3A_53 = arith.constant 0 : i32
      scf.yield %while3A_53 : i32
    }
    %barrier3A_22 = arith.constant 0 : index
    tpu.barrier barrier_id(%barrier3A_22)
    %scan3A_23 = arith.constant 0 : i32
    %scan3A_24 = arith.constant 0 : i32
    %scan3A_25 = arith.constant 5 : i32
    %scan3A_26 = arith.addi %scan3A_24, %scan3A_25 : i32
    %scan3A_27 = arith.constant 1 : i32
    %scan3A_28 = scf.for %scan3A_30 = %scan3A_24 to %scan3A_26 step %scan3A_27 iter_args(%scan3A_31 = %scan3A_23) -> (i32)  : i32 {
      %mul3A_32 = arith.constant 128 : i32
      %mul3A_33 = arith.muli %scan3A_30, %mul3A_32 : i32
      %add3A_34 = arith.addi %mul3A_0, %mul3A_33 : i32
      "tpu.region"() ({
        %run_scoped3A = tpu.sem_alloc : memref<!tpu.dma_semaphore, #tpu.memory_space<semaphore_mem>>
        %dma_start3A = arith.constant 0 : i32
        %dma_start3A_40 = tpu.memref_slice %arg11[%add3A_34, %dma_start3A] : memref<10240x128xf32, #tpu.memory_space<vmem_shared>> -> memref<128x128xf32, #tpu.memory_space<vmem_shared>>
        %dma_start3A_41 = arith.constant 0 : i32
        %dma_start3A_42 = tpu.memref_slice %arg11[%add3A_34, %dma_start3A_41] : memref<10240x128xf32, #tpu.memory_space<vmem_shared>> -> memref<128x128xf32, #tpu.memory_space<vmem_shared>>
        tpu.enqueue_dma source(%dma_start3A_42 : memref<128x128xf32, #tpu.memory_space<vmem_shared>>) target(%arg9 : memref<128x128xf32, #tpu.memory_space<vmem>>) target_semaphore(%run_scoped3A : memref<!tpu.dma_semaphore, #tpu.memory_space<semaphore_mem>>)
        %dma_wait3A = arith.constant 0 : i32
        %dma_wait3A_43 = tpu.memref_slice %arg11[%add3A_34, %dma_wait3A] : memref<10240x128xf32, #tpu.memory_space<vmem_shared>> -> memref<128x128xf32, #tpu.memory_space<vmem_shared>>
        %dma_wait3A_44 = arith.constant 0 : i32
        %dma_wait3A_45 = tpu.memref_slice %arg11[%add3A_34, %dma_wait3A_44] : memref<10240x128xf32, #tpu.memory_space<vmem_shared>> -> memref<128x128xf32, #tpu.memory_space<vmem_shared>>
        tpu.wait_dma2 semaphore(%run_scoped3A : memref<!tpu.dma_semaphore, #tpu.memory_space<semaphore_mem>>) src(%dma_wait3A_45 : memref<128x128xf32, #tpu.memory_space<vmem_shared>>) dst(%arg9 : memref<128x128xf32, #tpu.memory_space<vmem>>)
        tpu.yield
      }) : () -> ()
      %mul3A_35 = arith.constant 10240 : i32
      %mul3A_36 = arith.muli %arg0, %mul3A_35 : i32
      %add3A_37 = arith.addi %mul3A_36, %mul3A_0 : i32
      %add3A_38 = arith.addi %add3A_37, %mul3A_33 : i32
      "tpu.region"() ({
        %run_scoped3A = tpu.sem_alloc : memref<!tpu.dma_semaphore, #tpu.memory_space<semaphore_mem>>
        %dma_start3A = arith.constant 0 : i32
        %dma_start3A_40 = tpu.memref_slice %arg6[%add3A_38, %dma_start3A] : memref<20480x128xf32, #tpu.memory_space<hbm>> -> memref<128x128xf32, #tpu.memory_space<hbm>>
        %dma_start3A_41 = arith.constant 0 : i32
        %dma_start3A_42 = tpu.memref_slice %arg6[%add3A_38, %dma_start3A_41] : memref<20480x128xf32, #tpu.memory_space<hbm>> -> memref<128x128xf32, #tpu.memory_space<hbm>>
        tpu.enqueue_dma source(%arg9 : memref<128x128xf32, #tpu.memory_space<vmem>>) target(%dma_start3A_42 : memref<128x128xf32, #tpu.memory_space<hbm>>) target_semaphore(%run_scoped3A : memref<!tpu.dma_semaphore, #tpu.memory_space<semaphore_mem>>)
        %dma_wait3A = arith.constant 0 : i32
        %dma_wait3A_43 = tpu.memref_slice %arg6[%add3A_38, %dma_wait3A] : memref<20480x128xf32, #tpu.memory_space<hbm>> -> memref<128x128xf32, #tpu.memory_space<hbm>>
        %dma_wait3A_44 = arith.constant 0 : i32
        %dma_wait3A_45 = tpu.memref_slice %arg6[%add3A_38, %dma_wait3A_44] : memref<20480x128xf32, #tpu.memory_space<hbm>> -> memref<128x128xf32, #tpu.memory_space<hbm>>
        tpu.wait_dma2 semaphore(%run_scoped3A : memref<!tpu.dma_semaphore, #tpu.memory_space<semaphore_mem>>) src(%arg9 : memref<128x128xf32, #tpu.memory_space<vmem>>) dst(%dma_wait3A_45 : memref<128x128xf32, #tpu.memory_space<hbm>>)
        tpu.yield
      }) : () -> ()
      %scan3A_39 = arith.constant 0 : i32
      scf.yield %scan3A_39 : i32
    }
    %scan3A_29 = arith.constant 5 : i32
    return
  }
}

module attributes {stable_mosaic.version = 14 : i64} {
  func.func @_mm_body(%arg0: i32, %arg1: memref<1024x128xf32, #tpu.memory_space<vmem>>, %arg2: memref<128x128xf32, #tpu.memory_space<vmem>>, %arg3: memref<1x128xf32, #tpu.memory_space<vmem>>, %arg4: memref<1024x128xf32, #tpu.memory_space<vmem>>) attributes {dimension_semantics = [#tpu.dimension_semantics<arbitrary>], iteration_bounds = array<i64: 10>, scalar_prefetch = 0 : i64, scratch_operands = 0 : i64, tpu.core_type = #tpu.core_type<tc>, window_params = [{transform_indices = @transform_0, window_bounds = array<i64: 1024, 128>}, {pipeline_mode = #tpu.pipeline_mode<synchronous>, transform_indices = @transform_1, window_bounds = array<i64: 128, 128>}, {pipeline_mode = #tpu.pipeline_mode<synchronous>, transform_indices = @transform_2, window_bounds = array<i64: 1, 128>}, {transform_indices = @transform_3, window_bounds = array<i64: 1024, 128>}]} {
    %get3A = arith.constant 0 : index
    %get3A_0 = arith.constant 0 : index
    %get3A_1 = vector.load %arg1[%get3A, %get3A_0] : memref<1024x128xf32, #tpu.memory_space<vmem>>, vector<1024x128xf32>
    %get3A_2 = arith.constant 0 : index
    %get3A_3 = arith.constant 0 : index
    %get3A_4 = vector.load %arg2[%get3A_2, %get3A_3] : memref<128x128xf32, #tpu.memory_space<vmem>>, vector<128x128xf32>
    %dot_general3A = arith.constant dense<0.000000e+00> : vector<1024x128xf32>
    %dot_general3A_5 = tpu.matmul %get3A_1, %get3A_4, %dot_general3A {dimension_numbers = #tpu.dot_dimension_numbers<[1], [1], [0], [0], [0, 0, 1, 0], [], []>, transpose_lhs_hint = false} : vector<1024x128xf32>, vector<128x128xf32>, vector<1024x128xf32> -> vector<1024x128xf32>
    %get3A_6 = arith.constant 0 : index
    %get3A_7 = arith.constant 0 : index
    %get3A_8 = vector.load %arg3[%get3A_6, %get3A_7] : memref<1x128xf32, #tpu.memory_space<vmem>>, vector<1x128xf32>
    %add3A = vector.broadcast %get3A_8 : vector<1x128xf32> to vector<1024x128xf32>
    %add3A_9 = arith.addf %dot_general3A_5, %add3A : vector<1024x128xf32>
    %swap3A = arith.constant 0 : index
    %swap3A_10 = arith.constant 0 : index
    %swap3A_11 = vector.load %arg4[%swap3A, %swap3A_10] : memref<1024x128xf32, #tpu.memory_space<vmem>>, vector<1024x128xf32>
    tpu.vector_store %arg4[%swap3A, %swap3A_10], %add3A_9 {strides = array<i32>} : memref<1024x128xf32, #tpu.memory_space<vmem>>, vector<1024x128xf32>,
    return
  }
  func.func @transform_0(%arg0: i32) -> (i32, i32) {
    %c0_i32 = arith.constant 0 : i32
    %c0_i32_0 = arith.constant 0 : i32
    return %arg0, %c0_i32 : i32, i32
  }
  func.func @transform_1(%arg0: i32) -> (i32, i32) {
    %c0_i32 = arith.constant 0 : i32
    %c0_i32_0 = arith.constant 0 : i32
    %c0_i32_1 = arith.constant 0 : i32
    return %c0_i32, %c0_i32_0 : i32, i32
  }
  func.func @transform_2(%arg0: i32) -> (i32, i32) {
    %c0_i32 = arith.constant 0 : i32
    %c0_i32_0 = arith.constant 0 : i32
    %c0_i32_1 = arith.constant 0 : i32
    return %c0_i32, %c0_i32_0 : i32, i32
  }
  func.func @transform_3(%arg0: i32) -> (i32, i32) {
    %c0_i32 = arith.constant 0 : i32
    %c0_i32_0 = arith.constant 0 : i32
    return %arg0, %c0_i32 : i32, i32
  }
}

module attributes {stable_mosaic.version = 14 : i64} {
  func.func @_fuse_mm_body(%arg0: i32, %arg1: memref<1024x128xf32, #tpu.memory_space<vmem>>, %arg2: memref<1024x128xf32, #tpu.memory_space<vmem>>, %arg3: memref<1024x128xf32, #tpu.memory_space<vmem>>, %arg4: memref<1024x16xf32, #tpu.memory_space<vmem>>, %arg5: memref<1024x16xf32, #tpu.memory_space<vmem>>, %arg6: memref<128x128xf32, #tpu.memory_space<vmem>>, %arg7: memref<1x128xf32, #tpu.memory_space<vmem>>, %arg8: memref<1024x128xf32, #tpu.memory_space<vmem>>) attributes {dimension_semantics = [#tpu.dimension_semantics<arbitrary>], iteration_bounds = array<i64: 10>, scalar_prefetch = 0 : i64, scratch_operands = 0 : i64, tpu.core_type = #tpu.core_type<tc>, window_params = [{transform_indices = @transform_0, window_bounds = array<i64: 1024, 128>}, {transform_indices = @transform_1, window_bounds = array<i64: 1024, 128>}, {transform_indices = @transform_2, window_bounds = array<i64: 1024, 128>}, {transform_indices = @transform_3, window_bounds = array<i64: 1024, 16>}, {transform_indices = @transform_4, window_bounds = array<i64: 1024, 16>}, {pipeline_mode = #tpu.pipeline_mode<synchronous>, transform_indices = @transform_5, window_bounds = array<i64: 128, 128>}, {pipeline_mode = #tpu.pipeline_mode<synchronous>, transform_indices = @transform_6, window_bounds = array<i64: 1, 128>}, {transform_indices = @transform_7, window_bounds = array<i64: 1024, 128>}]} {
    %get3A = arith.constant 0 : index
    %get3A_0 = arith.constant 0 : index
    %get3A_1 = vector.load %arg4[%get3A, %get3A_0] : memref<1024x16xf32, #tpu.memory_space<vmem>>, vector<1024x16xf32>
    %slice3A = vector.extract_strided_slice %get3A_1 {offsets = [0, 0], sizes = [1024, 1], strides = [1, 1]} : vector<1024x16xf32> to vector<1024x1xf32>
    %add3A = arith.constant 1.000000e+00 : f32
    %add3A_2 = vector.broadcast %add3A : f32 to vector<1024x1xf32>
    %add3A_3 = arith.addf %add3A_2, %slice3A : vector<1024x1xf32>
    %get3A_4 = arith.constant 0 : index
    %get3A_5 = arith.constant 0 : index
    %get3A_6 = vector.load %arg5[%get3A_4, %get3A_5] : memref<1024x16xf32, #tpu.memory_space<vmem>>, vector<1024x16xf32>
    %slice3A_7 = vector.extract_strided_slice %get3A_6 {offsets = [0, 0], sizes = [1024, 1], strides = [1, 1]} : vector<1024x16xf32> to vector<1024x1xf32>
    %add3A_8 = arith.addf %add3A_3, %slice3A_7 : vector<1024x1xf32>
    %get3A_9 = arith.constant 0 : index
    %get3A_10 = arith.constant 0 : index
    %get3A_11 = vector.load %arg1[%get3A_9, %get3A_10] : memref<1024x128xf32, #tpu.memory_space<vmem>>, vector<1024x128xf32>
    %get3A_12 = arith.constant 0 : index
    %get3A_13 = arith.constant 0 : index
    %get3A_14 = vector.load %arg2[%get3A_12, %get3A_13] : memref<1024x128xf32, #tpu.memory_space<vmem>>, vector<1024x128xf32>
    %add3A_15 = arith.addf %get3A_11, %get3A_14 : vector<1024x128xf32>
    %get3A_16 = arith.constant 0 : index
    %get3A_17 = arith.constant 0 : index
    %get3A_18 = vector.load %arg3[%get3A_16, %get3A_17] : memref<1024x128xf32, #tpu.memory_space<vmem>>, vector<1024x128xf32>
    %add3A_19 = arith.addf %add3A_15, %get3A_18 : vector<1024x128xf32>
    %div3A = vector.broadcast %add3A_8 : vector<1024x1xf32> to vector<1024x128xf32>
    %div3A_20 = arith.divf %add3A_19, %div3A : vector<1024x128xf32>
    %tanh3A = math.tanh %div3A_20 : vector<1024x128xf32>
    %get3A_21 = arith.constant 0 : index
    %get3A_22 = arith.constant 0 : index
    %get3A_23 = vector.load %arg6[%get3A_21, %get3A_22] : memref<128x128xf32, #tpu.memory_space<vmem>>, vector<128x128xf32>
    %dot_general3A = arith.constant dense<0.000000e+00> : vector<1024x128xf32>
    %dot_general3A_24 = tpu.matmul %tanh3A, %get3A_23, %dot_general3A {dimension_numbers = #tpu.dot_dimension_numbers<[1], [1], [0], [0], [0, 0, 1, 0], [], []>, transpose_lhs_hint = false} : vector<1024x128xf32>, vector<128x128xf32>, vector<1024x128xf32> -> vector<1024x128xf32>
    %get3A_25 = arith.constant 0 : index
    %get3A_26 = arith.constant 0 : index
    %get3A_27 = vector.load %arg7[%get3A_25, %get3A_26] : memref<1x128xf32, #tpu.memory_space<vmem>>, vector<1x128xf32>
    %add3A_28 = vector.broadcast %get3A_27 : vector<1x128xf32> to vector<1024x128xf32>
    %add3A_29 = arith.addf %dot_general3A_24, %add3A_28 : vector<1024x128xf32>
    %swap3A = arith.constant 0 : index
    %swap3A_30 = arith.constant 0 : index
    %swap3A_31 = vector.load %arg8[%swap3A, %swap3A_30] : memref<1024x128xf32, #tpu.memory_space<vmem>>, vector<1024x128xf32>
    tpu.vector_store %arg8[%swap3A, %swap3A_30], %add3A_29 {strides = array<i32>} : memref<1024x128xf32, #tpu.memory_space<vmem>>, vector<1024x128xf32>,
    return
  }
  func.func @transform_0(%arg0: i32) -> (i32, i32) {
    %c0_i32 = arith.constant 0 : i32
    %c0_i32_0 = arith.constant 0 : i32
    return %arg0, %c0_i32 : i32, i32
  }
  func.func @transform_1(%arg0: i32) -> (i32, i32) {
    %c0_i32 = arith.constant 0 : i32
    %c0_i32_0 = arith.constant 0 : i32
    return %arg0, %c0_i32 : i32, i32
  }
  func.func @transform_2(%arg0: i32) -> (i32, i32) {
    %c0_i32 = arith.constant 0 : i32
    %c0_i32_0 = arith.constant 0 : i32
    return %arg0, %c0_i32 : i32, i32
  }
  func.func @transform_3(%arg0: i32) -> (i32, i32) {
    %c0_i32 = arith.constant 0 : i32
    %c0_i32_0 = arith.constant 0 : i32
    return %arg0, %c0_i32 : i32, i32
  }
  func.func @transform_4(%arg0: i32) -> (i32, i32) {
    %c0_i32 = arith.constant 0 : i32
    %c0_i32_0 = arith.constant 0 : i32
    return %arg0, %c0_i32 : i32, i32
  }
  func.func @transform_5(%arg0: i32) -> (i32, i32) {
    %c0_i32 = arith.constant 0 : i32
    %c0_i32_0 = arith.constant 0 : i32
    %c0_i32_1 = arith.constant 0 : i32
    return %c0_i32, %c0_i32_0 : i32, i32
  }
  func.func @transform_6(%arg0: i32) -> (i32, i32) {
    %c0_i32 = arith.constant 0 : i32
    %c0_i32_0 = arith.constant 0 : i32
    %c0_i32_1 = arith.constant 0 : i32
    return %c0_i32, %c0_i32_0 : i32, i32
  }
  func.func @transform_7(%arg0: i32) -> (i32, i32) {
    %c0_i32 = arith.constant 0 : i32
    %c0_i32_0 = arith.constant 0 : i32
    return %arg0, %c0_i32 : i32, i32
  }
}

module attributes {stable_mosaic.version = 14 : i64} {
  func.func @_topk_body(%arg0: memref<1x10000xi32, #tpu.memory_space<vmem>>, %arg1: memref<1x10000xf32, #tpu.memory_space<vmem>>, %arg2: memref<1x10000xf32, #tpu.memory_space<vmem>>, %arg3: memref<1x10000xf32, #tpu.memory_space<vmem>>, %arg4: memref<1x10000xf32, #tpu.memory_space<vmem>>, %arg5: memref<1x10000xf32, #tpu.memory_space<vmem>>, %arg6: memref<100x64xf32, #tpu.memory_space<vmem>>) attributes {dimension_semantics = [], scalar_prefetch = 0 : i64, scratch_operands = 0 : i64, tpu.core_type = #tpu.core_type<tc>} {
    %get3A = arith.constant 0 : index
    %get3A_0 = arith.constant 0 : index
    %get3A_1 = vector.load %arg4[%get3A, %get3A_0] : memref<1x10000xf32, #tpu.memory_space<vmem>>, vector<1x10000xf32>
    %add3A = arith.constant 1.000000e+00 : f32
    %add3A_2 = vector.broadcast %add3A : f32 to vector<1x10000xf32>
    %add3A_3 = arith.addf %add3A_2, %get3A_1 : vector<1x10000xf32>
    %get3A_4 = arith.constant 0 : index
    %get3A_5 = arith.constant 0 : index
    %get3A_6 = vector.load %arg5[%get3A_4, %get3A_5] : memref<1x10000xf32, #tpu.memory_space<vmem>>, vector<1x10000xf32>
    %add3A_7 = arith.addf %add3A_3, %get3A_6 : vector<1x10000xf32>
    %get3A_8 = arith.constant 0 : index
    %get3A_9 = arith.constant 0 : index
    %get3A_10 = vector.load %arg1[%get3A_8, %get3A_9] : memref<1x10000xf32, #tpu.memory_space<vmem>>, vector<1x10000xf32>
    %get3A_11 = arith.constant 0 : index
    %get3A_12 = arith.constant 0 : index
    %get3A_13 = vector.load %arg2[%get3A_11, %get3A_12] : memref<1x10000xf32, #tpu.memory_space<vmem>>, vector<1x10000xf32>
    %add3A_14 = arith.addf %get3A_10, %get3A_13 : vector<1x10000xf32>
    %get3A_15 = arith.constant 0 : index
    %get3A_16 = arith.constant 0 : index
    %get3A_17 = vector.load %arg3[%get3A_15, %get3A_16] : memref<1x10000xf32, #tpu.memory_space<vmem>>, vector<1x10000xf32>
    %add3A_18 = arith.addf %add3A_14, %get3A_17 : vector<1x10000xf32>
    %div3A = arith.divf %add3A_18, %add3A_7 : vector<1x10000xf32>
    %tanh3A = math.tanh %div3A : vector<1x10000xf32>
    %iota3A = tpu.iota {dimensions = array<i32: 0>} : vector<100x10000xi32>
    %get3A_19 = arith.constant 0 : index
    %get3A_20 = arith.constant 0 : index
    %get3A_21 = vector.load %arg0[%get3A_19, %get3A_20] : memref<1x10000xi32, #tpu.memory_space<vmem>>, vector<1x10000xi32>
    %broadcast_in_dim3A = vector.shape_cast %get3A_21 : vector<1x10000xi32> to vector<1x10000xi32>
    %broadcast_in_dim3A_22 = vector.broadcast %broadcast_in_dim3A : vector<1x10000xi32> to vector<100x10000xi32>
    %eq3A = arith.cmpi eq, %broadcast_in_dim3A_22, %iota3A : vector<100x10000xi32>
    %broadcast_in_dim3A_23 = vector.shape_cast %tanh3A : vector<1x10000xf32> to vector<1x10000xf32>
    %broadcast_in_dim3A_24 = vector.broadcast %broadcast_in_dim3A_23 : vector<1x10000xf32> to vector<100x10000xf32>
    %jit3A = arith.constant 0xFF800000 : f32
    %broadcast_in_dim3A_25 = vector.broadcast %jit3A : f32 to vector<100x10000xf32>
    %select_n3A = arith.select %eq3A, %broadcast_in_dim3A_24, %broadcast_in_dim3A_25 : vector<100x10000xi1>, vector<100x10000xf32>
    %iota3A_26 = tpu.iota {dimensions = array<i32: 1>} : vector<100x10000xi32>
    %iota3A_27 = tpu.iota {dimensions = array<i32: 1>} : vector<100x64xi32>
    %broadcast_in_dim3A_28 = arith.constant 0.000000e+00 : f32
    %broadcast_in_dim3A_29 = vector.broadcast %broadcast_in_dim3A_28 : f32 to vector<100x64xf32>
    %scan3A = arith.constant 10000 : i32
    %scan3A_30 = arith.constant 0xFF800000 : f32
    %scan3A_31 = arith.constant 0 : i32
    %scan3A_32 = arith.constant 64 : i32
    %scan3A_33 = arith.addi %scan3A_31, %scan3A_32 : i32
    %scan3A_34 = arith.constant 1 : i32
    %scan3A_35:2 = scf.for %scan3A_39 = %scan3A_31 to %scan3A_33 step %scan3A_34 iter_args(%scan3A_40 = %select_n3A, %scan3A_41 = %broadcast_in_dim3A_29) -> (vector<100x10000xf32>, vector<100x64xf32>)  : i32 {
      %reduce_max3A = arith.constant dense<0xFF800000> : vector<100xf32>
      %reduce_max3A_42 = vector.multi_reduction <maximumf>, %scan3A_40, %reduce_max3A [1] : vector<100x10000xf32> to vector<100xf32>
      %broadcast_in_dim3A_43 = vector.shape_cast %reduce_max3A_42 : vector<100xf32> to vector<100x1xf32>
      %eq3A_44 = vector.broadcast %broadcast_in_dim3A_43 : vector<100x1xf32> to vector<100x10000xf32>
      %eq3A_45 = arith.cmpf oeq, %scan3A_40, %eq3A_44 : vector<100x10000xf32>
      %broadcast_in_dim3A_46 = vector.broadcast %scan3A : i32 to vector<100x10000xi32>
      %select_n3A_47 = arith.select %eq3A_45, %iota3A_26, %broadcast_in_dim3A_46 : vector<100x10000xi1>, vector<100x10000xi32>
      %reduce_min3A = arith.constant dense<2147483647> : vector<100xi32>
      %reduce_min3A_48 = vector.multi_reduction <minsi>, %select_n3A_47, %reduce_min3A [1] : vector<100x10000xi32> to vector<100xi32>
      %broadcast_in_dim3A_49 = vector.shape_cast %reduce_min3A_48 : vector<100xi32> to vector<100x1xi32>
      %eq3A_50 = vector.broadcast %scan3A_30 : f32 to vector<100x1xf32>
      %eq3A_51 = arith.cmpf oeq, %broadcast_in_dim3A_43, %eq3A_50 : vector<100x1xf32>
      %jit3A_52 = arith.constant 0.000000e+00 : f32
      %broadcast_in_dim3A_53 = vector.broadcast %jit3A_52 : f32 to vector<100x1xf32>
      %select_n3A_54 = arith.select %eq3A_51, %broadcast_in_dim3A_53, %broadcast_in_dim3A_43 : vector<100x1xi1>, vector<100x1xf32>
      %eq3A_55 = vector.broadcast %scan3A_39 : i32 to vector<100x64xi32>
      %eq3A_56 = arith.cmpi eq, %iota3A_27, %eq3A_55 : vector<100x64xi32>
      %broadcast_in_dim3A_57 = vector.shape_cast %select_n3A_54 : vector<100x1xf32> to vector<100x1xf32>
      %broadcast_in_dim3A_58 = vector.broadcast %broadcast_in_dim3A_57 : vector<100x1xf32> to vector<100x64xf32>
      %select_n3A_59 = arith.select %eq3A_56, %broadcast_in_dim3A_58, %scan3A_41 : vector<100x64xi1>, vector<100x64xf32>
      %eq3A_60 = vector.broadcast %broadcast_in_dim3A_49 : vector<100x1xi32> to vector<100x10000xi32>
      %eq3A_61 = arith.cmpi eq, %iota3A_26, %eq3A_60 : vector<100x10000xi32>
      %broadcast_in_dim3A_62 = vector.broadcast %scan3A_30 : f32 to vector<100x10000xf32>
      %select_n3A_63 = arith.select %eq3A_61, %broadcast_in_dim3A_62, %scan3A_40 : vector<100x10000xi1>, vector<100x10000xf32>
      scf.yield %select_n3A_63, %select_n3A_59 : vector<100x10000xf32>, vector<100x64xf32>
    }
    %scan3A_36 = arith.constant 64 : i32
    %swap3A = arith.constant 0 : index
    %swap3A_37 = arith.constant 0 : index
    %swap3A_38 = vector.load %arg6[%swap3A, %swap3A_37] : memref<100x64xf32, #tpu.memory_space<vmem>>, vector<100x64xf32>
    tpu.vector_store %arg6[%swap3A, %swap3A_37], %scan3A_35#1 {strides = array<i32>} : memref<100x64xf32, #tpu.memory_space<vmem>>, vector<100x64xf32>,
    return
  }
}

module attributes {stable_mosaic.version = 14 : i64} {
  func.func @_tail_body(%arg0: memref<100x64xf32, #tpu.memory_space<vmem>>, %arg1: memref<16x385xf32, #tpu.memory_space<vmem>>, %arg2: memref<1x16xf32, #tpu.memory_space<vmem>>, %arg3: memref<32x16x5xf32, #tpu.memory_space<vmem>>, %arg4: memref<1x32xf32, #tpu.memory_space<vmem>>, %arg5: memref<128x32x28xf32, #tpu.memory_space<vmem>>, %arg6: memref<1x128xf32, #tpu.memory_space<vmem>>, %arg7: memref<10x128xf32, #tpu.memory_space<vmem>>, %arg8: memref<1x10xf32, #tpu.memory_space<vmem>>, %arg9: memref<100x10xf32, #tpu.memory_space<vmem>>) attributes {dimension_semantics = [], scalar_prefetch = 0 : i64, scratch_operands = 0 : i64, tpu.core_type = #tpu.core_type<tc>} {
    %get3A = arith.constant 0 : index
    %get3A_0 = arith.constant 0 : index
    %get3A_1 = vector.load %arg0[%get3A, %get3A_0] : memref<100x64xf32, #tpu.memory_space<vmem>>, vector<100x64xf32>
    %get3A_2 = arith.constant 0 : index
    %get3A_3 = arith.constant 0 : index
    %get3A_4 = vector.load %arg1[%get3A_2, %get3A_3] : memref<16x385xf32, #tpu.memory_space<vmem>>, vector<16x385xf32>
    %get3A_5 = arith.constant 0 : index
    %get3A_6 = arith.constant 0 : index
    %get3A_7 = vector.load %arg2[%get3A_5, %get3A_6] : memref<1x16xf32, #tpu.memory_space<vmem>>, vector<1x16xf32>
    %slice3A = vector.extract_strided_slice %get3A_4 {offsets = [0, 0], sizes = [16, 64], strides = [1, 1]} : vector<16x385xf32> to vector<16x64xf32>
    %dot_general3A = arith.constant dense<0.000000e+00> : vector<100x16xf32>
    %dot_general3A_8 = tpu.matmul %get3A_1, %slice3A, %dot_general3A {dimension_numbers = #tpu.dot_dimension_numbers<[1], [1], [0], [0], [0, 0, 1, 0], [], []>, transpose_lhs_hint = false} : vector<100x64xf32>, vector<16x64xf32>, vector<100x16xf32> -> vector<100x16xf32>
    %add3A = vector.broadcast %get3A_7 : vector<1x16xf32> to vector<100x16xf32>
    %add3A_9 = arith.addf %dot_general3A_8, %add3A : vector<100x16xf32>
    %max3A = arith.constant 0.000000e+00 : f32
    %max3A_10 = vector.broadcast %max3A : f32 to vector<100x16xf32>
    %max3A_11 = arith.maximumf %add3A_9, %max3A_10 : vector<100x16xf32>
    %max3A_12 = arith.constant 0.000000e+00 : f32
    %max3A_13 = vector.broadcast %max3A_12 : f32 to vector<1x16xf32>
    %max3A_14 = arith.maximumf %get3A_7, %max3A_13 : vector<1x16xf32>
    %max3A_15 = vector.broadcast %max3A_14 : vector<1x16xf32> to vector<100x16xf32>
    %max3A_16 = arith.maximumf %max3A_11, %max3A_15 : vector<100x16xf32>
    %get3A_17 = arith.constant 0 : index
    %get3A_18 = arith.constant 0 : index
    %get3A_19 = arith.constant 0 : index
    %get3A_20 = vector.load %arg3[%get3A_17, %get3A_18, %get3A_19] : memref<32x16x5xf32, #tpu.memory_space<vmem>>, vector<32x16x5xf32>
    %get3A_21 = arith.constant 0 : index
    %get3A_22 = arith.constant 0 : index
    %get3A_23 = vector.load %arg4[%get3A_21, %get3A_22] : memref<1x32xf32, #tpu.memory_space<vmem>>, vector<1x32xf32>
    %slice3A_24 = vector.extract_strided_slice %get3A_20 {offsets = [0, 0, 0], sizes = [32, 16, 1], strides = [1, 1, 1]} : vector<32x16x5xf32> to vector<32x16x1xf32>
    %squeeze3A = vector.shape_cast %slice3A_24 : vector<32x16x1xf32> to vector<32x16xf32>
    %reduce_sum3A = arith.constant dense<0.000000e+00> : vector<32x16xf32>
    %reduce_sum3A_25 = vector.multi_reduction <add>, %get3A_20, %reduce_sum3A [2] : vector<32x16x5xf32> to vector<32x16xf32>
    %sub3A = arith.subf %reduce_sum3A_25, %squeeze3A : vector<32x16xf32>
    %dot_general3A_26 = arith.constant dense<0.000000e+00> : vector<1x32xf32>
    %dot_general3A_27 = tpu.matmul %max3A_14, %sub3A, %dot_general3A_26 {dimension_numbers = #tpu.dot_dimension_numbers<[1], [1], [0], [0], [0, 0, 1, 0], [], []>, transpose_lhs_hint = false} : vector<1x16xf32>, vector<32x16xf32>, vector<1x32xf32> -> vector<1x32xf32>
    %dot_general3A_28 = arith.constant dense<0.000000e+00> : vector<100x32xf32>
    %dot_general3A_29 = tpu.matmul %max3A_16, %squeeze3A, %dot_general3A_28 {dimension_numbers = #tpu.dot_dimension_numbers<[1], [1], [0], [0], [0, 0, 1, 0], [], []>, transpose_lhs_hint = false} : vector<100x16xf32>, vector<32x16xf32>, vector<100x32xf32> -> vector<100x32xf32>
    %add3A_30 = vector.broadcast %dot_general3A_27 : vector<1x32xf32> to vector<100x32xf32>
    %add3A_31 = arith.addf %dot_general3A_29, %add3A_30 : vector<100x32xf32>
    %add3A_32 = vector.broadcast %get3A_23 : vector<1x32xf32> to vector<100x32xf32>
    %add3A_33 = arith.addf %add3A_31, %add3A_32 : vector<100x32xf32>
    %max3A_34 = arith.constant 0.000000e+00 : f32
    %max3A_35 = vector.broadcast %max3A_34 : f32 to vector<100x32xf32>
    %max3A_36 = arith.maximumf %add3A_33, %max3A_35 : vector<100x32xf32>
    %dot_general3A_37 = arith.constant dense<0.000000e+00> : vector<1x32xf32>
    %dot_general3A_38 = tpu.matmul %max3A_14, %reduce_sum3A_25, %dot_general3A_37 {dimension_numbers = #tpu.dot_dimension_numbers<[1], [1], [0], [0], [0, 0, 1, 0], [], []>, transpose_lhs_hint = false} : vector<1x16xf32>, vector<32x16xf32>, vector<1x32xf32> -> vector<1x32xf32>
    %add3A_39 = arith.addf %dot_general3A_38, %get3A_23 : vector<1x32xf32>
    %max3A_40 = arith.constant 0.000000e+00 : f32
    %max3A_41 = vector.broadcast %max3A_40 : f32 to vector<1x32xf32>
    %max3A_42 = arith.maximumf %add3A_39, %max3A_41 : vector<1x32xf32>
    %get3A_43 = arith.constant 0 : index
    %get3A_44 = arith.constant 0 : index
    %get3A_45 = arith.constant 0 : index
    %get3A_46 = vector.load %arg5[%get3A_43, %get3A_44, %get3A_45] : memref<128x32x28xf32, #tpu.memory_space<vmem>>, vector<128x32x28xf32>
    %slice3A_47 = vector.extract_strided_slice %get3A_46 {offsets = [0, 0, 0], sizes = [128, 32, 1], strides = [1, 1, 1]} : vector<128x32x28xf32> to vector<128x32x1xf32>
    %squeeze3A_48 = vector.shape_cast %slice3A_47 : vector<128x32x1xf32> to vector<128x32xf32>
    %reduce_sum3A_49 = arith.constant dense<0.000000e+00> : vector<128x32xf32>
    %reduce_sum3A_50 = vector.multi_reduction <add>, %get3A_46, %reduce_sum3A_49 [2] : vector<128x32x28xf32> to vector<128x32xf32>
    %sub3A_51 = arith.subf %reduce_sum3A_50, %squeeze3A_48 : vector<128x32xf32>
    %dot_general3A_52 = arith.constant dense<0.000000e+00> : vector<1x128xf32>
    %dot_general3A_53 = tpu.matmul %max3A_42, %sub3A_51, %dot_general3A_52 {dimension_numbers = #tpu.dot_dimension_numbers<[1], [1], [0], [0], [0, 0, 1, 0], [], []>, transpose_lhs_hint = false} : vector<1x32xf32>, vector<128x32xf32>, vector<1x128xf32> -> vector<1x128xf32>
    %dot_general3A_54 = arith.constant dense<0.000000e+00> : vector<100x128xf32>
    %dot_general3A_55 = tpu.matmul %max3A_36, %squeeze3A_48, %dot_general3A_54 {dimension_numbers = #tpu.dot_dimension_numbers<[1], [1], [0], [0], [0, 0, 1, 0], [], []>, transpose_lhs_hint = false} : vector<100x32xf32>, vector<128x32xf32>, vector<100x128xf32> -> vector<100x128xf32>
    %add3A_56 = vector.broadcast %dot_general3A_53 : vector<1x128xf32> to vector<100x128xf32>
    %add3A_57 = arith.addf %dot_general3A_55, %add3A_56 : vector<100x128xf32>
    %get3A_58 = arith.constant 0 : index
    %get3A_59 = arith.constant 0 : index
    %get3A_60 = vector.load %arg6[%get3A_58, %get3A_59] : memref<1x128xf32, #tpu.memory_space<vmem>>, vector<1x128xf32>
    %add3A_61 = vector.broadcast %get3A_60 : vector<1x128xf32> to vector<100x128xf32>
    %add3A_62 = arith.addf %add3A_57, %add3A_61 : vector<100x128xf32>
    %max3A_63 = arith.constant 0.000000e+00 : f32
    %max3A_64 = vector.broadcast %max3A_63 : f32 to vector<100x128xf32>
    %max3A_65 = arith.maximumf %add3A_62, %max3A_64 : vector<100x128xf32>
    %get3A_66 = arith.constant 0 : index
    %get3A_67 = arith.constant 0 : index
    %get3A_68 = vector.load %arg7[%get3A_66, %get3A_67] : memref<10x128xf32, #tpu.memory_space<vmem>>, vector<10x128xf32>
    %dot_general3A_69 = arith.constant dense<0.000000e+00> : vector<100x10xf32>
    %dot_general3A_70 = tpu.matmul %max3A_65, %get3A_68, %dot_general3A_69 {dimension_numbers = #tpu.dot_dimension_numbers<[1], [1], [0], [0], [0, 0, 1, 0], [], []>, transpose_lhs_hint = false} : vector<100x128xf32>, vector<10x128xf32>, vector<100x10xf32> -> vector<100x10xf32>
    %get3A_71 = arith.constant 0 : index
    %get3A_72 = arith.constant 0 : index
    %get3A_73 = vector.load %arg8[%get3A_71, %get3A_72] : memref<1x10xf32, #tpu.memory_space<vmem>>, vector<1x10xf32>
    %add3A_74 = vector.broadcast %get3A_73 : vector<1x10xf32> to vector<100x10xf32>
    %add3A_75 = arith.addf %dot_general3A_70, %add3A_74 : vector<100x10xf32>
    %swap3A = arith.constant 0 : index
    %swap3A_76 = arith.constant 0 : index
    %swap3A_77 = vector.load %arg9[%swap3A, %swap3A_76] : memref<100x10xf32, #tpu.memory_space<vmem>>, vector<100x10xf32>
    tpu.vector_store %arg9[%swap3A, %swap3A_76], %add3A_75 {strides = array<i32>} : memref<100x10xf32, #tpu.memory_space<vmem>>, vector<100x10xf32>,
    return
  }
}

</mosaic_0001>

<sc_bundles>
// kernel: kernel.11.cloned.1.call-start
scs
__scs_entry_jumppad:
0x0: {  	(pc) =	sbr.rel $0x88, $3  }
0x1: {  	(tag) =	ssettag $0x0;
	lr =	simm.s32 $0x1  }
0x2: {  	[smem:$0x3F90] =	sst lr;
	_ =	strace $0xD0000000  }
0x3: {  	_ = 	snop  }
0x4: {  	_ = 	snop  }
0x5: {  	_ = 	snop  }
0x6: {  	_ = 	snop  }
0x7: {  	_ = 	snop  }
__scs_overlays_trampoline_lowered:
0x8: {  	[smem:$0x3F9F] =	sst s0  }
0x9: {  	[smem:$0x3FA0] =	sst s1  }
0xa: {  	[smem:$0x3FA1] =	sst s2  }
0xb: {  	[smem:$0x3FA2] =	sst s3  }
0xc: {  	[smem:$0x3FA3] =	sst s4  }
0xd: {  	[smem:$0x3FA4] =	sst s5  }
0xe: {  	[smem:$0x3FA5] =	sst s6  }
0xf: {  	[smem:$0x3FA6] =	sst s7  }
0x10: {  	[smem:$0x3FA7] =	sst s8  }
0x11: {  	[smem:$0x3FA8] =	sst s9;
	s0 =	simm.s32 @!p0 $0x0  }
0x12: {  	s1 =	sld [smem:$0x3F8E];
	s0 =	simm.s32 @p0 $0x1  }
0x13: {  	[smem:$0x3FA9] =	sst s0;
	s0 =	simm.s32 @!p1 $0x0  }
0x14: {  	s2 =	sld [smem:$0x3F8D];
	s0 =	simm.s32 @p1 $0x1  }
0x15: {  	[smem:$0x3FAA] =	sst s0;
	s0 =	simm.s32 @!p2 $0x0  }
0x16: {  	s3 =	sld [smem:$0x3FDB];
	s0 =	simm.s32 @p2 $0x1  }
0x17: {  	s4 =	simm.s32 $0x1BF5;
	[smem:$0x3FAC] =	sst s0  }
0x18: {  	s0 =	sld [smem:$0x3F8F];
	_ =	swait.ge [sflag:s4], $0x0  }
0x19: {  	s7 =	sld [smem:$0x3F90]  }
0x1a: {  	s8 =	sadd.s32 $0xFFFFE003, lr  }
0x1b: {  	s9 =	sadd.s32 $0xFFFFFEF7, lr;
	s5 =	simm.s32 $0xFFFFFFFF;
	p2 =	slt.u32 s8, $0xFFFFF086  }
0x1c: {  	p1 =	slt.u32 s9, $0xF7A;
	s5 =	simm.s32 @!p2 $0x0  }
0x1d: {  	s5 =	simm.s32 @p1 $0x1;
	p0 =	seq.s32 s7, s2  }
0x1e: {  	s7 =	smul.u32 @!p0 $0xF7A, s2;
	p2 =	seq.s32 @!p0 s5, $0x0  }
0x1f: {  	s9 =	smul.u32 $0xF7A, s1;
	s8 =	simm.s32 @!p0 $0x1BF5;
	p2 =	por !p2, p0  }
0x20: {  	[sflag:s8] =	ssyncset.s32 @!p0 $0xFFFFF086;
	s6 =	sadd.s32 @!p0 s3, s7;
	s7 =	simm.s32 @!p0 $0x108  }
0x21: {  	s3 =	sadd.s32 s3, s9;
	s6 =	sadd.s32 @!p0 $0x88, s6;
	s7 =	simm.s32 @p2 $0x1082  }
0x22: {  	[simem:s7], [sflag:s8] =	dma.local @!p0 [hbm:s6], $0xF7A  }
0x23: {  	s9 =	sor.u32 $0xD0000000, s2;
	s6 =	simm.s32 $0x108;
	_ =	swait.ge @!p0 [sflag:s8], $0x0  }
0x24: {  	s3 =	sadd.s32 $0x88, s3;
	s6 =	simm.s32 @!p1 $0x1082;
	[sflag:s4] =	ssyncset.s32 $0xFFFFF086  }
0x25: {  	[simem:s6], [sflag:s4] =	dma.local [hbm:s3], $0xF7A  }
0x26: {  	[smem:$0x3F90] =	sst s1;
	(tag) =	ssettag s2;
	_ =	strace s9  }
0x27: {  	s1 =	sld [smem:$0x3FA0]  }
0x28: {  	s2 =	sld [smem:$0x3FA1]  }
0x29: {  	s4 =	sld [smem:$0x3FA3]  }
0x2a: {  	p0 =	seq.s32 s5, $0x0;
	s5 =	sld [smem:$0x3FA4]  }
0x2b: {  	s6 =	sld [smem:$0x3FA5]  }
0x2c: {  	s7 =	sld [smem:$0x3FA6]  }
0x2d: {  	s3 =	simm.s32 $0x108;
	s8 =	sld [smem:$0x3FA7]  }
0x2e: {  	s3 =	simm.s32 @!p0 $0x1082;
	s9 =	sld [smem:$0x3FA8]  }
0x2f: {  	lr =	sadd.s32 s0, s3;
	s0 =	sld [smem:$0x3F9F]  }
0x30: {  	s3 =	sld [smem:$0x3FA2]  }
0x31: {  	[smem:$0x3FAB] =	sst s10  }
0x32: {  	s10 =	sld [smem:$0x3FA9];
	_ =	sdelay $0x3  }
0x33: {  	p0 =	seq.s32 s10, $0x1;
	s10 =	sld [smem:$0x3FAB];
	_ =	sdelay $0x3  }
0x34: {  	[smem:$0x3FAB] =	sst s10  }
0x35: {  	s10 =	sld [smem:$0x3FAA];
	_ =	sdelay $0x3  }
0x36: {  	p1 =	seq.s32 s10, $0x1;
	s10 =	sld [smem:$0x3FAB];
	_ =	sdelay $0x3  }
0x37: {  	[smem:$0x3FAB] =	sst s10  }
0x38: {  	s10 =	sld [smem:$0x3FAC]  }
0x39: {  	_ = 	snop;
	(pc) =	sbr.ind lr, $3  }
0x3a: {  	_ = 	snop  }
0x3b: {  	_ = 	snop  }
0x3c: {  	p2 =	seq.s32 s10, $0x1;
	s10 =	sld [smem:$0x3FAB]  }
0x3d: {  	_ =	shalt  }
0x3e: {  	_ =	shalt  }
0x3f: {  	_ =	shalt  }
0x40: {  	_ =	shalt  }
0x41: {  	_ =	shalt  }
0x42: {  	_ =	shalt  }
0x43: {  	_ =	shalt  }
0x44: {  	_ =	shalt  }
0x45: {  	_ =	shalt  }
0x46: {  	_ =	shalt  }
0x47: {  	_ =	shalt  }
0x48: {  	_ =	shalt  }
0x49: {  	_ =	shalt  }
0x4a: {  	_ =	shalt  }
0x4b: {  	_ =	shalt  }
0x4c: {  	_ =	shalt  }
0x4d: {  	_ =	shalt  }
0x4e: {  	_ =	shalt  }
0x4f: {  	_ =	shalt  }
0x50: {  	_ =	shalt  }
0x51: {  	_ =	shalt  }
0x52: {  	_ =	shalt  }
0x53: {  	_ =	shalt  }
0x54: {  	_ =	shalt  }
0x55: {  	_ =	shalt  }
0x56: {  	_ =	shalt  }
0x57: {  	_ =	shalt  }
0x58: {  	_ =	shalt  }
0x59: {  	_ =	shalt  }
0x5a: {  	_ =	shalt  }
0x5b: {  	_ =	shalt  }
0x5c: {  	_ =	shalt  }
0x5d: {  	_ =	shalt  }
0x5e: {  	_ =	shalt  }
0x5f: {  	_ =	shalt  }
0x60: {  	_ =	shalt  }
0x61: {  	_ =	shalt  }
0x62: {  	_ =	shalt  }
0x63: {  	_ =	shalt  }
0x64: {  	_ =	shalt  }
0x65: {  	_ =	shalt  }
0x66: {  	_ =	shalt  }
0x67: {  	_ =	shalt  }
0x68: {  	_ =	shalt  }
0x69: {  	_ =	shalt  }
0x6a: {  	_ =	shalt  }
0x6b: {  	_ =	shalt  }
0x6c: {  	_ =	shalt  }
0x6d: {  	_ =	shalt  }
0x6e: {  	_ =	shalt  }
0x6f: {  	_ =	shalt  }
0x70: {  	_ =	shalt  }
0x71: {  	_ =	shalt  }
0x72: {  	_ =	shalt  }
0x73: {  	_ =	shalt  }
0x74: {  	_ =	shalt  }
0x75: {  	_ =	shalt  }
0x76: {  	_ =	shalt  }
0x77: {  	_ =	shalt  }
0x78: {  	_ =	shalt  }
0x79: {  	_ =	shalt  }
0x7a: {  	_ =	shalt  }
0x7b: {  	_ =	shalt  }
0x7c: {  	_ =	shalt  }
0x7d: {  	_ =	shalt  }
0x7e: {  	_ =	shalt  }
0x7f: {  	_ =	shalt  }
0x80: {  	_ =	shalt  }
0x81: {  	_ =	shalt  }
0x82: {  	_ =	shalt  }
0x83: {  	_ =	shalt  }
0x84: {  	_ =	shalt  }
0x85: {  	_ =	shalt  }
0x86: {  	_ =	shalt  }
0x87: {  	_ =	shalt  }
.Lfunc_end0:
.L_simem_size_0:
called_computation_lowered:
.L_overlay_start_0:
0x88: {  	s2 =	sld [smem:$0x3FD9]  }
0x89: {  	s3 =	sld [smem:$0x3FFE];
	_ =	sdelay $0x1  }
0x8a: {  	s1 =	srdreg.scid  }
0x8b: {  	s0 =	sand.u32 $0x1, s1  }
0x8c: {  	s17 =	sshll.u32 s0, $0xA;
	s2 =	sadd.s32 s3, s2  }
0x8d: {  	s2 =	sadd.s32 s2, s17  }
0x8e: {  	[smem:$0x3FB7] =	sst s2  }
0x8f: {  	_ = 	snop  }
0x90: {  	(tm) =	ssettm $0x1  }
0x91: {  	s18 =	sld [smem:$0x3FFB];
	_ =	sdelay $0x3  }
0x92: {  	_ =	strace s18  }
0x93: {  	s2 =	sld [smem:$0x3FFC];
	_ =	sdelay $0x3  }
0x94: {  	_ =	strace s2  }
0x95: {  	s2 =	sld [smem:$0x3FFD];
	_ =	sdelay $0x3  }
0x96: {  	_ =	strace s2  }
0x97: {  	_ =	strace $0x8FFFFFFF  }
0x98: {  	s19 =	sld [smem:$0x3FDB];
	_ =	sdelay $0x1  }
0x99: {  	s20 =	simm.s32 $_scs_section_size  }
0x9a: {  	s4 =	simm.s32 $_size__tile_overlayer_lowered;
	s5 =	simm.s32 $_tile_overlayer_lowered  }
0x9b: {  	s6 =	simm.s32 $0x1BFF;
	s21 =	sshll.u32 s5, $0x1;
	s3 =	sadd.s32 s20, s19  }
0x9c: {  	s22 =	simm.s32 $0x0;
	s4 =	sshll.u32 s4, $0x1;
	s5 =	sadd.s32 s21, s3  }
0x9d: {  	[timem:s22], [sflag:s6] =	dma.local [hbm:s5], s4  }
0x9e: {  	_ =	swait.ge [sflag:s6], s4  }
0x9f: {  	s4 =	ssub.s32 $0x0, s4;
	[sflag:s6] =	ssyncset.done $0x0  }
0xa0: {  	[sflag:s6] =	ssyncadd.s32 s4;
	_ =	sdelay $0x1  }
0xa1: {  	s23 =	simm.s32 $0x1B8B  }
0xa2: {  	_ =	swait.ge [sflag:s23], $0x1  }
0xa3: {  	[sflag:s23] =	ssyncset.done $0x0  }
0xa4: {  	[sflag:s23] =	ssyncadd.s32 $0xFFFFFFFF  }
0xa5: {  	s4 =	sld [smem:$0x0]  }
0xa6: {  	s5 =	sand.u32 $0xFFFFFFFE, s1  }
0xa7: {  	p0 =	sne.s32 s1, s5  }
0xa8: {  	s5 =	sshll.u32 @p0 s5, $0xE  }
0xa9: {  	s5 =	sadd.s32 @p0 $0x11B8D, s5;
	s6 =	sshll.u32 @p0 s4, $0x11  }
0xaa: {  	s5 =	sor.u32 @p0 s6, s5  }
0xab: {  	[sflag:s5] =	ssyncadd.remote.s32 @p0 $0x1;
	_ =	sdelay $0x1  }
0xac: {  	s5 =	simm.s32 @p0 $0x1B8D  }
0xad: {  	_ =	swait.eq @p0 [sflag:s5], $0x1  }
0xae: {  	[sflag:s5] =	ssyncadd.s32 @p0 $0xFFFFFFFF  }
0xaf: {  	s6 =	sshll.u32 @!p0 s1, $0xE  }
0xb0: {  	s6 =	sor.u32 @!p0 $0x4000, s6;
	s5 =	simm.s32 @!p0 $0x1B8D  }
0xb1: {  	s4 =	sshll.u32 @!p0 s4, $0x11;
	s6 =	sadd.s32 @!p0 $0x11B8D, s6;
	_ =	swait.eq @!p0 [sflag:s5], $0x1  }
0xb2: {  	s4 =	sor.u32 @!p0 s4, s6;
	[sflag:s5] =	ssyncadd.s32 @!p0 $0xFFFFFFFF  }
0xb3: {  	s25 =	simm.s32 $0x1B8E;
	s24 =	sld [smem:$0x3FFE];
	[sflag:s4] =	ssyncadd.remote.s32 @!p0 $0x1  }
0xb4: {  	s26 =	simm.s32 $execute0_lowered;
	[smem:$0x3FD2] =	sst s25  }
0xb5: {  	s5 =	sshll.u32 s26, $0x1;
	_ =	strace $0x80000049;
	[dreg:$0x1] =	wrdreg $0xFFFFFFFF  }
0xb6: {  	s28 =	simm.s32 $_size_execute0_lowered;
	s3 =	sadd.s32 s3, s5;
	[dreg:$0x0] =	wrdreg $0x0  }
0xb7: {  	s5 =	sshll.u32 s28, $0x1;
	[dreg:$0x2] =	wrdreg s3  }
0xb8: {  	[dreg:$0x3] =	wrdreg s5  }
0xb9: {  	[dreg:$0x4] =	wrdreg $0xC0  }
0xba: {  	_ =	task [dreg:s22], $0x5FFFF  }
0xbb: {  	[dreg:$0x1] =	wrdreg $0xFFFFFFFF  }
0xbc: {  	[dreg:$0x0] =	wrdreg $0x60  }
0xbd: {  	[dreg:$0x2] =	wrdreg s24  }
0xbe: {  	[dreg:$0x3] =	wrdreg $0x54000  }
0xbf: {  	[dreg:$0x4] =	wrdreg $0x9  }
0xc0: {  	_ =	task.clear_ibuf [dreg:s22], $0x5FFFF;
	_ =	strace $0x90000049  }
0xc1: {  	s29 =	simm.s32 $0x9;
	_ =	strace $0x8000004B  }
0xc2: {  	_ =	swait.ge [sflag:s29], $0x1  }
0xc3: {  	[sflag:s29] =	ssyncadd.s32 $0xFFFFFFFF  }
0xc4: {  	_ =	strace $0x9000004B  }
0xc5: {  	_ =	sfence  }
0xc6: {  	s30 =	sld [smem:$0x0];
	_ =	sdelay $0x2  }
0xc7: {  	s31 =	sshll.u32 s1, $0xD;
	s1 =	sshrl.u32 s1, $0x2  }
0xc8: {  	s4 =	sand.u32 $0x4000, s31;
	s1 =	sadd.s32 s1, s30  }
0xc9: {  	s0 =	sor.u32 s4, s0;
	s1 =	sshll.u32 s1, $0x11  }
0xca: {  	s0 =	sor.u32 s1, s0  }
0xcb: {  	s0 =	sadd.s32 $0x8F2B, s0  }
0xcc: {  	[sflag:s0] =	ssyncadd.remote.s32 $0x1  }
0xcd: {  	_ =	sfence.sel $0xFFFF  }
0xce: {  	[dreg:$0x0] =	wrdreg $0xFFFFFFFF;
	(pc) =	sbr.abs _section_cstart, $3  }
0xcf: {  	[dreg:$0x1] =	wrdreg $0xFFFFFFFF  }
0xd0: {  	_ =	task.clear_ibuf [dreg:s22], $0x2FFFF;
	_ =	strace $0x9FFFFFFF  }
0xd1: {  	(tm) =	ssettm $0x7FFFFFFF  }
tec
execute0_lowered:
.L_overlay_start_1:
0x0: {  	(tag) =	ssettag $0x1  }
0x1: {  	s16 =	rddreg [dreg:$0x0]  }
0x2: {  	s2 =	rddreg [dreg:$0x1]  }
0x3: {  	s0 =	rddreg [dreg:$0x2];
	s3 =	simm.s32 $0x0;
	s4 =	srdreg.scid  }
0x4: {  	s1 =	stileid.u32;
	s23 =	simm.s32 $0x1400;
	s24 =	simm.s32 $0x2  }
0x5: {  	s25 =	simm.s32 $0x80;
	s26 =	simm.s32 $0x1;
	s28 =	simm.s32 $0x0  }
0x6: {  	[smem:$0x7FF] =	sst s3;
	s5 =	sand.u32 $0x1, s4;
	s6 =	smul.u32 $0x280, s1  }
0x7: {  	s4 =	sadd.s32 $0x92600, s16;
	s8 =	sadd.s32 $0xDE00, s16;
	s9 =	sshll.u32 s1, $0x1  }
0x8: {  	s30 =	smul.u32 $0x50000, s1;
	s12 =	sadd.s32 $0x40E00, s16;
	s14 =	sadd.s32 $0x41600, s16  }
0x9: {  	_ =	strace $0x8000004A;
	s7 =	smul.u32 $0x2800, s5;
	s9 =	sor.u32 s5, s9  }
0xa: {  	s10 =	ssub.s32 $0x2, s5;
	s5 =	sadd.s32 $0x3FE00, s16;
	s11 =	smul.u32 $0x2800, s9  }
0xb: {  	s31 =	sshrl.u32 s10, $0x1;
	s9 =	smul.u32 $0x500, s9;
	s6 =	sadd.s32 s7, s6  }
0xc: {  	s7 =	sshrl.u32 s30, $0x2;
	s10 =	ssub.s32 s10, s31;
	s6 =	sshll.u32 s6, $0x4  }
0xd: {  	s11 =	sshrl.u32 s11, $0x3;
	s22 =	sadd.s32 s6, s16;
	s6 =	sadd.s32 s7, s2  }
0xe: {  	s11 =	sadd.s32 s8, s11;
	s7 =	sadd.s32 s8, s9;
	s9 =	smax.u32 s10, $0x1  }
0xf: {  	s10 =	sadd.s32 $0x40600, s16;
	s16 =	sadd.s32 $0x41E00, s16;
	s8 =	sadd.s32 $0x280, s11  }
0x10: {  	s11 =	sadd.s32 $0x4000, s6;
	s13 =	sadd.s32 $0x8000, s6;
	s15 =	sadd.s32 $0xC000, s6  }
0x11: {  	s17 =	sadd.s32 $0x10000, s6;
	s18 =	sadd.s32 $0x92E00, s22;
	s19 =	sadd.s32 $0x93600, s22  }
0x12: {  	s20 =	sadd.s32 $0x93E00, s22;
	s21 =	sadd.s32 $0x94600, s22;
	s22 =	sadd.s32 $0x94E00, s22  }
.LBB2_1:
0x13: {  	[tilespmem:s23], [sflag:$0x2] =	stream.linear.gather [hbm4b:s5+s3], $0x4000, $0x38;
	[tilespmem:$0x19400] =	vst v63  }
0x14: {  	_ =	swait.ge [sflag:s24], $0x4000  }
0x15: {  	[sflag:s24] =	ssyncset.done $0x0  }
0x16: {  	[sflag:s24] =	ssyncadd.s32 $0xFFFFC000  }
0x17: {  	[spmem:s6] =	stream.linear.scatter [tilespmem:s23], [sflag:$0x2], $0x4000, $0x38;
	[tilespmem:$0x19400] =	vst v63  }
0x18: {  	_ =	swait.ge [sflag:s24], $0x4000  }
0x19: {  	[sflag:s24] =	ssyncset.done $0x0  }
0x1a: {  	[sflag:s24] =	ssyncadd.s32 $0xFFFFC000  }
0x1b: {  	[tilespmem:s23], [sflag:$0x2] =	stream.linear.gather [hbm4b:s10+s3], $0x4000, $0x38;
	[tilespmem:$0x19400] =	vst v63  }
0x1c: {  	_ =	swait.ge [sflag:s24], $0x4000  }
0x1d: {  	[sflag:s24] =	ssyncset.done $0x0  }
0x1e: {  	[sflag:s24] =	ssyncadd.s32 $0xFFFFC000  }
0x1f: {  	[spmem:s11] =	stream.linear.scatter [tilespmem:s23], [sflag:$0x2], $0x4000, $0x38;
	[tilespmem:$0x19400] =	vst v63  }
0x20: {  	_ =	swait.ge [sflag:s24], $0x4000  }
0x21: {  	[sflag:s24] =	ssyncset.done $0x0  }
0x22: {  	[sflag:s24] =	ssyncadd.s32 $0xFFFFC000  }
0x23: {  	[tilespmem:s23], [sflag:$0x2] =	stream.linear.gather [hbm4b:s12+s3], $0x4000, $0x38;
	[tilespmem:$0x19400] =	vst v63  }
0x24: {  	_ =	swait.ge [sflag:s24], $0x4000  }
0x25: {  	[sflag:s24] =	ssyncset.done $0x0  }
0x26: {  	[sflag:s24] =	ssyncadd.s32 $0xFFFFC000  }
0x27: {  	[spmem:s13] =	stream.linear.scatter [tilespmem:s23], [sflag:$0x2], $0x4000, $0x38;
	[tilespmem:$0x19400] =	vst v63  }
0x28: {  	_ =	swait.ge [sflag:s24], $0x4000  }
0x29: {  	[sflag:s24] =	ssyncset.done $0x0  }
0x2a: {  	[sflag:s24] =	ssyncadd.s32 $0xFFFFC000  }
0x2b: {  	[tilespmem:s23], [sflag:$0x2] =	stream.linear.gather [hbm4b:s14+s3], $0x4000, $0x38;
	[tilespmem:$0x19400] =	vst v63  }
0x2c: {  	_ =	swait.ge [sflag:s24], $0x4000  }
0x2d: {  	[sflag:s24] =	ssyncset.done $0x0  }
0x2e: {  	[sflag:s24] =	ssyncadd.s32 $0xFFFFC000  }
0x2f: {  	[spmem:s15] =	stream.linear.scatter [tilespmem:s23], [sflag:$0x2], $0x4000, $0x38;
	[tilespmem:$0x19400] =	vst v63  }
0x30: {  	_ =	swait.ge [sflag:s24], $0x4000  }
0x31: {  	[sflag:s24] =	ssyncset.done $0x0  }
0x32: {  	[sflag:s24] =	ssyncadd.s32 $0xFFFFC000  }
0x33: {  	[tilespmem:s23], [sflag:$0x2] =	stream.linear.gather [hbm4b:s16+s3], $0x4000, $0x38;
	[tilespmem:$0x19400] =	vst v63  }
0x34: {  	_ =	swait.ge [sflag:s24], $0x4000  }
0x35: {  	[sflag:s24] =	ssyncset.done $0x0  }
0x36: {  	[sflag:s24] =	ssyncadd.s32 $0xFFFFC000  }
0x37: {  	[spmem:s17] =	stream.linear.scatter [tilespmem:s23], [sflag:$0x2], $0x4000, $0x38;
	[tilespmem:$0x19400] =	vst v63  }
0x38: {  	_ =	swait.ge [sflag:s24], $0x4000  }
0x39: {  	[sflag:s24] =	ssyncset.done $0x0  }
0x3a: {  	[sflag:s24] =	ssyncadd.s32 $0xFFFFC000  }
0x3b: {  	[bflag:$0x0] =	sbarrier.arrive $0xFFFF  }
0x3c: {  	[tilespmem:s23], [sflag:$0x2] =	stream.linear.gather [hbm4b:s4+s3], $0x4000, $0x38;
	[tilespmem:$0x19400] =	vst v63  }
0x3d: {  	_ =	swait.ge [sflag:s24], $0x4000  }
0x3e: {  	[sflag:s24] =	ssyncset.done $0x0  }
0x3f: {  	[sflag:s24] =	ssyncadd.s32 $0xFFFFC000  }
0x40: {  	[tilespmem:s3], [sflag:$0x2] =	stream.linear.gather [hbm4b:s7+s3], $0x1400, $0x38;
	[tilespmem:$0x19400] =	vst v63  }
0x41: {  	_ =	swait.ge [sflag:s24], $0x1400  }
0x42: {  	[sflag:s24] =	ssyncset.done $0x0  }
0x43: {  	s29 =	simm.s32 $0x0;
	[sflag:s24] =	ssyncadd.s32 $0xFFFFEC00  }
0x44: {  	[spmem:s2] =	stream.indirect.scatter.add.f32 [tilespmem:s23], [sflag:$0x1], $0x80, s29, s25, $0xb8;
	[tilespmem:$0x19400] =	vst v63  }
0x45: {  	_ =	swait.ge [sflag:s26], $0x4000  }
0x46: {  	s29 =	simm.s32 $0x200;
	[sflag:s26] =	ssyncset.done $0x0  }
.LBB2_2:
0x47: {  	s30 =	sshra.s32 s29, $0x2;
	[sflag:s26] =	ssyncadd.s32 $0xFFFFC000;
	p0 =	sne.s32 s29, $0x4E00  }
0x48: {  	[spmem:s2] =	stream.indirect.scatter.add.f32 [tilespmem:s23], [sflag:$0x1], $0x80, s30, s25, $0xb8;
	[tilespmem:$0x19400] =	vst v63  }
.Ltmp0:
0x49: {  	_ = 	snop;
	(pc) =	sbr.rel @p0 .LBB2_2-.Ltmp0, $4  }
0x4a: {  	_ = 	snop  }
0x4b: {  	s29 =	sadd.s32 $0x200, s29  }
0x4c: {  	_ =	swait.ge [sflag:s26], $0x4000  }
0x4d: {  	[sflag:s26] =	ssyncset.done $0x0  }
0x4e: {  	[sflag:s26] =	ssyncadd.s32 $0xFFFFC000;
	s29 =	simm.s32 $0x0  }
0x4f: {  	[tilespmem:s29], [sflag:$0x2] =	stream.linear.gather [hbm4b:s8+s29], $0x1400, $0x38;
	[tilespmem:$0x19400] =	vst v63  }
0x50: {  	_ =	swait.ge [sflag:s24], $0x1400  }
0x51: {  	[sflag:s24] =	ssyncset.done $0x0  }
0x52: {  	s29 =	simm.s32 $0x0;
	[sflag:s24] =	ssyncadd.s32 $0xFFFFEC00  }
0x53: {  	[spmem:s2] =	stream.indirect.scatter.add.f32 [tilespmem:s23], [sflag:$0x1], $0x80, s29, s25, $0xb8;
	[tilespmem:$0x19400] =	vst v63  }
0x54: {  	_ =	swait.ge [sflag:s26], $0x4000  }
0x55: {  	s29 =	simm.s32 $0x200;
	[sflag:s26] =	ssyncset.done $0x0  }
.LBB2_4:
0x56: {  	s30 =	sshra.s32 s29, $0x2;
	[sflag:s26] =	ssyncadd.s32 $0xFFFFC000;
	p0 =	sne.s32 s29, $0x4E00  }
0x57: {  	[spmem:s2] =	stream.indirect.scatter.add.f32 [tilespmem:s23], [sflag:$0x1], $0x80, s30, s25, $0xb8;
	[tilespmem:$0x19400] =	vst v63  }
.Ltmp1:
0x58: {  	_ = 	snop;
	(pc) =	sbr.rel @p0 .LBB2_4-.Ltmp1, $4  }
0x59: {  	_ = 	snop  }
0x5a: {  	s29 =	sadd.s32 $0x200, s29  }
0x5b: {  	_ =	swait.ge [sflag:s26], $0x4000  }
0x5c: {  	[sflag:s26] =	ssyncset.done $0x0  }
0x5d: {  	[sflag:s26] =	ssyncadd.s32 $0xFFFFC000  }
0x5e: {  	[bflag:$0x0] =	sbarrier.arrive $0xFFFF  }
0x5f: {  	[tilespmem:s23], [sflag:$0x2] =	stream.linear.gather [spmem:s6], $0x4000, $0x38;
	[tilespmem:$0x19400] =	vst v63  }
0x60: {  	_ =	swait.ge [sflag:s24], $0x4000  }
0x61: {  	[sflag:s24] =	ssyncset.done $0x0  }
0x62: {  	[sflag:s24] =	ssyncadd.s32 $0xFFFFC000  }
0x63: {  	[hbm4b:s18+s3] =	stream.linear.scatter [tilespmem:s23], [sflag:$0x2], $0x4000, $0x38;
	[tilespmem:$0x19400] =	vst v63  }
0x64: {  	_ =	swait.ge [sflag:s24], $0x4000  }
0x65: {  	[sflag:s24] =	ssyncset.done $0x0  }
0x66: {  	[sflag:s24] =	ssyncadd.s32 $0xFFFFC000  }
0x67: {  	[tilespmem:s23], [sflag:$0x2] =	stream.linear.gather [spmem:s11], $0x4000, $0x38;
	[tilespmem:$0x19400] =	vst v63  }
0x68: {  	_ =	swait.ge [sflag:s24], $0x4000  }
0x69: {  	[sflag:s24] =	ssyncset.done $0x0  }
0x6a: {  	[sflag:s24] =	ssyncadd.s32 $0xFFFFC000  }
0x6b: {  	[hbm4b:s19+s3] =	stream.linear.scatter [tilespmem:s23], [sflag:$0x2], $0x4000, $0x38;
	[tilespmem:$0x19400] =	vst v63  }
0x6c: {  	_ =	swait.ge [sflag:s24], $0x4000  }
0x6d: {  	[sflag:s24] =	ssyncset.done $0x0  }
0x6e: {  	[sflag:s24] =	ssyncadd.s32 $0xFFFFC000  }
0x6f: {  	[tilespmem:s23], [sflag:$0x2] =	stream.linear.gather [spmem:s13], $0x4000, $0x38;
	[tilespmem:$0x19400] =	vst v63  }
0x70: {  	_ =	swait.ge [sflag:s24], $0x4000  }
0x71: {  	[sflag:s24] =	ssyncset.done $0x0  }
0x72: {  	[sflag:s24] =	ssyncadd.s32 $0xFFFFC000  }
0x73: {  	[hbm4b:s20+s3] =	stream.linear.scatter [tilespmem:s23], [sflag:$0x2], $0x4000, $0x38;
	[tilespmem:$0x19400] =	vst v63  }
0x74: {  	_ =	swait.ge [sflag:s24], $0x4000  }
0x75: {  	[sflag:s24] =	ssyncset.done $0x0  }
0x76: {  	[sflag:s24] =	ssyncadd.s32 $0xFFFFC000  }
0x77: {  	[tilespmem:s23], [sflag:$0x2] =	stream.linear.gather [spmem:s15], $0x4000, $0x38;
	[tilespmem:$0x19400] =	vst v63  }
0x78: {  	_ =	swait.ge [sflag:s24], $0x4000  }
0x79: {  	[sflag:s24] =	ssyncset.done $0x0  }
0x7a: {  	[sflag:s24] =	ssyncadd.s32 $0xFFFFC000  }
0x7b: {  	[hbm4b:s21+s3] =	stream.linear.scatter [tilespmem:s23], [sflag:$0x2], $0x4000, $0x38;
	[tilespmem:$0x19400] =	vst v63  }
0x7c: {  	_ =	swait.ge [sflag:s24], $0x4000  }
0x7d: {  	[sflag:s24] =	ssyncset.done $0x0  }
0x7e: {  	[sflag:s24] =	ssyncadd.s32 $0xFFFFC000  }
0x7f: {  	[tilespmem:s23], [sflag:$0x2] =	stream.linear.gather [spmem:s17], $0x4000, $0x38;
	[tilespmem:$0x19400] =	vst v63  }
0x80: {  	s28 =	sadd.s32 $0x1, s28;
	_ =	swait.ge [sflag:s24], $0x4000  }
0x81: {  	p0 =	sne.s32 s28, s9;
	[sflag:s24] =	ssyncset.done $0x0  }
.Ltmp2:
0x82: {  	[sflag:s24] =	ssyncadd.s32 $0xFFFFC000;
	(pc) =	sbr.rel @p0 .LBB2_1-.Ltmp2, $4  }
0x83: {  	[hbm4b:s22+s3] =	stream.linear.scatter [tilespmem:s23], [sflag:$0x2], $0x4000, $0x38;
	[tilespmem:$0x19400] =	vst v63  }
0x84: {  	_ =	swait.ge [sflag:s24], $0x4000  }
0x85: {  	[sflag:s24] =	ssyncset.done $0x0  }
0x86: {  	[sflag:s24] =	ssyncadd.s32 $0xFFFFC000  }
0x87: {  	_ =	sfence.sel $0x180000  }
0x88: {  	[bflag:$0x0] =	sbarrier.arrive $0xFFFF  }
0x89: {  	p0 =	sne.s32 s1, $0x0;
	_ =	strace $0x9000004A  }
0x8a: {  	s0 =	sadd.s32 @!p0 $0x100000, s0;
	[bflag:$0x2] =	sbarrier.arrive $0xFFFF  }
0x8b: {  	[sflag:s0] =	ssyncadd.tile.s32 @!p0 $0x1;
	_ =	shalt  }
.Lfunc_end2:
_tile_overlayer_lowered:
.L_overlay_start_2:
0x8c: {  	(tag) =	ssettag $0x2  }
0x8d: {  	s0 =	rddreg [dreg:$0x0];
	s2 =	stileid.u32  }
0x8e: {  	s1 =	rddreg [dreg:$0x1];
	p0 =	sne.s32 s2, $0x0  }
0x8f: {  	s3 =	rddreg [dreg:$0x2];
	[bflag:$0x3] =	sbarrier.arrive $0xFFFF;
	s2 =	simm.s32 @!p0 $0x1C02  }
0x90: {  	[timem:s3], [sflag:s2] =	dma.local @!p0 [hbm:s0], s1  }
0x91: {  	s0 =	simm.s32 @!p0 $0x2  }
0x92: {  	_ =	swait.ge @!p0 [sflag:s0], s1  }
0x93: {  	s1 =	ssub.s32 @!p0 $0x0, s1;
	[sflag:s0] =	ssyncset.done @!p0 $0x0  }
0x94: {  	[sflag:s0] =	ssyncadd.s32 @!p0 s1  }
0x95: {  	[bflag:$0x3] =	sbarrier.arrive $0xFFFF  }
0x96: {  	_ =	shalt  }

// kernel: kernel.14.cloned.1.call-start
scs
__scs_entry_jumppad:
0x0: {  	(pc) =	sbr.rel $0x88, $3  }
0x1: {  	(tag) =	ssettag $0x0;
	lr =	simm.s32 $0x1  }
0x2: {  	[smem:$0x3F90] =	sst lr;
	_ =	strace $0xD0000000  }
0x3: {  	_ = 	snop  }
0x4: {  	_ = 	snop  }
0x5: {  	_ = 	snop  }
0x6: {  	_ = 	snop  }
0x7: {  	_ = 	snop  }
__scs_overlays_trampoline_lowered:
0x8: {  	[smem:$0x3F9F] =	sst s0  }
0x9: {  	[smem:$0x3FA0] =	sst s1  }
0xa: {  	[smem:$0x3FA1] =	sst s2  }
0xb: {  	[smem:$0x3FA2] =	sst s3  }
0xc: {  	[smem:$0x3FA3] =	sst s4  }
0xd: {  	[smem:$0x3FA4] =	sst s5  }
0xe: {  	[smem:$0x3FA5] =	sst s6  }
0xf: {  	[smem:$0x3FA6] =	sst s7  }
0x10: {  	[smem:$0x3FA7] =	sst s8  }
0x11: {  	[smem:$0x3FA8] =	sst s9;
	s0 =	simm.s32 @!p0 $0x0  }
0x12: {  	s1 =	sld [smem:$0x3F8E];
	s0 =	simm.s32 @p0 $0x1  }
0x13: {  	[smem:$0x3FA9] =	sst s0;
	s0 =	simm.s32 @!p1 $0x0  }
0x14: {  	s2 =	sld [smem:$0x3F8D];
	s0 =	simm.s32 @p1 $0x1  }
0x15: {  	[smem:$0x3FAA] =	sst s0;
	s0 =	simm.s32 @!p2 $0x0  }
0x16: {  	s3 =	sld [smem:$0x3FDB];
	s0 =	simm.s32 @p2 $0x1  }
0x17: {  	s4 =	simm.s32 $0x1BF5;
	[smem:$0x3FAC] =	sst s0  }
0x18: {  	s0 =	sld [smem:$0x3F8F];
	_ =	swait.ge [sflag:s4], $0x0  }
0x19: {  	s7 =	sld [smem:$0x3F90]  }
0x1a: {  	s8 =	sadd.s32 $0xFFFFE003, lr  }
0x1b: {  	s9 =	sadd.s32 $0xFFFFFEF7, lr;
	s5 =	simm.s32 $0xFFFFFFFF;
	p2 =	slt.u32 s8, $0xFFFFF086  }
0x1c: {  	p1 =	slt.u32 s9, $0xF7A;
	s5 =	simm.s32 @!p2 $0x0  }
0x1d: {  	s5 =	simm.s32 @p1 $0x1;
	p0 =	seq.s32 s7, s2  }
0x1e: {  	s7 =	smul.u32 @!p0 $0xF7A, s2;
	p2 =	seq.s32 @!p0 s5, $0x0  }
0x1f: {  	s9 =	smul.u32 $0xF7A, s1;
	s8 =	simm.s32 @!p0 $0x1BF5;
	p2 =	por !p2, p0  }
0x20: {  	[sflag:s8] =	ssyncset.s32 @!p0 $0xFFFFF086;
	s6 =	sadd.s32 @!p0 s3, s7;
	s7 =	simm.s32 @!p0 $0x108  }
0x21: {  	s3 =	sadd.s32 s3, s9;
	s6 =	sadd.s32 @!p0 $0x88, s6;
	s7 =	simm.s32 @p2 $0x1082  }
0x22: {  	[simem:s7], [sflag:s8] =	dma.local @!p0 [hbm:s6], $0xF7A  }
0x23: {  	s9 =	sor.u32 $0xD0000000, s2;
	s6 =	simm.s32 $0x108;
	_ =	swait.ge @!p0 [sflag:s8], $0x0  }
0x24: {  	s3 =	sadd.s32 $0x88, s3;
	s6 =	simm.s32 @!p1 $0x1082;
	[sflag:s4] =	ssyncset.s32 $0xFFFFF086  }
0x25: {  	[simem:s6], [sflag:s4] =	dma.local [hbm:s3], $0xF7A  }
0x26: {  	[smem:$0x3F90] =	sst s1;
	(tag) =	ssettag s2;
	_ =	strace s9  }
0x27: {  	s1 =	sld [smem:$0x3FA0]  }
0x28: {  	s2 =	sld [smem:$0x3FA1]  }
0x29: {  	s4 =	sld [smem:$0x3FA3]  }
0x2a: {  	p0 =	seq.s32 s5, $0x0;
	s5 =	sld [smem:$0x3FA4]  }
0x2b: {  	s6 =	sld [smem:$0x3FA5]  }
0x2c: {  	s7 =	sld [smem:$0x3FA6]  }
0x2d: {  	s3 =	simm.s32 $0x108;
	s8 =	sld [smem:$0x3FA7]  }
0x2e: {  	s3 =	simm.s32 @!p0 $0x1082;
	s9 =	sld [smem:$0x3FA8]  }
0x2f: {  	lr =	sadd.s32 s0, s3;
	s0 =	sld [smem:$0x3F9F]  }
0x30: {  	s3 =	sld [smem:$0x3FA2]  }
0x31: {  	[smem:$0x3FAB] =	sst s10  }
0x32: {  	s10 =	sld [smem:$0x3FA9];
	_ =	sdelay $0x3  }
0x33: {  	p0 =	seq.s32 s10, $0x1;
	s10 =	sld [smem:$0x3FAB];
	_ =	sdelay $0x3  }
0x34: {  	[smem:$0x3FAB] =	sst s10  }
0x35: {  	s10 =	sld [smem:$0x3FAA];
	_ =	sdelay $0x3  }
0x36: {  	p1 =	seq.s32 s10, $0x1;
	s10 =	sld [smem:$0x3FAB];
	_ =	sdelay $0x3  }
0x37: {  	[smem:$0x3FAB] =	sst s10  }
0x38: {  	s10 =	sld [smem:$0x3FAC]  }
0x39: {  	_ = 	snop;
	(pc) =	sbr.ind lr, $3  }
0x3a: {  	_ = 	snop  }
0x3b: {  	_ = 	snop  }
0x3c: {  	p2 =	seq.s32 s10, $0x1;
	s10 =	sld [smem:$0x3FAB]  }
0x3d: {  	_ =	shalt  }
0x3e: {  	_ =	shalt  }
0x3f: {  	_ =	shalt  }
0x40: {  	_ =	shalt  }
0x41: {  	_ =	shalt  }
0x42: {  	_ =	shalt  }
0x43: {  	_ =	shalt  }
0x44: {  	_ =	shalt  }
0x45: {  	_ =	shalt  }
0x46: {  	_ =	shalt  }
0x47: {  	_ =	shalt  }
0x48: {  	_ =	shalt  }
0x49: {  	_ =	shalt  }
0x4a: {  	_ =	shalt  }
0x4b: {  	_ =	shalt  }
0x4c: {  	_ =	shalt  }
0x4d: {  	_ =	shalt  }
0x4e: {  	_ =	shalt  }
0x4f: {  	_ =	shalt  }
0x50: {  	_ =	shalt  }
0x51: {  	_ =	shalt  }
0x52: {  	_ =	shalt  }
0x53: {  	_ =	shalt  }
0x54: {  	_ =	shalt  }
0x55: {  	_ =	shalt  }
0x56: {  	_ =	shalt  }
0x57: {  	_ =	shalt  }
0x58: {  	_ =	shalt  }
0x59: {  	_ =	shalt  }
0x5a: {  	_ =	shalt  }
0x5b: {  	_ =	shalt  }
0x5c: {  	_ =	shalt  }
0x5d: {  	_ =	shalt  }
0x5e: {  	_ =	shalt  }
0x5f: {  	_ =	shalt  }
0x60: {  	_ =	shalt  }
0x61: {  	_ =	shalt  }
0x62: {  	_ =	shalt  }
0x63: {  	_ =	shalt  }
0x64: {  	_ =	shalt  }
0x65: {  	_ =	shalt  }
0x66: {  	_ =	shalt  }
0x67: {  	_ =	shalt  }
0x68: {  	_ =	shalt  }
0x69: {  	_ =	shalt  }
0x6a: {  	_ =	shalt  }
0x6b: {  	_ =	shalt  }
0x6c: {  	_ =	shalt  }
0x6d: {  	_ =	shalt  }
0x6e: {  	_ =	shalt  }
0x6f: {  	_ =	shalt  }
0x70: {  	_ =	shalt  }
0x71: {  	_ =	shalt  }
0x72: {  	_ =	shalt  }
0x73: {  	_ =	shalt  }
0x74: {  	_ =	shalt  }
0x75: {  	_ =	shalt  }
0x76: {  	_ =	shalt  }
0x77: {  	_ =	shalt  }
0x78: {  	_ =	shalt  }
0x79: {  	_ =	shalt  }
0x7a: {  	_ =	shalt  }
0x7b: {  	_ =	shalt  }
0x7c: {  	_ =	shalt  }
0x7d: {  	_ =	shalt  }
0x7e: {  	_ =	shalt  }
0x7f: {  	_ =	shalt  }
0x80: {  	_ =	shalt  }
0x81: {  	_ =	shalt  }
0x82: {  	_ =	shalt  }
0x83: {  	_ =	shalt  }
0x84: {  	_ =	shalt  }
0x85: {  	_ =	shalt  }
0x86: {  	_ =	shalt  }
0x87: {  	_ =	shalt  }
.Lfunc_end0:
.L_simem_size_0:
called_computation.1_lowered:
.L_overlay_start_0:
0x88: {  	s2 =	sld [smem:$0x3FD9]  }
0x89: {  	s3 =	sld [smem:$0x3FFE];
	_ =	sdelay $0x1  }
0x8a: {  	s1 =	srdreg.scid  }
0x8b: {  	s0 =	sand.u32 $0x1, s1  }
0x8c: {  	s16 =	sshll.u32 s0, $0xA;
	s2 =	sadd.s32 s3, s2  }
0x8d: {  	s2 =	sadd.s32 s2, s16  }
0x8e: {  	[smem:$0x3FB7] =	sst s2  }
0x8f: {  	_ = 	snop  }
0x90: {  	(tm) =	ssettm $0x1  }
0x91: {  	s17 =	sld [smem:$0x3FFB];
	_ =	sdelay $0x3  }
0x92: {  	_ =	strace s17  }
0x93: {  	s2 =	sld [smem:$0x3FFC];
	_ =	sdelay $0x3  }
0x94: {  	_ =	strace s2  }
0x95: {  	s2 =	sld [smem:$0x3FFD];
	_ =	sdelay $0x3  }
0x96: {  	_ =	strace s2  }
0x97: {  	_ =	strace $0x8FFFFFFF  }
0x98: {  	s18 =	sld [smem:$0x3FDB];
	_ =	sdelay $0x1  }
0x99: {  	s19 =	simm.s32 $_scs_section_size  }
0x9a: {  	s4 =	simm.s32 $_size__tile_overlayer_lowered;
	s5 =	simm.s32 $_tile_overlayer_lowered  }
0x9b: {  	s22 =	simm.s32 $0x1BFF;
	s21 =	sshll.u32 s5, $0x1;
	s2 =	sadd.s32 s19, s18  }
0x9c: {  	s6 =	simm.s32 $0x0;
	s20 =	sshll.u32 s4, $0x1;
	s4 =	sadd.s32 s21, s2  }
0x9d: {  	[timem:s6], [sflag:s22] =	dma.local [hbm:s4], s20  }
0x9e: {  	_ =	swait.ge [sflag:s22], s20  }
0x9f: {  	s3 =	ssub.s32 $0x0, s20;
	[sflag:s22] =	ssyncset.done $0x0  }
0xa0: {  	[sflag:s22] =	ssyncadd.s32 s3;
	_ =	sdelay $0x1  }
0xa1: {  	s23 =	simm.s32 $0x1B8B  }
0xa2: {  	_ =	swait.ge [sflag:s23], $0x1  }
0xa3: {  	[sflag:s23] =	ssyncset.done $0x0  }
0xa4: {  	s25 =	simm.s32 $0x1B8E;
	s24 =	sld [smem:$0x3FFE];
	[sflag:s23] =	ssyncadd.s32 $0xFFFFFFFF  }
0xa5: {  	s26 =	simm.s32 $execute0_lowered;
	[smem:$0x3FD2] =	sst s25  }
0xa6: {  	s4 =	sshll.u32 s26, $0x1;
	_ =	strace $0x80000046;
	[dreg:$0x1] =	wrdreg $0xFFFFFFFF  }
0xa7: {  	s28 =	simm.s32 $_size_execute0_lowered;
	s2 =	sadd.s32 s2, s4;
	[dreg:$0x0] =	wrdreg $0x0  }
0xa8: {  	s4 =	sshll.u32 s28, $0x1;
	[dreg:$0x2] =	wrdreg s2  }
0xa9: {  	[dreg:$0x3] =	wrdreg s4  }
0xaa: {  	[dreg:$0x4] =	wrdreg $0xC0  }
0xab: {  	_ =	task [dreg:s6], $0x5FFFF  }
0xac: {  	[dreg:$0x1] =	wrdreg $0xFFFFFFFF  }
0xad: {  	[dreg:$0x0] =	wrdreg $0x60  }
0xae: {  	[dreg:$0x2] =	wrdreg s24  }
0xaf: {  	[dreg:$0x3] =	wrdreg $0xA8000  }
0xb0: {  	[dreg:$0x4] =	wrdreg $0xA  }
0xb1: {  	_ =	task.clear_ibuf [dreg:s6], $0x5FFFF;
	_ =	strace $0x90000046  }
0xb2: {  	s29 =	simm.s32 $0xA;
	_ =	strace $0x80000048  }
0xb3: {  	_ =	swait.ge [sflag:s29], $0x1  }
0xb4: {  	[sflag:s29] =	ssyncadd.s32 $0xFFFFFFFF  }
0xb5: {  	_ =	strace $0x90000048  }
0xb6: {  	_ =	sfence  }
0xb7: {  	s30 =	sld [smem:$0x0];
	_ =	sdelay $0x2  }
0xb8: {  	s31 =	sshll.u32 s1, $0xD;
	s1 =	sshrl.u32 s1, $0x2  }
0xb9: {  	s3 =	sand.u32 $0x4000, s31;
	s1 =	sadd.s32 s1, s30  }
0xba: {  	s0 =	sor.u32 s3, s0;
	s1 =	sshll.u32 s1, $0x11  }
0xbb: {  	s0 =	sor.u32 s1, s0  }
0xbc: {  	s0 =	sadd.s32 $0x8F2B, s0  }
0xbd: {  	[sflag:s0] =	ssyncadd.remote.s32 $0x1  }
0xbe: {  	_ =	sfence.sel $0xFFFF  }
0xbf: {  	[dreg:$0x0] =	wrdreg $0xFFFFFFFF;
	(pc) =	sbr.abs _section_cstart, $3  }
0xc0: {  	[dreg:$0x1] =	wrdreg $0xFFFFFFFF  }
0xc1: {  	_ =	task.clear_ibuf [dreg:s6], $0x2FFFF;
	_ =	strace $0x9FFFFFFF  }
0xc2: {  	(tm) =	ssettm $0x7FFFFFFF  }
0xc3: {  	_ =	shalt  }
tec
execute0_lowered:
.L_overlay_start_1:
0x0: {  	(tag) =	ssettag $0x1  }
0x1: {  	s0 =	rddreg [dreg:$0x0]  }
0x2: {  	s2 =	rddreg [dreg:$0x1];
	s3 =	simm.s32 $0x0  }
0x3: {  	s1 =	srdreg.scid;
	s10 =	stileid.u32;
	s28 =	simm.s32 $0x80  }
0x4: {  	s29 =	simm.s32 $0x1;
	s30 =	simm.s32 $0x6800;
	s31 =	simm.s32 $0x3  }
0x5: {  	[smem:$0x7FF] =	sst s3;
	s1 =	sand.u32 $0x1, s1;
	s7 =	smul.u32 $0x280, s10  }
0x6: {  	s4 =	sadd.s32 $0x17E00, s0;
	s5 =	sadd.s32 $0xDE00, s0;
	s9 =	smul.u32 $0x50000, s10  }
0x7: {  	s6 =	sadd.s32 $0x3E00, s0;
	s11 =	sadd.s32 $0x3FE00, s0;
	s10 =	smul.u32 $0xA0, s10  }
0x8: {  	s23 =	sadd.s32 $0x40600, s0;
	_ =	strace $0x80000047;
	[dreg:$0x3] =	wrdreg s11  }
0x9: {  	s24 =	sadd.s32 $0x40E00, s0;
	s25 =	sadd.s32 $0x41600, s0;
	[dreg:$0x5] =	wrdreg s23  }
0xa: {  	s8 =	smul.u32 $0x2800, s1;
	s20 =	ssub.s32 $0x2, s1;
	[dreg:$0x6] =	wrdreg s24  }
0xb: {  	s21 =	smul.u32 $0x78, s1;
	[dreg:$0x7] =	wrdreg s25;
	s24 =	simm.s32 $0x2800  }
0xc: {  	p0 =	sne.s32 s1, $0x0;
	s25 =	simm.s32 $0x4;
	s1 =	simm.s32 $0x2780  }
0xd: {  	s11 =	simm.s32 $0x0;
	s12 =	sshrl.u32 s20, $0x1;
	s9 =	sshrl.u32 s9, $0x2  }
0xe: {  	s7 =	sadd.s32 s8, s7;
	s12 =	ssub.s32 s20, s12;
	s8 =	sadd.s32 s9, s2  }
0xf: {  	s9 =	sadd.s32 s21, s10;
	s10 =	simm.s32 $0x1380;
	s7 =	sshll.u32 s7, $0x4  }
0x10: {  	s22 =	smax.u32 s12, $0x1;
	s12 =	sadd.s32 $0x4000, s8;
	s14 =	sadd.s32 $0x8000, s8  }
0x11: {  	s7 =	sadd.s32 s7, s0;
	[dreg:$0x4] =	wrdreg s22;
	s0 =	sadd.s32 $0x41E00, s0  }
0x12: {  	s16 =	sadd.s32 $0xC000, s8;
	s18 =	sadd.s32 $0x10000, s8;
	[dreg:$0x8] =	wrdreg s0  }
0x13: {  	s26 =	sadd.s32 $0x42600, s7;
	s20 =	sadd.s32 $0x42E00, s7;
	s21 =	sadd.s32 $0x43600, s7  }
0x14: {  	s22 =	sadd.s32 $0x43E00, s7;
	s23 =	sadd.s32 $0x44600, s7;
	s0 =	simm.s32 $0x2  }
0x15: {  	s7 =	simm.s32 $0x1300;
	[dreg:$0x9] =	wrdreg s26;
	s26 =	simm.s32 $0x1400  }
.LBB2_1:
0x16: {  	s13 =	rddreg [dreg:$0x3]  }
0x17: {  	[tilespmem:s24], [sflag:$0x4] =	stream.linear.gather [hbm4b:s13+s3], $0x4000, $0x38;
	[tilespmem:$0x1E800] =	vst v63  }
0x18: {  	_ =	swait.ge [sflag:s25], $0x4000  }
0x19: {  	[sflag:s25] =	ssyncset.done $0x0  }
0x1a: {  	[sflag:s25] =	ssyncadd.s32 $0xFFFFC000  }
0x1b: {  	[spmem:s8] =	stream.linear.scatter [tilespmem:s24], [sflag:$0x4], $0x4000, $0x38;
	[tilespmem:$0x1E800] =	vst v63  }
0x1c: {  	_ =	swait.ge [sflag:s25], $0x4000  }
0x1d: {  	[sflag:s25] =	ssyncset.done $0x0  }
0x1e: {  	s19 =	rddreg [dreg:$0x5];
	[sflag:s25] =	ssyncadd.s32 $0xFFFFC000  }
0x1f: {  	[tilespmem:s24], [sflag:$0x4] =	stream.linear.gather [hbm4b:s19+s3], $0x4000, $0x38;
	[tilespmem:$0x1E800] =	vst v63  }
0x20: {  	_ =	swait.ge [sflag:s25], $0x4000  }
0x21: {  	[sflag:s25] =	ssyncset.done $0x0  }
0x22: {  	[sflag:s25] =	ssyncadd.s32 $0xFFFFC000  }
0x23: {  	[spmem:s12] =	stream.linear.scatter [tilespmem:s24], [sflag:$0x4], $0x4000, $0x38;
	[tilespmem:$0x1E800] =	vst v63  }
0x24: {  	_ =	swait.ge [sflag:s25], $0x4000  }
0x25: {  	[sflag:s25] =	ssyncset.done $0x0  }
0x26: {  	s15 =	rddreg [dreg:$0x6];
	[sflag:s25] =	ssyncadd.s32 $0xFFFFC000  }
0x27: {  	[tilespmem:s24], [sflag:$0x4] =	stream.linear.gather [hbm4b:s15+s3], $0x4000, $0x38;
	[tilespmem:$0x1E800] =	vst v63  }
0x28: {  	_ =	swait.ge [sflag:s25], $0x4000  }
0x29: {  	[sflag:s25] =	ssyncset.done $0x0  }
0x2a: {  	[sflag:s25] =	ssyncadd.s32 $0xFFFFC000  }
0x2b: {  	[spmem:s14] =	stream.linear.scatter [tilespmem:s24], [sflag:$0x4], $0x4000, $0x38;
	[tilespmem:$0x1E800] =	vst v63  }
0x2c: {  	_ =	swait.ge [sflag:s25], $0x4000  }
0x2d: {  	[sflag:s25] =	ssyncset.done $0x0  }
0x2e: {  	s17 =	rddreg [dreg:$0x7];
	[sflag:s25] =	ssyncadd.s32 $0xFFFFC000  }
0x2f: {  	[tilespmem:s24], [sflag:$0x4] =	stream.linear.gather [hbm4b:s17+s3], $0x4000, $0x38;
	[tilespmem:$0x1E800] =	vst v63  }
0x30: {  	_ =	swait.ge [sflag:s25], $0x4000  }
0x31: {  	[sflag:s25] =	ssyncset.done $0x0  }
0x32: {  	[sflag:s25] =	ssyncadd.s32 $0xFFFFC000  }
0x33: {  	[spmem:s16] =	stream.linear.scatter [tilespmem:s24], [sflag:$0x4], $0x4000, $0x38;
	[tilespmem:$0x1E800] =	vst v63  }
0x34: {  	_ =	swait.ge [sflag:s25], $0x4000  }
0x35: {  	[sflag:s25] =	ssyncset.done $0x0  }
0x36: {  	s19 =	rddreg [dreg:$0x8];
	[sflag:s25] =	ssyncadd.s32 $0xFFFFC000  }
0x37: {  	[tilespmem:s24], [sflag:$0x4] =	stream.linear.gather [hbm4b:s19+s3], $0x4000, $0x38;
	[tilespmem:$0x1E800] =	vst v63  }
0x38: {  	_ =	swait.ge [sflag:s25], $0x4000  }
0x39: {  	[sflag:s25] =	ssyncset.done $0x0  }
0x3a: {  	[sflag:s25] =	ssyncadd.s32 $0xFFFFC000  }
0x3b: {  	[spmem:s18] =	stream.linear.scatter [tilespmem:s24], [sflag:$0x4], $0x4000, $0x38;
	[tilespmem:$0x1E800] =	vst v63  }
0x3c: {  	_ =	swait.ge [sflag:s25], $0x4000  }
0x3d: {  	[sflag:s25] =	ssyncset.done $0x0  }
0x3e: {  	[sflag:s25] =	ssyncadd.s32 $0xFFFFC000  }
0x3f: {  	s13 =	simm.s32 $0x0;
	[bflag:$0x0] =	sbarrier.arrive $0xFFFF  }
.LBB2_2:
0x40: {  	s15 =	smul.u32 $0x28, s13;
	_ =	sdelay $0x1  }
0x41: {  	s15 =	sadd.s32 s15, s9  }
0x42: {  	s15 =	sshll.u32 s15, $0x4  }
0x43: {  	s19 =	simm.s32 $0x0;
	s17 =	sadd.s32 s6, s15  }
0x44: {  	[tilespmem:s19], [sflag:$0x4] =	stream.linear.gather [hbm4b:s17+s19], $0x1400, $0x38;
	[tilespmem:$0x1E800] =	vst v63  }
0x45: {  	_ =	swait.ge [sflag:s25], $0x1400  }
0x46: {  	[sflag:s25] =	ssyncset.done $0x0  }
0x47: {  	s15 =	sadd.s32 s5, s15;
	[sflag:s25] =	ssyncadd.s32 $0xFFFFEC00  }
0x48: {  	[tilespmem:s26], [sflag:$0x4] =	stream.linear.gather [hbm4b:s15+s19], $0x1400, $0x38;
	[tilespmem:$0x1E800] =	vst v63  }
0x49: {  	_ =	swait.ge [sflag:s25], $0x1400  }
0x4a: {  	[sflag:s25] =	ssyncset.done $0x0  }
0x4b: {  	[sflag:s25] =	ssyncadd.s32 $0xFFFFEC00  }
0x4c: {  	[tilespmem:s24], [sflag:$0x1] =	stream.indirect.gather [hbm4b:s4+s28], $0x80, s26, s28, $0xb8;
	[tilespmem:$0x1E800] =	vst v63  }
0x4d: {  	_ =	swait.ge [sflag:s29], $0x4000  }
0x4e: {  	[sflag:s29] =	ssyncset.done $0x0  }
0x4f: {  	s17 =	simm.s32 $0x1480;
	[sflag:s29] =	ssyncadd.s32 $0xFFFFC000  }
0x50: {  	[tilespmem:s30], [sflag:$0x2] =	stream.indirect.gather [hbm4b:s4+s28], $0x80, s17, s28, $0xb8;
	[tilespmem:$0x1E800] =	vst v63  }
0x51: {  	s19 =	simm.s32 $0x0  }
0x52: {  	[spmem:s2] =	stream.indirect.scatter.add.f32 [tilespmem:s24], [sflag:$0x3], $0x80, s19, s28, $0xb8;
	[tilespmem:$0x1E800] =	vst v63  }
0x53: {  	_ =	swait.ge [sflag:s31], $0x4000  }
0x54: {  	[sflag:s31] =	ssyncset.done $0x0  }
0x55: {  	[sflag:s31] =	ssyncadd.s32 $0xFFFFC000  }
0x56: {  	_ =	swait.ge [sflag:s0], $0x4000  }
0x57: {  	[sflag:s0] =	ssyncset.done $0x0  }
0x58: {  	s17 =	simm.s32 $0x1500;
	[sflag:s0] =	ssyncadd.s32 $0xFFFFC000  }
0x59: {  	[tilespmem:s24], [sflag:$0x1] =	stream.indirect.gather [hbm4b:s4+s28], $0x80, s17, s28, $0xb8;
	[tilespmem:$0x1E800] =	vst v63  }
0x5a: {  	s19 =	simm.s32 $0x80  }
0x5b: {  	[spmem:s2] =	stream.indirect.scatter.add.f32 [tilespmem:s30], [sflag:$0x3], $0x80, s19, s28, $0xb8;
	[tilespmem:$0x1E800] =	vst v63  }
0x5c: {  	_ =	swait.ge [sflag:s31], $0x4000  }
0x5d: {  	s15 =	simm.s32 $0x400;
	[sflag:s31] =	ssyncset.done $0x0  }
.LBB2_3:
0x5e: {  	p1 =	sne.s32 s15, $0x4800  }
0x5f: {  	[sflag:s31] =	ssyncadd.s32 $0xFFFFC000;
	s17 =	smov.u32 s15;
	s15 =	sadd.s32 $0x400, s15  }
0x60: {  	_ = 	snop  }
0x61: {  	_ =	swait.ge [sflag:s29], $0x4000  }
0x62: {  	s17 =	sshra.s32 s17, $0x2;
	[sflag:s29] =	ssyncset.done $0x0  }
0x63: {  	s19 =	sadd.s32 $0x1480, s17;
	[sflag:s29] =	ssyncadd.s32 $0xFFFFC000  }
0x64: {  	[tilespmem:s30], [sflag:$0x2] =	stream.indirect.gather [hbm4b:s4+s28], $0x80, s19, s28, $0xb8;
	[tilespmem:$0x1E800] =	vst v63  }
0x65: {  	_ = 	snop  }
0x66: {  	[spmem:s2] =	stream.indirect.scatter.add.f32 [tilespmem:s24], [sflag:$0x3], $0x80, s17, s28, $0xb8;
	[tilespmem:$0x1E800] =	vst v63  }
0x67: {  	_ =	swait.ge [sflag:s31], $0x4000  }
0x68: {  	[sflag:s31] =	ssyncset.done $0x0  }
0x69: {  	[sflag:s31] =	ssyncadd.s32 $0xFFFFC000  }
0x6a: {  	_ =	swait.ge [sflag:s0], $0x4000  }
0x6b: {  	[sflag:s0] =	ssyncset.done $0x0  }
0x6c: {  	s19 =	sadd.s32 $0x1500, s17;
	[sflag:s0] =	ssyncadd.s32 $0xFFFFC000  }
0x6d: {  	[tilespmem:s24], [sflag:$0x1] =	stream.indirect.gather [hbm4b:s4+s28], $0x80, s19, s28, $0xb8;
	[tilespmem:$0x1E800] =	vst v63  }
.Ltmp0:
0x6e: {  	_ = 	snop;
	(pc) =	sbr.rel @p1 .LBB2_3-.Ltmp0, $4  }
0x6f: {  	s17 =	sadd.s32 $0x80, s17  }
0x70: {  	[spmem:s2] =	stream.indirect.scatter.add.f32 [tilespmem:s30], [sflag:$0x3], $0x80, s17, s28, $0xb8;
	[tilespmem:$0x1E800] =	vst v63  }
0x71: {  	_ =	swait.ge [sflag:s31], $0x4000  }
0x72: {  	[sflag:s31] =	ssyncset.done $0x0  }
0x73: {  	[sflag:s31] =	ssyncadd.s32 $0xFFFFC000  }
0x74: {  	_ =	swait.ge [sflag:s29], $0x4000  }
0x75: {  	[sflag:s29] =	ssyncset.done $0x0  }
0x76: {  	[sflag:s29] =	ssyncadd.s32 $0xFFFFC000  }
0x77: {  	[tilespmem:s30], [sflag:$0x2] =	stream.indirect.gather [hbm4b:s4+s28], $0x80, s1, s28, $0xb8;
	[tilespmem:$0x1E800] =	vst v63  }
0x78: {  	_ = 	snop  }
0x79: {  	[spmem:s2] =	stream.indirect.scatter.add.f32 [tilespmem:s24], [sflag:$0x3], $0x80, s7, s28, $0xb8;
	[tilespmem:$0x1E800] =	vst v63  }
0x7a: {  	_ =	swait.ge [sflag:s31], $0x4000  }
0x7b: {  	[sflag:s31] =	ssyncset.done $0x0  }
0x7c: {  	[sflag:s31] =	ssyncadd.s32 $0xFFFFC000  }
0x7d: {  	p1 =	slt.u32 @!p0 s13, $0x2;
	_ =	swait.ge [sflag:s0], $0x4000  }
0x7e: {  	p1 =	por p0, !p1;
	[sflag:s0] =	ssyncset.done $0x0  }
.Ltmp1:
0x7f: {  	[sflag:s0] =	ssyncadd.s32 $0xFFFFC000;
	(pc) =	sbr.rel @!p1 .LBB2_2-.Ltmp1, $4  }
0x80: {  	[spmem:s2] =	stream.indirect.scatter.add.f32 [tilespmem:s30], [sflag:$0x3], $0x80, s10, s28, $0xb8;
	[tilespmem:$0x1E800] =	vst v63  }
0x81: {  	_ =	swait.ge [sflag:s31], $0x4000  }
0x82: {  	[sflag:s31] =	ssyncset.done $0x0  }
0x83: {  	s13 =	sadd.s32 $0x1, s13;
	[sflag:s31] =	ssyncadd.s32 $0xFFFFC000  }
0x84: {  	[bflag:$0x0] =	sbarrier.arrive $0xFFFF  }
0x85: {  	[tilespmem:s24], [sflag:$0x4] =	stream.linear.gather [spmem:s8], $0x4000, $0x38;
	[tilespmem:$0x1E800] =	vst v63  }
0x86: {  	_ =	swait.ge [sflag:s25], $0x4000  }
0x87: {  	[sflag:s25] =	ssyncset.done $0x0  }
0x88: {  	s13 =	rddreg [dreg:$0x9];
	[sflag:s25] =	ssyncadd.s32 $0xFFFFC000  }
0x89: {  	[hbm4b:s13+s3] =	stream.linear.scatter [tilespmem:s24], [sflag:$0x4], $0x4000, $0x38;
	[tilespmem:$0x1E800] =	vst v63  }
0x8a: {  	_ =	swait.ge [sflag:s25], $0x4000  }
0x8b: {  	[sflag:s25] =	ssyncset.done $0x0  }
0x8c: {  	[sflag:s25] =	ssyncadd.s32 $0xFFFFC000  }
0x8d: {  	[tilespmem:s24], [sflag:$0x4] =	stream.linear.gather [spmem:s12], $0x4000, $0x38;
	[tilespmem:$0x1E800] =	vst v63  }
0x8e: {  	_ =	swait.ge [sflag:s25], $0x4000  }
0x8f: {  	[sflag:s25] =	ssyncset.done $0x0  }
0x90: {  	[sflag:s25] =	ssyncadd.s32 $0xFFFFC000  }
0x91: {  	[hbm4b:s20+s3] =	stream.linear.scatter [tilespmem:s24], [sflag:$0x4], $0x4000, $0x38;
	[tilespmem:$0x1E800] =	vst v63  }
0x92: {  	_ =	swait.ge [sflag:s25], $0x4000  }
0x93: {  	[sflag:s25] =	ssyncset.done $0x0  }
0x94: {  	[sflag:s25] =	ssyncadd.s32 $0xFFFFC000  }
0x95: {  	[tilespmem:s24], [sflag:$0x4] =	stream.linear.gather [spmem:s14], $0x4000, $0x38;
	[tilespmem:$0x1E800] =	vst v63  }
0x96: {  	_ =	swait.ge [sflag:s25], $0x4000  }
0x97: {  	[sflag:s25] =	ssyncset.done $0x0  }
0x98: {  	[sflag:s25] =	ssyncadd.s32 $0xFFFFC000  }
0x99: {  	[hbm4b:s21+s3] =	stream.linear.scatter [tilespmem:s24], [sflag:$0x4], $0x4000, $0x38;
	[tilespmem:$0x1E800] =	vst v63  }
0x9a: {  	_ =	swait.ge [sflag:s25], $0x4000  }
0x9b: {  	[sflag:s25] =	ssyncset.done $0x0  }
0x9c: {  	[sflag:s25] =	ssyncadd.s32 $0xFFFFC000  }
0x9d: {  	[tilespmem:s24], [sflag:$0x4] =	stream.linear.gather [spmem:s16], $0x4000, $0x38;
	[tilespmem:$0x1E800] =	vst v63  }
0x9e: {  	_ =	swait.ge [sflag:s25], $0x4000  }
0x9f: {  	[sflag:s25] =	ssyncset.done $0x0  }
0xa0: {  	[sflag:s25] =	ssyncadd.s32 $0xFFFFC000  }
0xa1: {  	[hbm4b:s22+s3] =	stream.linear.scatter [tilespmem:s24], [sflag:$0x4], $0x4000, $0x38;
	[tilespmem:$0x1E800] =	vst v63  }
0xa2: {  	_ =	swait.ge [sflag:s25], $0x4000  }
0xa3: {  	[sflag:s25] =	ssyncset.done $0x0  }
0xa4: {  	[sflag:s25] =	ssyncadd.s32 $0xFFFFC000  }
0xa5: {  	[tilespmem:s24], [sflag:$0x4] =	stream.linear.gather [spmem:s18], $0x4000, $0x38;
	[tilespmem:$0x1E800] =	vst v63  }
0xa6: {  	_ =	swait.ge [sflag:s25], $0x4000  }
0xa7: {  	[sflag:s25] =	ssyncset.done $0x0  }
0xa8: {  	[sflag:s25] =	ssyncadd.s32 $0xFFFFC000  }
0xa9: {  	[hbm4b:s23+s3] =	stream.linear.scatter [tilespmem:s24], [sflag:$0x4], $0x4000, $0x38;
	[tilespmem:$0x1E800] =	vst v63  }
0xaa: {  	_ =	swait.ge [sflag:s25], $0x4000  }
0xab: {  	s11 =	sadd.s32 $0x1, s11;
	s19 =	rddreg [dreg:$0x4]  }
0xac: {  	p1 =	sne.s32 s11, s19  }
.Ltmp2:
0xad: {  	_ = 	snop;
	(pc) =	sbr.rel @p1 .LBB2_1-.Ltmp2, $3  }
0xae: {  	_ =	sdelay $0x1  }
0xaf: {  	[sflag:s25] =	ssyncset.done $0x0  }
0xb0: {  	[sflag:s25] =	ssyncadd.s32 $0xFFFFC000  }
0xb1: {  	_ =	sfence.sel $0x180000  }
0xb2: {  	[bflag:$0x0] =	sbarrier.arrive $0xFFFF  }
0xb3: {  	_ =	strace $0x90000047  }
0xb4: {  	s0 =	stileid.u32;
	[bflag:$0x2] =	sbarrier.arrive $0xFFFF  }
0xb5: {  	p0 =	sne.s32 s0, $0x0;
	s0 =	rddreg [dreg:$0x2]  }
0xb6: {  	s0 =	sadd.s32 @!p0 $0x100000, s0  }
0xb7: {  	[sflag:s0] =	ssyncadd.tile.s32 @!p0 $0x1;
	_ =	shalt  }
.Lfunc_end2:
_tile_overlayer_lowered:
.L_overlay_start_2:
0xb8: {  	(tag) =	ssettag $0x2  }
0xb9: {  	s0 =	rddreg [dreg:$0x0];
	s2 =	stileid.u32  }
0xba: {  	s1 =	rddreg [dreg:$0x1];
	p0 =	sne.s32 s2, $0x0  }
0xbb: {  	s3 =	rddreg [dreg:$0x2];
	[bflag:$0x3] =	sbarrier.arrive $0xFFFF;
	s2 =	simm.s32 @!p0 $0x1C04  }
0xbc: {  	[timem:s3], [sflag:s2] =	dma.local @!p0 [hbm:s0], s1  }
0xbd: {  	s0 =	simm.s32 @!p0 $0x4  }
0xbe: {  	_ =	swait.ge @!p0 [sflag:s0], s1  }
0xbf: {  	s1 =	ssub.s32 @!p0 $0x0, s1;
	[sflag:s0] =	ssyncset.done @!p0 $0x0  }
0xc0: {  	[sflag:s0] =	ssyncadd.s32 @!p0 s1  }
0xc1: {  	[bflag:$0x3] =	sbarrier.arrive $0xFFFF  }
0xc2: {  	_ =	shalt  }

// kernel: kernel.17.cloned.1.call-start
scs
__scs_entry_jumppad:
0x0: {  	(pc) =	sbr.rel $0x88, $3  }
0x1: {  	(tag) =	ssettag $0x0;
	lr =	simm.s32 $0x1  }
0x2: {  	[smem:$0x3F90] =	sst lr;
	_ =	strace $0xD0000000  }
0x3: {  	_ = 	snop  }
0x4: {  	_ = 	snop  }
0x5: {  	_ = 	snop  }
0x6: {  	_ = 	snop  }
0x7: {  	_ = 	snop  }
__scs_overlays_trampoline_lowered:
0x8: {  	[smem:$0x3F9F] =	sst s0  }
0x9: {  	[smem:$0x3FA0] =	sst s1  }
0xa: {  	[smem:$0x3FA1] =	sst s2  }
0xb: {  	[smem:$0x3FA2] =	sst s3  }
0xc: {  	[smem:$0x3FA3] =	sst s4  }
0xd: {  	[smem:$0x3FA4] =	sst s5  }
0xe: {  	[smem:$0x3FA5] =	sst s6  }
0xf: {  	[smem:$0x3FA6] =	sst s7  }
0x10: {  	[smem:$0x3FA7] =	sst s8  }
0x11: {  	[smem:$0x3FA8] =	sst s9;
	s0 =	simm.s32 @!p0 $0x0  }
0x12: {  	s1 =	sld [smem:$0x3F8E];
	s0 =	simm.s32 @p0 $0x1  }
0x13: {  	[smem:$0x3FA9] =	sst s0;
	s0 =	simm.s32 @!p1 $0x0  }
0x14: {  	s2 =	sld [smem:$0x3F8D];
	s0 =	simm.s32 @p1 $0x1  }
0x15: {  	[smem:$0x3FAA] =	sst s0;
	s0 =	simm.s32 @!p2 $0x0  }
0x16: {  	s3 =	sld [smem:$0x3FDB];
	s0 =	simm.s32 @p2 $0x1  }
0x17: {  	s4 =	simm.s32 $0x1BF5;
	[smem:$0x3FAC] =	sst s0  }
0x18: {  	s0 =	sld [smem:$0x3F8F];
	_ =	swait.ge [sflag:s4], $0x0  }
0x19: {  	s7 =	sld [smem:$0x3F90]  }
0x1a: {  	s8 =	sadd.s32 $0xFFFFE003, lr  }
0x1b: {  	s9 =	sadd.s32 $0xFFFFFEF7, lr;
	s5 =	simm.s32 $0xFFFFFFFF;
	p2 =	slt.u32 s8, $0xFFFFF086  }
0x1c: {  	p1 =	slt.u32 s9, $0xF7A;
	s5 =	simm.s32 @!p2 $0x0  }
0x1d: {  	s5 =	simm.s32 @p1 $0x1;
	p0 =	seq.s32 s7, s2  }
0x1e: {  	s7 =	smul.u32 @!p0 $0xF7A, s2;
	p2 =	seq.s32 @!p0 s5, $0x0  }
0x1f: {  	s9 =	smul.u32 $0xF7A, s1;
	s8 =	simm.s32 @!p0 $0x1BF5;
	p2 =	por !p2, p0  }
0x20: {  	[sflag:s8] =	ssyncset.s32 @!p0 $0xFFFFF086;
	s6 =	sadd.s32 @!p0 s3, s7;
	s7 =	simm.s32 @!p0 $0x108  }
0x21: {  	s3 =	sadd.s32 s3, s9;
	s6 =	sadd.s32 @!p0 $0x88, s6;
	s7 =	simm.s32 @p2 $0x1082  }
0x22: {  	[simem:s7], [sflag:s8] =	dma.local @!p0 [hbm:s6], $0xF7A  }
0x23: {  	s9 =	sor.u32 $0xD0000000, s2;
	s6 =	simm.s32 $0x108;
	_ =	swait.ge @!p0 [sflag:s8], $0x0  }
0x24: {  	s3 =	sadd.s32 $0x88, s3;
	s6 =	simm.s32 @!p1 $0x1082;
	[sflag:s4] =	ssyncset.s32 $0xFFFFF086  }
0x25: {  	[simem:s6], [sflag:s4] =	dma.local [hbm:s3], $0xF7A  }
0x26: {  	[smem:$0x3F90] =	sst s1;
	(tag) =	ssettag s2;
	_ =	strace s9  }
0x27: {  	s1 =	sld [smem:$0x3FA0]  }
0x28: {  	s2 =	sld [smem:$0x3FA1]  }
0x29: {  	s4 =	sld [smem:$0x3FA3]  }
0x2a: {  	p0 =	seq.s32 s5, $0x0;
	s5 =	sld [smem:$0x3FA4]  }
0x2b: {  	s6 =	sld [smem:$0x3FA5]  }
0x2c: {  	s7 =	sld [smem:$0x3FA6]  }
0x2d: {  	s3 =	simm.s32 $0x108;
	s8 =	sld [smem:$0x3FA7]  }
0x2e: {  	s3 =	simm.s32 @!p0 $0x1082;
	s9 =	sld [smem:$0x3FA8]  }
0x2f: {  	lr =	sadd.s32 s0, s3;
	s0 =	sld [smem:$0x3F9F]  }
0x30: {  	s3 =	sld [smem:$0x3FA2]  }
0x31: {  	[smem:$0x3FAB] =	sst s10  }
0x32: {  	s10 =	sld [smem:$0x3FA9];
	_ =	sdelay $0x3  }
0x33: {  	p0 =	seq.s32 s10, $0x1;
	s10 =	sld [smem:$0x3FAB];
	_ =	sdelay $0x3  }
0x34: {  	[smem:$0x3FAB] =	sst s10  }
0x35: {  	s10 =	sld [smem:$0x3FAA];
	_ =	sdelay $0x3  }
0x36: {  	p1 =	seq.s32 s10, $0x1;
	s10 =	sld [smem:$0x3FAB];
	_ =	sdelay $0x3  }
0x37: {  	[smem:$0x3FAB] =	sst s10  }
0x38: {  	s10 =	sld [smem:$0x3FAC]  }
0x39: {  	_ = 	snop;
	(pc) =	sbr.ind lr, $3  }
0x3a: {  	_ = 	snop  }
0x3b: {  	_ = 	snop  }
0x3c: {  	p2 =	seq.s32 s10, $0x1;
	s10 =	sld [smem:$0x3FAB]  }
0x3d: {  	_ =	shalt  }
0x3e: {  	_ =	shalt  }
0x3f: {  	_ =	shalt  }
0x40: {  	_ =	shalt  }
0x41: {  	_ =	shalt  }
0x42: {  	_ =	shalt  }
0x43: {  	_ =	shalt  }
0x44: {  	_ =	shalt  }
0x45: {  	_ =	shalt  }
0x46: {  	_ =	shalt  }
0x47: {  	_ =	shalt  }
0x48: {  	_ =	shalt  }
0x49: {  	_ =	shalt  }
0x4a: {  	_ =	shalt  }
0x4b: {  	_ =	shalt  }
0x4c: {  	_ =	shalt  }
0x4d: {  	_ =	shalt  }
0x4e: {  	_ =	shalt  }
0x4f: {  	_ =	shalt  }
0x50: {  	_ =	shalt  }
0x51: {  	_ =	shalt  }
0x52: {  	_ =	shalt  }
0x53: {  	_ =	shalt  }
0x54: {  	_ =	shalt  }
0x55: {  	_ =	shalt  }
0x56: {  	_ =	shalt  }
0x57: {  	_ =	shalt  }
0x58: {  	_ =	shalt  }
0x59: {  	_ =	shalt  }
0x5a: {  	_ =	shalt  }
0x5b: {  	_ =	shalt  }
0x5c: {  	_ =	shalt  }
0x5d: {  	_ =	shalt  }
0x5e: {  	_ =	shalt  }
0x5f: {  	_ =	shalt  }
0x60: {  	_ =	shalt  }
0x61: {  	_ =	shalt  }
0x62: {  	_ =	shalt  }
0x63: {  	_ =	shalt  }
0x64: {  	_ =	shalt  }
0x65: {  	_ =	shalt  }
0x66: {  	_ =	shalt  }
0x67: {  	_ =	shalt  }
0x68: {  	_ =	shalt  }
0x69: {  	_ =	shalt  }
0x6a: {  	_ =	shalt  }
0x6b: {  	_ =	shalt  }
0x6c: {  	_ =	shalt  }
0x6d: {  	_ =	shalt  }
0x6e: {  	_ =	shalt  }
0x6f: {  	_ =	shalt  }
0x70: {  	_ =	shalt  }
0x71: {  	_ =	shalt  }
0x72: {  	_ =	shalt  }
0x73: {  	_ =	shalt  }
0x74: {  	_ =	shalt  }
0x75: {  	_ =	shalt  }
0x76: {  	_ =	shalt  }
0x77: {  	_ =	shalt  }
0x78: {  	_ =	shalt  }
0x79: {  	_ =	shalt  }
0x7a: {  	_ =	shalt  }
0x7b: {  	_ =	shalt  }
0x7c: {  	_ =	shalt  }
0x7d: {  	_ =	shalt  }
0x7e: {  	_ =	shalt  }
0x7f: {  	_ =	shalt  }
0x80: {  	_ =	shalt  }
0x81: {  	_ =	shalt  }
0x82: {  	_ =	shalt  }
0x83: {  	_ =	shalt  }
0x84: {  	_ =	shalt  }
0x85: {  	_ =	shalt  }
0x86: {  	_ =	shalt  }
0x87: {  	_ =	shalt  }
.Lfunc_end0:
.L_simem_size_0:
called_computation.2_lowered:
.L_overlay_start_0:
0x88: {  	s2 =	sld [smem:$0x3FD9]  }
0x89: {  	s3 =	sld [smem:$0x3FFE];
	_ =	sdelay $0x1  }
0x8a: {  	s1 =	srdreg.scid  }
0x8b: {  	s0 =	sand.u32 $0x1, s1  }
0x8c: {  	s16 =	sshll.u32 s0, $0xA;
	s2 =	sadd.s32 s3, s2  }
0x8d: {  	s2 =	sadd.s32 s2, s16  }
0x8e: {  	[smem:$0x3FB7] =	sst s2  }
0x8f: {  	_ = 	snop  }
0x90: {  	(tm) =	ssettm $0x1  }
0x91: {  	s17 =	sld [smem:$0x3FFB];
	_ =	sdelay $0x3  }
0x92: {  	_ =	strace s17  }
0x93: {  	s2 =	sld [smem:$0x3FFC];
	_ =	sdelay $0x3  }
0x94: {  	_ =	strace s2  }
0x95: {  	s2 =	sld [smem:$0x3FFD];
	_ =	sdelay $0x3  }
0x96: {  	_ =	strace s2  }
0x97: {  	_ =	strace $0x8FFFFFFF  }
0x98: {  	s18 =	sld [smem:$0x3FDB];
	_ =	sdelay $0x1  }
0x99: {  	s19 =	simm.s32 $_scs_section_size  }
0x9a: {  	s4 =	simm.s32 $_size__tile_overlayer_lowered;
	s5 =	simm.s32 $_tile_overlayer_lowered  }
0x9b: {  	s22 =	simm.s32 $0x1BFF;
	s21 =	sshll.u32 s5, $0x1;
	s2 =	sadd.s32 s19, s18  }
0x9c: {  	s6 =	simm.s32 $0x0;
	s20 =	sshll.u32 s4, $0x1;
	s4 =	sadd.s32 s21, s2  }
0x9d: {  	[timem:s6], [sflag:s22] =	dma.local [hbm:s4], s20  }
0x9e: {  	_ =	swait.ge [sflag:s22], s20  }
0x9f: {  	s3 =	ssub.s32 $0x0, s20;
	[sflag:s22] =	ssyncset.done $0x0  }
0xa0: {  	[sflag:s22] =	ssyncadd.s32 s3;
	_ =	sdelay $0x1  }
0xa1: {  	s23 =	simm.s32 $0x1B8B  }
0xa2: {  	_ =	swait.ge [sflag:s23], $0x1  }
0xa3: {  	[sflag:s23] =	ssyncset.done $0x0  }
0xa4: {  	s25 =	simm.s32 $0x1B8E;
	s24 =	sld [smem:$0x3FFE];
	[sflag:s23] =	ssyncadd.s32 $0xFFFFFFFF  }
0xa5: {  	s26 =	simm.s32 $execute0_lowered;
	[smem:$0x3FD2] =	sst s25  }
0xa6: {  	s4 =	sshll.u32 s26, $0x1;
	_ =	strace $0x8000004C;
	[dreg:$0x1] =	wrdreg $0xFFFFFFFF  }
0xa7: {  	s28 =	simm.s32 $_size_execute0_lowered;
	s2 =	sadd.s32 s2, s4;
	[dreg:$0x0] =	wrdreg $0x0  }
0xa8: {  	s4 =	sshll.u32 s28, $0x1;
	[dreg:$0x2] =	wrdreg s2  }
0xa9: {  	[dreg:$0x3] =	wrdreg s4  }
0xaa: {  	[dreg:$0x4] =	wrdreg $0xC0  }
0xab: {  	_ =	task [dreg:s6], $0x5FFFF  }
0xac: {  	[dreg:$0x1] =	wrdreg $0xFFFFFFFF  }
0xad: {  	[dreg:$0x0] =	wrdreg $0x60  }
0xae: {  	[dreg:$0x2] =	wrdreg s24  }
0xaf: {  	[dreg:$0x3] =	wrdreg $0xA8000  }
0xb0: {  	[dreg:$0x4] =	wrdreg $0x9  }
0xb1: {  	_ =	task.clear_ibuf [dreg:s6], $0x5FFFF;
	_ =	strace $0x9000004C  }
0xb2: {  	s29 =	simm.s32 $0x9;
	_ =	strace $0x8000004E  }
0xb3: {  	_ =	swait.ge [sflag:s29], $0x1  }
0xb4: {  	[sflag:s29] =	ssyncadd.s32 $0xFFFFFFFF  }
0xb5: {  	_ =	strace $0x9000004E  }
0xb6: {  	_ =	sfence  }
0xb7: {  	s30 =	sld [smem:$0x0];
	_ =	sdelay $0x2  }
0xb8: {  	s31 =	sshll.u32 s1, $0xD;
	s1 =	sshrl.u32 s1, $0x2  }
0xb9: {  	s3 =	sand.u32 $0x4000, s31;
	s1 =	sadd.s32 s1, s30  }
0xba: {  	s0 =	sor.u32 s3, s0;
	s1 =	sshll.u32 s1, $0x11  }
0xbb: {  	s0 =	sor.u32 s1, s0  }
0xbc: {  	s0 =	sadd.s32 $0x8F2B, s0  }
0xbd: {  	[sflag:s0] =	ssyncadd.remote.s32 $0x1  }
0xbe: {  	_ =	sfence.sel $0xFFFF  }
0xbf: {  	[dreg:$0x0] =	wrdreg $0xFFFFFFFF;
	(pc) =	sbr.abs _section_cstart, $3  }
0xc0: {  	[dreg:$0x1] =	wrdreg $0xFFFFFFFF  }
0xc1: {  	_ =	task.clear_ibuf [dreg:s6], $0x2FFFF;
	_ =	strace $0x9FFFFFFF  }
0xc2: {  	(tm) =	ssettm $0x7FFFFFFF  }
0xc3: {  	_ =	shalt  }
tec
execute0_lowered:
.L_overlay_start_1:
0x0: {  	(tag) =	ssettag $0x1  }
0x1: {  	s0 =	rddreg [dreg:$0x0]  }
0x2: {  	s2 =	rddreg [dreg:$0x1];
	s3 =	simm.s32 $0x0  }
0x3: {  	s1 =	srdreg.scid;
	s10 =	stileid.u32;
	s28 =	simm.s32 $0x80  }
0x4: {  	s29 =	simm.s32 $0x1;
	s30 =	simm.s32 $0x6800;
	s31 =	simm.s32 $0x3  }
0x5: {  	[smem:$0x7FF] =	sst s3;
	s1 =	sand.u32 $0x1, s1;
	s7 =	smul.u32 $0x280, s10  }
0x6: {  	s4 =	sadd.s32 $0x17E00, s0;
	s5 =	sadd.s32 $0xDE00, s0;
	s9 =	smul.u32 $0x50000, s10  }
0x7: {  	s6 =	sadd.s32 $0x3E00, s0;
	s11 =	sadd.s32 $0x3FE00, s0;
	s10 =	smul.u32 $0xA0, s10  }
0x8: {  	s23 =	sadd.s32 $0x40600, s0;
	_ =	strace $0x8000004D;
	[dreg:$0x3] =	wrdreg s11  }
0x9: {  	s24 =	sadd.s32 $0x40E00, s0;
	s25 =	sadd.s32 $0x41600, s0;
	[dreg:$0x5] =	wrdreg s23  }
0xa: {  	s8 =	smul.u32 $0x2800, s1;
	s20 =	ssub.s32 $0x2, s1;
	[dreg:$0x6] =	wrdreg s24  }
0xb: {  	s21 =	smul.u32 $0x78, s1;
	[dreg:$0x7] =	wrdreg s25;
	s24 =	simm.s32 $0x2800  }
0xc: {  	p0 =	sne.s32 s1, $0x0;
	s25 =	simm.s32 $0x4;
	s1 =	simm.s32 $0x2780  }
0xd: {  	s11 =	simm.s32 $0x0;
	s12 =	sshrl.u32 s20, $0x1;
	s9 =	sshrl.u32 s9, $0x2  }
0xe: {  	s7 =	sadd.s32 s8, s7;
	s12 =	ssub.s32 s20, s12;
	s8 =	sadd.s32 s9, s2  }
0xf: {  	s9 =	sadd.s32 s21, s10;
	s10 =	simm.s32 $0x1380;
	s7 =	sshll.u32 s7, $0x4  }
0x10: {  	s22 =	smax.u32 s12, $0x1;
	s12 =	sadd.s32 $0x4000, s8;
	s14 =	sadd.s32 $0x8000, s8  }
0x11: {  	s7 =	sadd.s32 s7, s0;
	[dreg:$0x4] =	wrdreg s22;
	s0 =	sadd.s32 $0x41E00, s0  }
0x12: {  	s16 =	sadd.s32 $0xC000, s8;
	s18 =	sadd.s32 $0x10000, s8;
	[dreg:$0x8] =	wrdreg s0  }
0x13: {  	s26 =	sadd.s32 $0xE2E00, s7;
	s20 =	sadd.s32 $0xE3600, s7;
	s21 =	sadd.s32 $0xE3E00, s7  }
0x14: {  	s22 =	sadd.s32 $0xE4600, s7;
	s23 =	sadd.s32 $0xE4E00, s7;
	s0 =	simm.s32 $0x2  }
0x15: {  	s7 =	simm.s32 $0x1300;
	[dreg:$0x9] =	wrdreg s26;
	s26 =	simm.s32 $0x1400  }
.LBB2_1:
0x16: {  	s13 =	rddreg [dreg:$0x3]  }
0x17: {  	[tilespmem:s24], [sflag:$0x4] =	stream.linear.gather [hbm4b:s13+s3], $0x4000, $0x38;
	[tilespmem:$0x1E800] =	vst v63  }
0x18: {  	_ =	swait.ge [sflag:s25], $0x4000  }
0x19: {  	[sflag:s25] =	ssyncset.done $0x0  }
0x1a: {  	[sflag:s25] =	ssyncadd.s32 $0xFFFFC000  }
0x1b: {  	[spmem:s8] =	stream.linear.scatter [tilespmem:s24], [sflag:$0x4], $0x4000, $0x38;
	[tilespmem:$0x1E800] =	vst v63  }
0x1c: {  	_ =	swait.ge [sflag:s25], $0x4000  }
0x1d: {  	[sflag:s25] =	ssyncset.done $0x0  }
0x1e: {  	s19 =	rddreg [dreg:$0x5];
	[sflag:s25] =	ssyncadd.s32 $0xFFFFC000  }
0x1f: {  	[tilespmem:s24], [sflag:$0x4] =	stream.linear.gather [hbm4b:s19+s3], $0x4000, $0x38;
	[tilespmem:$0x1E800] =	vst v63  }
0x20: {  	_ =	swait.ge [sflag:s25], $0x4000  }
0x21: {  	[sflag:s25] =	ssyncset.done $0x0  }
0x22: {  	[sflag:s25] =	ssyncadd.s32 $0xFFFFC000  }
0x23: {  	[spmem:s12] =	stream.linear.scatter [tilespmem:s24], [sflag:$0x4], $0x4000, $0x38;
	[tilespmem:$0x1E800] =	vst v63  }
0x24: {  	_ =	swait.ge [sflag:s25], $0x4000  }
0x25: {  	[sflag:s25] =	ssyncset.done $0x0  }
0x26: {  	s15 =	rddreg [dreg:$0x6];
	[sflag:s25] =	ssyncadd.s32 $0xFFFFC000  }
0x27: {  	[tilespmem:s24], [sflag:$0x4] =	stream.linear.gather [hbm4b:s15+s3], $0x4000, $0x38;
	[tilespmem:$0x1E800] =	vst v63  }
0x28: {  	_ =	swait.ge [sflag:s25], $0x4000  }
0x29: {  	[sflag:s25] =	ssyncset.done $0x0  }
0x2a: {  	[sflag:s25] =	ssyncadd.s32 $0xFFFFC000  }
0x2b: {  	[spmem:s14] =	stream.linear.scatter [tilespmem:s24], [sflag:$0x4], $0x4000, $0x38;
	[tilespmem:$0x1E800] =	vst v63  }
0x2c: {  	_ =	swait.ge [sflag:s25], $0x4000  }
0x2d: {  	[sflag:s25] =	ssyncset.done $0x0  }
0x2e: {  	s17 =	rddreg [dreg:$0x7];
	[sflag:s25] =	ssyncadd.s32 $0xFFFFC000  }
0x2f: {  	[tilespmem:s24], [sflag:$0x4] =	stream.linear.gather [hbm4b:s17+s3], $0x4000, $0x38;
	[tilespmem:$0x1E800] =	vst v63  }
0x30: {  	_ =	swait.ge [sflag:s25], $0x4000  }
0x31: {  	[sflag:s25] =	ssyncset.done $0x0  }
0x32: {  	[sflag:s25] =	ssyncadd.s32 $0xFFFFC000  }
0x33: {  	[spmem:s16] =	stream.linear.scatter [tilespmem:s24], [sflag:$0x4], $0x4000, $0x38;
	[tilespmem:$0x1E800] =	vst v63  }
0x34: {  	_ =	swait.ge [sflag:s25], $0x4000  }
0x35: {  	[sflag:s25] =	ssyncset.done $0x0  }
0x36: {  	s19 =	rddreg [dreg:$0x8];
	[sflag:s25] =	ssyncadd.s32 $0xFFFFC000  }
0x37: {  	[tilespmem:s24], [sflag:$0x4] =	stream.linear.gather [hbm4b:s19+s3], $0x4000, $0x38;
	[tilespmem:$0x1E800] =	vst v63  }
0x38: {  	_ =	swait.ge [sflag:s25], $0x4000  }
0x39: {  	[sflag:s25] =	ssyncset.done $0x0  }
0x3a: {  	[sflag:s25] =	ssyncadd.s32 $0xFFFFC000  }
0x3b: {  	[spmem:s18] =	stream.linear.scatter [tilespmem:s24], [sflag:$0x4], $0x4000, $0x38;
	[tilespmem:$0x1E800] =	vst v63  }
0x3c: {  	_ =	swait.ge [sflag:s25], $0x4000  }
0x3d: {  	[sflag:s25] =	ssyncset.done $0x0  }
0x3e: {  	[sflag:s25] =	ssyncadd.s32 $0xFFFFC000  }
0x3f: {  	s13 =	simm.s32 $0x0;
	[bflag:$0x0] =	sbarrier.arrive $0xFFFF  }
.LBB2_2:
0x40: {  	s15 =	smul.u32 $0x28, s13;
	_ =	sdelay $0x1  }
0x41: {  	s15 =	sadd.s32 s15, s9  }
0x42: {  	s15 =	sshll.u32 s15, $0x4  }
0x43: {  	s19 =	simm.s32 $0x0;
	s17 =	sadd.s32 s6, s15  }
0x44: {  	[tilespmem:s19], [sflag:$0x4] =	stream.linear.gather [hbm4b:s17+s19], $0x1400, $0x38;
	[tilespmem:$0x1E800] =	vst v63  }
0x45: {  	_ =	swait.ge [sflag:s25], $0x1400  }
0x46: {  	[sflag:s25] =	ssyncset.done $0x0  }
0x47: {  	s15 =	sadd.s32 s5, s15;
	[sflag:s25] =	ssyncadd.s32 $0xFFFFEC00  }
0x48: {  	[tilespmem:s26], [sflag:$0x4] =	stream.linear.gather [hbm4b:s15+s19], $0x1400, $0x38;
	[tilespmem:$0x1E800] =	vst v63  }
0x49: {  	_ =	swait.ge [sflag:s25], $0x1400  }
0x4a: {  	[sflag:s25] =	ssyncset.done $0x0  }
0x4b: {  	[sflag:s25] =	ssyncadd.s32 $0xFFFFEC00  }
0x4c: {  	[tilespmem:s24], [sflag:$0x1] =	stream.indirect.gather [hbm4b:s4+s28], $0x80, s26, s28, $0xb8;
	[tilespmem:$0x1E800] =	vst v63  }
0x4d: {  	_ =	swait.ge [sflag:s29], $0x4000  }
0x4e: {  	[sflag:s29] =	ssyncset.done $0x0  }
0x4f: {  	s17 =	simm.s32 $0x1480;
	[sflag:s29] =	ssyncadd.s32 $0xFFFFC000  }
0x50: {  	[tilespmem:s30], [sflag:$0x2] =	stream.indirect.gather [hbm4b:s4+s28], $0x80, s17, s28, $0xb8;
	[tilespmem:$0x1E800] =	vst v63  }
0x51: {  	s19 =	simm.s32 $0x0  }
0x52: {  	[spmem:s2] =	stream.indirect.scatter.add.f32 [tilespmem:s24], [sflag:$0x3], $0x80, s19, s28, $0xb8;
	[tilespmem:$0x1E800] =	vst v63  }
0x53: {  	_ =	swait.ge [sflag:s31], $0x4000  }
0x54: {  	[sflag:s31] =	ssyncset.done $0x0  }
0x55: {  	[sflag:s31] =	ssyncadd.s32 $0xFFFFC000  }
0x56: {  	_ =	swait.ge [sflag:s0], $0x4000  }
0x57: {  	[sflag:s0] =	ssyncset.done $0x0  }
0x58: {  	s17 =	simm.s32 $0x1500;
	[sflag:s0] =	ssyncadd.s32 $0xFFFFC000  }
0x59: {  	[tilespmem:s24], [sflag:$0x1] =	stream.indirect.gather [hbm4b:s4+s28], $0x80, s17, s28, $0xb8;
	[tilespmem:$0x1E800] =	vst v63  }
0x5a: {  	s19 =	simm.s32 $0x80  }
0x5b: {  	[spmem:s2] =	stream.indirect.scatter.add.f32 [tilespmem:s30], [sflag:$0x3], $0x80, s19, s28, $0xb8;
	[tilespmem:$0x1E800] =	vst v63  }
0x5c: {  	_ =	swait.ge [sflag:s31], $0x4000  }
0x5d: {  	s15 =	simm.s32 $0x400;
	[sflag:s31] =	ssyncset.done $0x0  }
.LBB2_3:
0x5e: {  	p1 =	sne.s32 s15, $0x4800  }
0x5f: {  	[sflag:s31] =	ssyncadd.s32 $0xFFFFC000;
	s17 =	smov.u32 s15;
	s15 =	sadd.s32 $0x400, s15  }
0x60: {  	_ = 	snop  }
0x61: {  	_ =	swait.ge [sflag:s29], $0x4000  }
0x62: {  	s17 =	sshra.s32 s17, $0x2;
	[sflag:s29] =	ssyncset.done $0x0  }
0x63: {  	s19 =	sadd.s32 $0x1480, s17;
	[sflag:s29] =	ssyncadd.s32 $0xFFFFC000  }
0x64: {  	[tilespmem:s30], [sflag:$0x2] =	stream.indirect.gather [hbm4b:s4+s28], $0x80, s19, s28, $0xb8;
	[tilespmem:$0x1E800] =	vst v63  }
0x65: {  	_ = 	snop  }
0x66: {  	[spmem:s2] =	stream.indirect.scatter.add.f32 [tilespmem:s24], [sflag:$0x3], $0x80, s17, s28, $0xb8;
	[tilespmem:$0x1E800] =	vst v63  }
0x67: {  	_ =	swait.ge [sflag:s31], $0x4000  }
0x68: {  	[sflag:s31] =	ssyncset.done $0x0  }
0x69: {  	[sflag:s31] =	ssyncadd.s32 $0xFFFFC000  }
0x6a: {  	_ =	swait.ge [sflag:s0], $0x4000  }
0x6b: {  	[sflag:s0] =	ssyncset.done $0x0  }
0x6c: {  	s19 =	sadd.s32 $0x1500, s17;
	[sflag:s0] =	ssyncadd.s32 $0xFFFFC000  }
0x6d: {  	[tilespmem:s24], [sflag:$0x1] =	stream.indirect.gather [hbm4b:s4+s28], $0x80, s19, s28, $0xb8;
	[tilespmem:$0x1E800] =	vst v63  }
.Ltmp0:
0x6e: {  	_ = 	snop;
	(pc) =	sbr.rel @p1 .LBB2_3-.Ltmp0, $4  }
0x6f: {  	s17 =	sadd.s32 $0x80, s17  }
0x70: {  	[spmem:s2] =	stream.indirect.scatter.add.f32 [tilespmem:s30], [sflag:$0x3], $0x80, s17, s28, $0xb8;
	[tilespmem:$0x1E800] =	vst v63  }
0x71: {  	_ =	swait.ge [sflag:s31], $0x4000  }
0x72: {  	[sflag:s31] =	ssyncset.done $0x0  }
0x73: {  	[sflag:s31] =	ssyncadd.s32 $0xFFFFC000  }
0x74: {  	_ =	swait.ge [sflag:s29], $0x4000  }
0x75: {  	[sflag:s29] =	ssyncset.done $0x0  }
0x76: {  	[sflag:s29] =	ssyncadd.s32 $0xFFFFC000  }
0x77: {  	[tilespmem:s30], [sflag:$0x2] =	stream.indirect.gather [hbm4b:s4+s28], $0x80, s1, s28, $0xb8;
	[tilespmem:$0x1E800] =	vst v63  }
0x78: {  	_ = 	snop  }
0x79: {  	[spmem:s2] =	stream.indirect.scatter.add.f32 [tilespmem:s24], [sflag:$0x3], $0x80, s7, s28, $0xb8;
	[tilespmem:$0x1E800] =	vst v63  }
0x7a: {  	_ =	swait.ge [sflag:s31], $0x4000  }
0x7b: {  	[sflag:s31] =	ssyncset.done $0x0  }
0x7c: {  	[sflag:s31] =	ssyncadd.s32 $0xFFFFC000  }
0x7d: {  	p1 =	slt.u32 @!p0 s13, $0x2;
	_ =	swait.ge [sflag:s0], $0x4000  }
0x7e: {  	p1 =	por p0, !p1;
	[sflag:s0] =	ssyncset.done $0x0  }
.Ltmp1:
0x7f: {  	[sflag:s0] =	ssyncadd.s32 $0xFFFFC000;
	(pc) =	sbr.rel @!p1 .LBB2_2-.Ltmp1, $4  }
0x80: {  	[spmem:s2] =	stream.indirect.scatter.add.f32 [tilespmem:s30], [sflag:$0x3], $0x80, s10, s28, $0xb8;
	[tilespmem:$0x1E800] =	vst v63  }
0x81: {  	_ =	swait.ge [sflag:s31], $0x4000  }
0x82: {  	[sflag:s31] =	ssyncset.done $0x0  }
0x83: {  	s13 =	sadd.s32 $0x1, s13;
	[sflag:s31] =	ssyncadd.s32 $0xFFFFC000  }
0x84: {  	[bflag:$0x0] =	sbarrier.arrive $0xFFFF  }
0x85: {  	[tilespmem:s24], [sflag:$0x4] =	stream.linear.gather [spmem:s8], $0x4000, $0x38;
	[tilespmem:$0x1E800] =	vst v63  }
0x86: {  	_ =	swait.ge [sflag:s25], $0x4000  }
0x87: {  	[sflag:s25] =	ssyncset.done $0x0  }
0x88: {  	s13 =	rddreg [dreg:$0x9];
	[sflag:s25] =	ssyncadd.s32 $0xFFFFC000  }
0x89: {  	[hbm4b:s13+s3] =	stream.linear.scatter [tilespmem:s24], [sflag:$0x4], $0x4000, $0x38;
	[tilespmem:$0x1E800] =	vst v63  }
0x8a: {  	_ =	swait.ge [sflag:s25], $0x4000  }
0x8b: {  	[sflag:s25] =	ssyncset.done $0x0  }
0x8c: {  	[sflag:s25] =	ssyncadd.s32 $0xFFFFC000  }
0x8d: {  	[tilespmem:s24], [sflag:$0x4] =	stream.linear.gather [spmem:s12], $0x4000, $0x38;
	[tilespmem:$0x1E800] =	vst v63  }
0x8e: {  	_ =	swait.ge [sflag:s25], $0x4000  }
0x8f: {  	[sflag:s25] =	ssyncset.done $0x0  }
0x90: {  	[sflag:s25] =	ssyncadd.s32 $0xFFFFC000  }
0x91: {  	[hbm4b:s20+s3] =	stream.linear.scatter [tilespmem:s24], [sflag:$0x4], $0x4000, $0x38;
	[tilespmem:$0x1E800] =	vst v63  }
0x92: {  	_ =	swait.ge [sflag:s25], $0x4000  }
0x93: {  	[sflag:s25] =	ssyncset.done $0x0  }
0x94: {  	[sflag:s25] =	ssyncadd.s32 $0xFFFFC000  }
0x95: {  	[tilespmem:s24], [sflag:$0x4] =	stream.linear.gather [spmem:s14], $0x4000, $0x38;
	[tilespmem:$0x1E800] =	vst v63  }
0x96: {  	_ =	swait.ge [sflag:s25], $0x4000  }
0x97: {  	[sflag:s25] =	ssyncset.done $0x0  }
0x98: {  	[sflag:s25] =	ssyncadd.s32 $0xFFFFC000  }
0x99: {  	[hbm4b:s21+s3] =	stream.linear.scatter [tilespmem:s24], [sflag:$0x4], $0x4000, $0x38;
	[tilespmem:$0x1E800] =	vst v63  }
0x9a: {  	_ =	swait.ge [sflag:s25], $0x4000  }
0x9b: {  	[sflag:s25] =	ssyncset.done $0x0  }
0x9c: {  	[sflag:s25] =	ssyncadd.s32 $0xFFFFC000  }
0x9d: {  	[tilespmem:s24], [sflag:$0x4] =	stream.linear.gather [spmem:s16], $0x4000, $0x38;
	[tilespmem:$0x1E800] =	vst v63  }
0x9e: {  	_ =	swait.ge [sflag:s25], $0x4000  }
0x9f: {  	[sflag:s25] =	ssyncset.done $0x0  }
0xa0: {  	[sflag:s25] =	ssyncadd.s32 $0xFFFFC000  }
0xa1: {  	[hbm4b:s22+s3] =	stream.linear.scatter [tilespmem:s24], [sflag:$0x4], $0x4000, $0x38;
	[tilespmem:$0x1E800] =	vst v63  }
0xa2: {  	_ =	swait.ge [sflag:s25], $0x4000  }
0xa3: {  	[sflag:s25] =	ssyncset.done $0x0  }
0xa4: {  	[sflag:s25] =	ssyncadd.s32 $0xFFFFC000  }
0xa5: {  	[tilespmem:s24], [sflag:$0x4] =	stream.linear.gather [spmem:s18], $0x4000, $0x38;
	[tilespmem:$0x1E800] =	vst v63  }
0xa6: {  	_ =	swait.ge [sflag:s25], $0x4000  }
0xa7: {  	[sflag:s25] =	ssyncset.done $0x0  }
0xa8: {  	[sflag:s25] =	ssyncadd.s32 $0xFFFFC000  }
0xa9: {  	[hbm4b:s23+s3] =	stream.linear.scatter [tilespmem:s24], [sflag:$0x4], $0x4000, $0x38;
	[tilespmem:$0x1E800] =	vst v63  }
0xaa: {  	_ =	swait.ge [sflag:s25], $0x4000  }
0xab: {  	s11 =	sadd.s32 $0x1, s11;
	s19 =	rddreg [dreg:$0x4]  }
0xac: {  	p1 =	sne.s32 s11, s19  }
.Ltmp2:
0xad: {  	_ = 	snop;
	(pc) =	sbr.rel @p1 .LBB2_1-.Ltmp2, $3  }
0xae: {  	_ =	sdelay $0x1  }
0xaf: {  	[sflag:s25] =	ssyncset.done $0x0  }
0xb0: {  	[sflag:s25] =	ssyncadd.s32 $0xFFFFC000  }
0xb1: {  	_ =	sfence.sel $0x180000  }
0xb2: {  	[bflag:$0x0] =	sbarrier.arrive $0xFFFF  }
0xb3: {  	_ =	strace $0x9000004D  }
0xb4: {  	s0 =	stileid.u32;
	[bflag:$0x2] =	sbarrier.arrive $0xFFFF  }
0xb5: {  	p0 =	sne.s32 s0, $0x0;
	s0 =	rddreg [dreg:$0x2]  }
0xb6: {  	s0 =	sadd.s32 @!p0 $0x100000, s0  }
0xb7: {  	[sflag:s0] =	ssyncadd.tile.s32 @!p0 $0x1;
	_ =	shalt  }
.Lfunc_end2:
_tile_overlayer_lowered:
.L_overlay_start_2:
0xb8: {  	(tag) =	ssettag $0x2  }
0xb9: {  	s0 =	rddreg [dreg:$0x0];
	s2 =	stileid.u32  }
0xba: {  	s1 =	rddreg [dreg:$0x1];
	p0 =	sne.s32 s2, $0x0  }
0xbb: {  	s3 =	rddreg [dreg:$0x2];
	[bflag:$0x3] =	sbarrier.arrive $0xFFFF;
	s2 =	simm.s32 @!p0 $0x1C04  }
0xbc: {  	[timem:s3], [sflag:s2] =	dma.local @!p0 [hbm:s0], s1  }
0xbd: {  	s0 =	simm.s32 @!p0 $0x4  }
0xbe: {  	_ =	swait.ge @!p0 [sflag:s0], s1  }
0xbf: {  	s1 =	ssub.s32 @!p0 $0x0, s1;
	[sflag:s0] =	ssyncset.done @!p0 $0x0  }
0xc0: {  	[sflag:s0] =	ssyncadd.s32 @!p0 s1  }
0xc1: {  	[bflag:$0x3] =	sbarrier.arrive $0xFFFF  }
0xc2: {  	_ =	shalt  }

// kernel: kernel.20.cloned.1.call-start
scs
__scs_entry_jumppad:
0x0: {  	(pc) =	sbr.rel $0x88, $3  }
0x1: {  	(tag) =	ssettag $0x0;
	lr =	simm.s32 $0x1  }
0x2: {  	[smem:$0x3F90] =	sst lr;
	_ =	strace $0xD0000000  }
0x3: {  	_ = 	snop  }
0x4: {  	_ = 	snop  }
0x5: {  	_ = 	snop  }
0x6: {  	_ = 	snop  }
0x7: {  	_ = 	snop  }
__scs_overlays_trampoline_lowered:
0x8: {  	[smem:$0x3F9F] =	sst s0  }
0x9: {  	[smem:$0x3FA0] =	sst s1  }
0xa: {  	[smem:$0x3FA1] =	sst s2  }
0xb: {  	[smem:$0x3FA2] =	sst s3  }
0xc: {  	[smem:$0x3FA3] =	sst s4  }
0xd: {  	[smem:$0x3FA4] =	sst s5  }
0xe: {  	[smem:$0x3FA5] =	sst s6  }
0xf: {  	[smem:$0x3FA6] =	sst s7  }
0x10: {  	[smem:$0x3FA7] =	sst s8  }
0x11: {  	[smem:$0x3FA8] =	sst s9;
	s0 =	simm.s32 @!p0 $0x0  }
0x12: {  	s1 =	sld [smem:$0x3F8E];
	s0 =	simm.s32 @p0 $0x1  }
0x13: {  	[smem:$0x3FA9] =	sst s0;
	s0 =	simm.s32 @!p1 $0x0  }
0x14: {  	s2 =	sld [smem:$0x3F8D];
	s0 =	simm.s32 @p1 $0x1  }
0x15: {  	[smem:$0x3FAA] =	sst s0;
	s0 =	simm.s32 @!p2 $0x0  }
0x16: {  	s3 =	sld [smem:$0x3FDB];
	s0 =	simm.s32 @p2 $0x1  }
0x17: {  	s4 =	simm.s32 $0x1BF5;
	[smem:$0x3FAC] =	sst s0  }
0x18: {  	s0 =	sld [smem:$0x3F8F];
	_ =	swait.ge [sflag:s4], $0x0  }
0x19: {  	s7 =	sld [smem:$0x3F90]  }
0x1a: {  	s8 =	sadd.s32 $0xFFFFE003, lr  }
0x1b: {  	s9 =	sadd.s32 $0xFFFFFEF7, lr;
	s5 =	simm.s32 $0xFFFFFFFF;
	p2 =	slt.u32 s8, $0xFFFFF086  }
0x1c: {  	p1 =	slt.u32 s9, $0xF7A;
	s5 =	simm.s32 @!p2 $0x0  }
0x1d: {  	s5 =	simm.s32 @p1 $0x1;
	p0 =	seq.s32 s7, s2  }
0x1e: {  	s7 =	smul.u32 @!p0 $0xF7A, s2;
	p2 =	seq.s32 @!p0 s5, $0x0  }
0x1f: {  	s9 =	smul.u32 $0xF7A, s1;
	s8 =	simm.s32 @!p0 $0x1BF5;
	p2 =	por !p2, p0  }
0x20: {  	[sflag:s8] =	ssyncset.s32 @!p0 $0xFFFFF086;
	s6 =	sadd.s32 @!p0 s3, s7;
	s7 =	simm.s32 @!p0 $0x108  }
0x21: {  	s3 =	sadd.s32 s3, s9;
	s6 =	sadd.s32 @!p0 $0x88, s6;
	s7 =	simm.s32 @p2 $0x1082  }
0x22: {  	[simem:s7], [sflag:s8] =	dma.local @!p0 [hbm:s6], $0xF7A  }
0x23: {  	s9 =	sor.u32 $0xD0000000, s2;
	s6 =	simm.s32 $0x108;
	_ =	swait.ge @!p0 [sflag:s8], $0x0  }
0x24: {  	s3 =	sadd.s32 $0x88, s3;
	s6 =	simm.s32 @!p1 $0x1082;
	[sflag:s4] =	ssyncset.s32 $0xFFFFF086  }
0x25: {  	[simem:s6], [sflag:s4] =	dma.local [hbm:s3], $0xF7A  }
0x26: {  	[smem:$0x3F90] =	sst s1;
	(tag) =	ssettag s2;
	_ =	strace s9  }
0x27: {  	s1 =	sld [smem:$0x3FA0]  }
0x28: {  	s2 =	sld [smem:$0x3FA1]  }
0x29: {  	s4 =	sld [smem:$0x3FA3]  }
0x2a: {  	p0 =	seq.s32 s5, $0x0;
	s5 =	sld [smem:$0x3FA4]  }
0x2b: {  	s6 =	sld [smem:$0x3FA5]  }
0x2c: {  	s7 =	sld [smem:$0x3FA6]  }
0x2d: {  	s3 =	simm.s32 $0x108;
	s8 =	sld [smem:$0x3FA7]  }
0x2e: {  	s3 =	simm.s32 @!p0 $0x1082;
	s9 =	sld [smem:$0x3FA8]  }
0x2f: {  	lr =	sadd.s32 s0, s3;
	s0 =	sld [smem:$0x3F9F]  }
0x30: {  	s3 =	sld [smem:$0x3FA2]  }
0x31: {  	[smem:$0x3FAB] =	sst s10  }
0x32: {  	s10 =	sld [smem:$0x3FA9];
	_ =	sdelay $0x3  }
0x33: {  	p0 =	seq.s32 s10, $0x1;
	s10 =	sld [smem:$0x3FAB];
	_ =	sdelay $0x3  }
0x34: {  	[smem:$0x3FAB] =	sst s10  }
0x35: {  	s10 =	sld [smem:$0x3FAA];
	_ =	sdelay $0x3  }
0x36: {  	p1 =	seq.s32 s10, $0x1;
	s10 =	sld [smem:$0x3FAB];
	_ =	sdelay $0x3  }
0x37: {  	[smem:$0x3FAB] =	sst s10  }
0x38: {  	s10 =	sld [smem:$0x3FAC]  }
0x39: {  	_ = 	snop;
	(pc) =	sbr.ind lr, $3  }
0x3a: {  	_ = 	snop  }
0x3b: {  	_ = 	snop  }
0x3c: {  	p2 =	seq.s32 s10, $0x1;
	s10 =	sld [smem:$0x3FAB]  }
0x3d: {  	_ =	shalt  }
0x3e: {  	_ =	shalt  }
0x3f: {  	_ =	shalt  }
0x40: {  	_ =	shalt  }
0x41: {  	_ =	shalt  }
0x42: {  	_ =	shalt  }
0x43: {  	_ =	shalt  }
0x44: {  	_ =	shalt  }
0x45: {  	_ =	shalt  }
0x46: {  	_ =	shalt  }
0x47: {  	_ =	shalt  }
0x48: {  	_ =	shalt  }
0x49: {  	_ =	shalt  }
0x4a: {  	_ =	shalt  }
0x4b: {  	_ =	shalt  }
0x4c: {  	_ =	shalt  }
0x4d: {  	_ =	shalt  }
0x4e: {  	_ =	shalt  }
0x4f: {  	_ =	shalt  }
0x50: {  	_ =	shalt  }
0x51: {  	_ =	shalt  }
0x52: {  	_ =	shalt  }
0x53: {  	_ =	shalt  }
0x54: {  	_ =	shalt  }
0x55: {  	_ =	shalt  }
0x56: {  	_ =	shalt  }
0x57: {  	_ =	shalt  }
0x58: {  	_ =	shalt  }
0x59: {  	_ =	shalt  }
0x5a: {  	_ =	shalt  }
0x5b: {  	_ =	shalt  }
0x5c: {  	_ =	shalt  }
0x5d: {  	_ =	shalt  }
0x5e: {  	_ =	shalt  }
0x5f: {  	_ =	shalt  }
0x60: {  	_ =	shalt  }
0x61: {  	_ =	shalt  }
0x62: {  	_ =	shalt  }
0x63: {  	_ =	shalt  }
0x64: {  	_ =	shalt  }
0x65: {  	_ =	shalt  }
0x66: {  	_ =	shalt  }
0x67: {  	_ =	shalt  }
0x68: {  	_ =	shalt  }
0x69: {  	_ =	shalt  }
0x6a: {  	_ =	shalt  }
0x6b: {  	_ =	shalt  }
0x6c: {  	_ =	shalt  }
0x6d: {  	_ =	shalt  }
0x6e: {  	_ =	shalt  }
0x6f: {  	_ =	shalt  }
0x70: {  	_ =	shalt  }
0x71: {  	_ =	shalt  }
0x72: {  	_ =	shalt  }
0x73: {  	_ =	shalt  }
0x74: {  	_ =	shalt  }
0x75: {  	_ =	shalt  }
0x76: {  	_ =	shalt  }
0x77: {  	_ =	shalt  }
0x78: {  	_ =	shalt  }
0x79: {  	_ =	shalt  }
0x7a: {  	_ =	shalt  }
0x7b: {  	_ =	shalt  }
0x7c: {  	_ =	shalt  }
0x7d: {  	_ =	shalt  }
0x7e: {  	_ =	shalt  }
0x7f: {  	_ =	shalt  }
0x80: {  	_ =	shalt  }
0x81: {  	_ =	shalt  }
0x82: {  	_ =	shalt  }
0x83: {  	_ =	shalt  }
0x84: {  	_ =	shalt  }
0x85: {  	_ =	shalt  }
0x86: {  	_ =	shalt  }
0x87: {  	_ =	shalt  }
.Lfunc_end0:
.L_simem_size_0:
called_computation.3_lowered:
.L_overlay_start_0:
0x88: {  	s2 =	sld [smem:$0x3FD9]  }
0x89: {  	s3 =	sld [smem:$0x3FFE];
	_ =	sdelay $0x1  }
0x8a: {  	s1 =	srdreg.scid  }
0x8b: {  	s0 =	sand.u32 $0x1, s1  }
0x8c: {  	s16 =	sshll.u32 s0, $0xA;
	s2 =	sadd.s32 s3, s2  }
0x8d: {  	s2 =	sadd.s32 s2, s16  }
0x8e: {  	[smem:$0x3FB7] =	sst s2  }
0x8f: {  	_ = 	snop  }
0x90: {  	(tm) =	ssettm $0x1  }
0x91: {  	s17 =	sld [smem:$0x3FFB];
	_ =	sdelay $0x3  }
0x92: {  	_ =	strace s17  }
0x93: {  	s2 =	sld [smem:$0x3FFC];
	_ =	sdelay $0x3  }
0x94: {  	_ =	strace s2  }
0x95: {  	s2 =	sld [smem:$0x3FFD];
	_ =	sdelay $0x3  }
0x96: {  	_ =	strace s2  }
0x97: {  	_ =	strace $0x8FFFFFFF  }
0x98: {  	s18 =	sld [smem:$0x3FDB];
	_ =	sdelay $0x1  }
0x99: {  	s19 =	simm.s32 $_scs_section_size  }
0x9a: {  	s4 =	simm.s32 $_size__tile_overlayer_lowered;
	s5 =	simm.s32 $_tile_overlayer_lowered  }
0x9b: {  	s22 =	simm.s32 $0x1BFF;
	s21 =	sshll.u32 s5, $0x1;
	s2 =	sadd.s32 s19, s18  }
0x9c: {  	s6 =	simm.s32 $0x0;
	s20 =	sshll.u32 s4, $0x1;
	s4 =	sadd.s32 s21, s2  }
0x9d: {  	[timem:s6], [sflag:s22] =	dma.local [hbm:s4], s20  }
0x9e: {  	_ =	swait.ge [sflag:s22], s20  }
0x9f: {  	s3 =	ssub.s32 $0x0, s20;
	[sflag:s22] =	ssyncset.done $0x0  }
0xa0: {  	[sflag:s22] =	ssyncadd.s32 s3;
	_ =	sdelay $0x1  }
0xa1: {  	s23 =	simm.s32 $0x1B8B  }
0xa2: {  	_ =	swait.ge [sflag:s23], $0x1  }
0xa3: {  	[sflag:s23] =	ssyncset.done $0x0  }
0xa4: {  	s25 =	simm.s32 $0x1B8E;
	s24 =	sld [smem:$0x3FFE];
	[sflag:s23] =	ssyncadd.s32 $0xFFFFFFFF  }
0xa5: {  	s26 =	simm.s32 $execute0_lowered;
	[smem:$0x3FD2] =	sst s25  }
0xa6: {  	s4 =	sshll.u32 s26, $0x1;
	_ =	strace $0x8000004F;
	[dreg:$0x1] =	wrdreg $0xFFFFFFFF  }
0xa7: {  	s28 =	simm.s32 $_size_execute0_lowered;
	s2 =	sadd.s32 s2, s4;
	[dreg:$0x0] =	wrdreg $0x0  }
0xa8: {  	s4 =	sshll.u32 s28, $0x1;
	[dreg:$0x2] =	wrdreg s2  }
0xa9: {  	[dreg:$0x3] =	wrdreg s4  }
0xaa: {  	[dreg:$0x4] =	wrdreg $0xC0  }
0xab: {  	_ =	task [dreg:s6], $0x5FFFF  }
0xac: {  	[dreg:$0x1] =	wrdreg $0xFFFFFFFF  }
0xad: {  	[dreg:$0x0] =	wrdreg $0x60  }
0xae: {  	[dreg:$0x2] =	wrdreg s24  }
0xaf: {  	[dreg:$0x3] =	wrdreg $0xA8000  }
0xb0: {  	[dreg:$0x4] =	wrdreg $0x9  }
0xb1: {  	_ =	task.clear_ibuf [dreg:s6], $0x5FFFF;
	_ =	strace $0x9000004F  }
0xb2: {  	s29 =	simm.s32 $0x9;
	_ =	strace $0x80000051  }
0xb3: {  	_ =	swait.ge [sflag:s29], $0x1  }
0xb4: {  	[sflag:s29] =	ssyncadd.s32 $0xFFFFFFFF  }
0xb5: {  	_ =	strace $0x90000051  }
0xb6: {  	_ =	sfence  }
0xb7: {  	s30 =	sld [smem:$0x0];
	_ =	sdelay $0x2  }
0xb8: {  	s31 =	sshll.u32 s1, $0xD;
	s1 =	sshrl.u32 s1, $0x2  }
0xb9: {  	s3 =	sand.u32 $0x4000, s31;
	s1 =	sadd.s32 s1, s30  }
0xba: {  	s0 =	sor.u32 s3, s0;
	s1 =	sshll.u32 s1, $0x11  }
0xbb: {  	s0 =	sor.u32 s1, s0  }
0xbc: {  	s0 =	sadd.s32 $0x8F2B, s0  }
0xbd: {  	[sflag:s0] =	ssyncadd.remote.s32 $0x1  }
0xbe: {  	_ =	sfence.sel $0xFFFF  }
0xbf: {  	[dreg:$0x0] =	wrdreg $0xFFFFFFFF;
	(pc) =	sbr.abs _section_cstart, $3  }
0xc0: {  	[dreg:$0x1] =	wrdreg $0xFFFFFFFF  }
0xc1: {  	_ =	task.clear_ibuf [dreg:s6], $0x2FFFF;
	_ =	strace $0x9FFFFFFF  }
0xc2: {  	(tm) =	ssettm $0x7FFFFFFF  }
0xc3: {  	_ =	shalt  }
tec
execute0_lowered:
.L_overlay_start_1:
0x0: {  	(tag) =	ssettag $0x1  }
0x1: {  	s0 =	rddreg [dreg:$0x0]  }
0x2: {  	s2 =	rddreg [dreg:$0x1];
	s3 =	simm.s32 $0x0  }
0x3: {  	s1 =	srdreg.scid;
	s10 =	stileid.u32;
	s28 =	simm.s32 $0x80  }
0x4: {  	s29 =	simm.s32 $0x1;
	s30 =	simm.s32 $0x6800;
	s31 =	simm.s32 $0x3  }
0x5: {  	[smem:$0x7FF] =	sst s3;
	s1 =	sand.u32 $0x1, s1;
	s7 =	smul.u32 $0x280, s10  }
0x6: {  	s4 =	sadd.s32 $0x17E00, s0;
	s5 =	sadd.s32 $0xDE00, s0;
	s9 =	smul.u32 $0x50000, s10  }
0x7: {  	s6 =	sadd.s32 $0x3E00, s0;
	s11 =	sadd.s32 $0x3FE00, s0;
	s10 =	smul.u32 $0xA0, s10  }
0x8: {  	s23 =	sadd.s32 $0x40600, s0;
	_ =	strace $0x80000050;
	[dreg:$0x3] =	wrdreg s11  }
0x9: {  	s24 =	sadd.s32 $0x40E00, s0;
	s25 =	sadd.s32 $0x41600, s0;
	[dreg:$0x5] =	wrdreg s23  }
0xa: {  	s8 =	smul.u32 $0x2800, s1;
	s20 =	ssub.s32 $0x2, s1;
	[dreg:$0x6] =	wrdreg s24  }
0xb: {  	s21 =	smul.u32 $0x78, s1;
	[dreg:$0x7] =	wrdreg s25;
	s24 =	simm.s32 $0x2800  }
0xc: {  	p0 =	sne.s32 s1, $0x0;
	s25 =	simm.s32 $0x4;
	s1 =	simm.s32 $0x2780  }
0xd: {  	s11 =	simm.s32 $0x0;
	s12 =	sshrl.u32 s20, $0x1;
	s9 =	sshrl.u32 s9, $0x2  }
0xe: {  	s7 =	sadd.s32 s8, s7;
	s12 =	ssub.s32 s20, s12;
	s8 =	sadd.s32 s9, s2  }
0xf: {  	s9 =	sadd.s32 s21, s10;
	s10 =	simm.s32 $0x1380;
	s7 =	sshll.u32 s7, $0x4  }
0x10: {  	s22 =	smax.u32 s12, $0x1;
	s12 =	sadd.s32 $0x4000, s8;
	s14 =	sadd.s32 $0x8000, s8  }
0x11: {  	s7 =	sadd.s32 s7, s0;
	[dreg:$0x4] =	wrdreg s22;
	s0 =	sadd.s32 $0x41E00, s0  }
0x12: {  	s16 =	sadd.s32 $0xC000, s8;
	s18 =	sadd.s32 $0x10000, s8;
	[dreg:$0x8] =	wrdreg s0  }
0x13: {  	s26 =	sadd.s32 $0x42600, s7;
	s20 =	sadd.s32 $0x42E00, s7;
	s21 =	sadd.s32 $0x43600, s7  }
0x14: {  	s22 =	sadd.s32 $0x43E00, s7;
	s23 =	sadd.s32 $0x44600, s7;
	s0 =	simm.s32 $0x2  }
0x15: {  	s7 =	simm.s32 $0x1300;
	[dreg:$0x9] =	wrdreg s26;
	s26 =	simm.s32 $0x1400  }
.LBB2_1:
0x16: {  	s13 =	rddreg [dreg:$0x3]  }
0x17: {  	[tilespmem:s24], [sflag:$0x4] =	stream.linear.gather [hbm4b:s13+s3], $0x4000, $0x38;
	[tilespmem:$0x1E800] =	vst v63  }
0x18: {  	_ =	swait.ge [sflag:s25], $0x4000  }
0x19: {  	[sflag:s25] =	ssyncset.done $0x0  }
0x1a: {  	[sflag:s25] =	ssyncadd.s32 $0xFFFFC000  }
0x1b: {  	[spmem:s8] =	stream.linear.scatter [tilespmem:s24], [sflag:$0x4], $0x4000, $0x38;
	[tilespmem:$0x1E800] =	vst v63  }
0x1c: {  	_ =	swait.ge [sflag:s25], $0x4000  }
0x1d: {  	[sflag:s25] =	ssyncset.done $0x0  }
0x1e: {  	s19 =	rddreg [dreg:$0x5];
	[sflag:s25] =	ssyncadd.s32 $0xFFFFC000  }
0x1f: {  	[tilespmem:s24], [sflag:$0x4] =	stream.linear.gather [hbm4b:s19+s3], $0x4000, $0x38;
	[tilespmem:$0x1E800] =	vst v63  }
0x20: {  	_ =	swait.ge [sflag:s25], $0x4000  }
0x21: {  	[sflag:s25] =	ssyncset.done $0x0  }
0x22: {  	[sflag:s25] =	ssyncadd.s32 $0xFFFFC000  }
0x23: {  	[spmem:s12] =	stream.linear.scatter [tilespmem:s24], [sflag:$0x4], $0x4000, $0x38;
	[tilespmem:$0x1E800] =	vst v63  }
0x24: {  	_ =	swait.ge [sflag:s25], $0x4000  }
0x25: {  	[sflag:s25] =	ssyncset.done $0x0  }
0x26: {  	s15 =	rddreg [dreg:$0x6];
	[sflag:s25] =	ssyncadd.s32 $0xFFFFC000  }
0x27: {  	[tilespmem:s24], [sflag:$0x4] =	stream.linear.gather [hbm4b:s15+s3], $0x4000, $0x38;
	[tilespmem:$0x1E800] =	vst v63  }
0x28: {  	_ =	swait.ge [sflag:s25], $0x4000  }
0x29: {  	[sflag:s25] =	ssyncset.done $0x0  }
0x2a: {  	[sflag:s25] =	ssyncadd.s32 $0xFFFFC000  }
0x2b: {  	[spmem:s14] =	stream.linear.scatter [tilespmem:s24], [sflag:$0x4], $0x4000, $0x38;
	[tilespmem:$0x1E800] =	vst v63  }
0x2c: {  	_ =	swait.ge [sflag:s25], $0x4000  }
0x2d: {  	[sflag:s25] =	ssyncset.done $0x0  }
0x2e: {  	s17 =	rddreg [dreg:$0x7];
	[sflag:s25] =	ssyncadd.s32 $0xFFFFC000  }
0x2f: {  	[tilespmem:s24], [sflag:$0x4] =	stream.linear.gather [hbm4b:s17+s3], $0x4000, $0x38;
	[tilespmem:$0x1E800] =	vst v63  }
0x30: {  	_ =	swait.ge [sflag:s25], $0x4000  }
0x31: {  	[sflag:s25] =	ssyncset.done $0x0  }
0x32: {  	[sflag:s25] =	ssyncadd.s32 $0xFFFFC000  }
0x33: {  	[spmem:s16] =	stream.linear.scatter [tilespmem:s24], [sflag:$0x4], $0x4000, $0x38;
	[tilespmem:$0x1E800] =	vst v63  }
0x34: {  	_ =	swait.ge [sflag:s25], $0x4000  }
0x35: {  	[sflag:s25] =	ssyncset.done $0x0  }
0x36: {  	s19 =	rddreg [dreg:$0x8];
	[sflag:s25] =	ssyncadd.s32 $0xFFFFC000  }
0x37: {  	[tilespmem:s24], [sflag:$0x4] =	stream.linear.gather [hbm4b:s19+s3], $0x4000, $0x38;
	[tilespmem:$0x1E800] =	vst v63  }
0x38: {  	_ =	swait.ge [sflag:s25], $0x4000  }
0x39: {  	[sflag:s25] =	ssyncset.done $0x0  }
0x3a: {  	[sflag:s25] =	ssyncadd.s32 $0xFFFFC000  }
0x3b: {  	[spmem:s18] =	stream.linear.scatter [tilespmem:s24], [sflag:$0x4], $0x4000, $0x38;
	[tilespmem:$0x1E800] =	vst v63  }
0x3c: {  	_ =	swait.ge [sflag:s25], $0x4000  }
0x3d: {  	[sflag:s25] =	ssyncset.done $0x0  }
0x3e: {  	[sflag:s25] =	ssyncadd.s32 $0xFFFFC000  }
0x3f: {  	s13 =	simm.s32 $0x0;
	[bflag:$0x0] =	sbarrier.arrive $0xFFFF  }
.LBB2_2:
0x40: {  	s15 =	smul.u32 $0x28, s13;
	_ =	sdelay $0x1  }
0x41: {  	s15 =	sadd.s32 s15, s9  }
0x42: {  	s15 =	sshll.u32 s15, $0x4  }
0x43: {  	s19 =	simm.s32 $0x0;
	s17 =	sadd.s32 s6, s15  }
0x44: {  	[tilespmem:s19], [sflag:$0x4] =	stream.linear.gather [hbm4b:s17+s19], $0x1400, $0x38;
	[tilespmem:$0x1E800] =	vst v63  }
0x45: {  	_ =	swait.ge [sflag:s25], $0x1400  }
0x46: {  	[sflag:s25] =	ssyncset.done $0x0  }
0x47: {  	s15 =	sadd.s32 s5, s15;
	[sflag:s25] =	ssyncadd.s32 $0xFFFFEC00  }
0x48: {  	[tilespmem:s26], [sflag:$0x4] =	stream.linear.gather [hbm4b:s15+s19], $0x1400, $0x38;
	[tilespmem:$0x1E800] =	vst v63  }
0x49: {  	_ =	swait.ge [sflag:s25], $0x1400  }
0x4a: {  	[sflag:s25] =	ssyncset.done $0x0  }
0x4b: {  	[sflag:s25] =	ssyncadd.s32 $0xFFFFEC00  }
0x4c: {  	[tilespmem:s24], [sflag:$0x1] =	stream.indirect.gather [hbm4b:s4+s28], $0x80, s26, s28, $0xb8;
	[tilespmem:$0x1E800] =	vst v63  }
0x4d: {  	_ =	swait.ge [sflag:s29], $0x4000  }
0x4e: {  	[sflag:s29] =	ssyncset.done $0x0  }
0x4f: {  	s17 =	simm.s32 $0x1480;
	[sflag:s29] =	ssyncadd.s32 $0xFFFFC000  }
0x50: {  	[tilespmem:s30], [sflag:$0x2] =	stream.indirect.gather [hbm4b:s4+s28], $0x80, s17, s28, $0xb8;
	[tilespmem:$0x1E800] =	vst v63  }
0x51: {  	s19 =	simm.s32 $0x0  }
0x52: {  	[spmem:s2] =	stream.indirect.scatter.add.f32 [tilespmem:s24], [sflag:$0x3], $0x80, s19, s28, $0xb8;
	[tilespmem:$0x1E800] =	vst v63  }
0x53: {  	_ =	swait.ge [sflag:s31], $0x4000  }
0x54: {  	[sflag:s31] =	ssyncset.done $0x0  }
0x55: {  	[sflag:s31] =	ssyncadd.s32 $0xFFFFC000  }
0x56: {  	_ =	swait.ge [sflag:s0], $0x4000  }
0x57: {  	[sflag:s0] =	ssyncset.done $0x0  }
0x58: {  	s17 =	simm.s32 $0x1500;
	[sflag:s0] =	ssyncadd.s32 $0xFFFFC000  }
0x59: {  	[tilespmem:s24], [sflag:$0x1] =	stream.indirect.gather [hbm4b:s4+s28], $0x80, s17, s28, $0xb8;
	[tilespmem:$0x1E800] =	vst v63  }
0x5a: {  	s19 =	simm.s32 $0x80  }
0x5b: {  	[spmem:s2] =	stream.indirect.scatter.add.f32 [tilespmem:s30], [sflag:$0x3], $0x80, s19, s28, $0xb8;
	[tilespmem:$0x1E800] =	vst v63  }
0x5c: {  	_ =	swait.ge [sflag:s31], $0x4000  }
0x5d: {  	s15 =	simm.s32 $0x400;
	[sflag:s31] =	ssyncset.done $0x0  }
.LBB2_3:
0x5e: {  	p1 =	sne.s32 s15, $0x4800  }
0x5f: {  	[sflag:s31] =	ssyncadd.s32 $0xFFFFC000;
	s17 =	smov.u32 s15;
	s15 =	sadd.s32 $0x400, s15  }
0x60: {  	_ = 	snop  }
0x61: {  	_ =	swait.ge [sflag:s29], $0x4000  }
0x62: {  	s17 =	sshra.s32 s17, $0x2;
	[sflag:s29] =	ssyncset.done $0x0  }
0x63: {  	s19 =	sadd.s32 $0x1480, s17;
	[sflag:s29] =	ssyncadd.s32 $0xFFFFC000  }
0x64: {  	[tilespmem:s30], [sflag:$0x2] =	stream.indirect.gather [hbm4b:s4+s28], $0x80, s19, s28, $0xb8;
	[tilespmem:$0x1E800] =	vst v63  }
0x65: {  	_ = 	snop  }
0x66: {  	[spmem:s2] =	stream.indirect.scatter.add.f32 [tilespmem:s24], [sflag:$0x3], $0x80, s17, s28, $0xb8;
	[tilespmem:$0x1E800] =	vst v63  }
0x67: {  	_ =	swait.ge [sflag:s31], $0x4000  }
0x68: {  	[sflag:s31] =	ssyncset.done $0x0  }
0x69: {  	[sflag:s31] =	ssyncadd.s32 $0xFFFFC000  }
0x6a: {  	_ =	swait.ge [sflag:s0], $0x4000  }
0x6b: {  	[sflag:s0] =	ssyncset.done $0x0  }
0x6c: {  	s19 =	sadd.s32 $0x1500, s17;
	[sflag:s0] =	ssyncadd.s32 $0xFFFFC000  }
0x6d: {  	[tilespmem:s24], [sflag:$0x1] =	stream.indirect.gather [hbm4b:s4+s28], $0x80, s19, s28, $0xb8;
	[tilespmem:$0x1E800] =	vst v63  }
.Ltmp0:
0x6e: {  	_ = 	snop;
	(pc) =	sbr.rel @p1 .LBB2_3-.Ltmp0, $4  }
0x6f: {  	s17 =	sadd.s32 $0x80, s17  }
0x70: {  	[spmem:s2] =	stream.indirect.scatter.add.f32 [tilespmem:s30], [sflag:$0x3], $0x80, s17, s28, $0xb8;
	[tilespmem:$0x1E800] =	vst v63  }
0x71: {  	_ =	swait.ge [sflag:s31], $0x4000  }
0x72: {  	[sflag:s31] =	ssyncset.done $0x0  }
0x73: {  	[sflag:s31] =	ssyncadd.s32 $0xFFFFC000  }
0x74: {  	_ =	swait.ge [sflag:s29], $0x4000  }
0x75: {  	[sflag:s29] =	ssyncset.done $0x0  }
0x76: {  	[sflag:s29] =	ssyncadd.s32 $0xFFFFC000  }
0x77: {  	[tilespmem:s30], [sflag:$0x2] =	stream.indirect.gather [hbm4b:s4+s28], $0x80, s1, s28, $0xb8;
	[tilespmem:$0x1E800] =	vst v63  }
0x78: {  	_ = 	snop  }
0x79: {  	[spmem:s2] =	stream.indirect.scatter.add.f32 [tilespmem:s24], [sflag:$0x3], $0x80, s7, s28, $0xb8;
	[tilespmem:$0x1E800] =	vst v63  }
0x7a: {  	_ =	swait.ge [sflag:s31], $0x4000  }
0x7b: {  	[sflag:s31] =	ssyncset.done $0x0  }
0x7c: {  	[sflag:s31] =	ssyncadd.s32 $0xFFFFC000  }
0x7d: {  	p1 =	slt.u32 @!p0 s13, $0x2;
	_ =	swait.ge [sflag:s0], $0x4000  }
0x7e: {  	p1 =	por p0, !p1;
	[sflag:s0] =	ssyncset.done $0x0  }
.Ltmp1:
0x7f: {  	[sflag:s0] =	ssyncadd.s32 $0xFFFFC000;
	(pc) =	sbr.rel @!p1 .LBB2_2-.Ltmp1, $4  }
0x80: {  	[spmem:s2] =	stream.indirect.scatter.add.f32 [tilespmem:s30], [sflag:$0x3], $0x80, s10, s28, $0xb8;
	[tilespmem:$0x1E800] =	vst v63  }
0x81: {  	_ =	swait.ge [sflag:s31], $0x4000  }
0x82: {  	[sflag:s31] =	ssyncset.done $0x0  }
0x83: {  	s13 =	sadd.s32 $0x1, s13;
	[sflag:s31] =	ssyncadd.s32 $0xFFFFC000  }
0x84: {  	[bflag:$0x0] =	sbarrier.arrive $0xFFFF  }
0x85: {  	[tilespmem:s24], [sflag:$0x4] =	stream.linear.gather [spmem:s8], $0x4000, $0x38;
	[tilespmem:$0x1E800] =	vst v63  }
0x86: {  	_ =	swait.ge [sflag:s25], $0x4000  }
0x87: {  	[sflag:s25] =	ssyncset.done $0x0  }
0x88: {  	s13 =	rddreg [dreg:$0x9];
	[sflag:s25] =	ssyncadd.s32 $0xFFFFC000  }
0x89: {  	[hbm4b:s13+s3] =	stream.linear.scatter [tilespmem:s24], [sflag:$0x4], $0x4000, $0x38;
	[tilespmem:$0x1E800] =	vst v63  }
0x8a: {  	_ =	swait.ge [sflag:s25], $0x4000  }
0x8b: {  	[sflag:s25] =	ssyncset.done $0x0  }
0x8c: {  	[sflag:s25] =	ssyncadd.s32 $0xFFFFC000  }
0x8d: {  	[tilespmem:s24], [sflag:$0x4] =	stream.linear.gather [spmem:s12], $0x4000, $0x38;
	[tilespmem:$0x1E800] =	vst v63  }
0x8e: {  	_ =	swait.ge [sflag:s25], $0x4000  }
0x8f: {  	[sflag:s25] =	ssyncset.done $0x0  }
0x90: {  	[sflag:s25] =	ssyncadd.s32 $0xFFFFC000  }
0x91: {  	[hbm4b:s20+s3] =	stream.linear.scatter [tilespmem:s24], [sflag:$0x4], $0x4000, $0x38;
	[tilespmem:$0x1E800] =	vst v63  }
0x92: {  	_ =	swait.ge [sflag:s25], $0x4000  }
0x93: {  	[sflag:s25] =	ssyncset.done $0x0  }
0x94: {  	[sflag:s25] =	ssyncadd.s32 $0xFFFFC000  }
0x95: {  	[tilespmem:s24], [sflag:$0x4] =	stream.linear.gather [spmem:s14], $0x4000, $0x38;
	[tilespmem:$0x1E800] =	vst v63  }
0x96: {  	_ =	swait.ge [sflag:s25], $0x4000  }
0x97: {  	[sflag:s25] =	ssyncset.done $0x0  }
0x98: {  	[sflag:s25] =	ssyncadd.s32 $0xFFFFC000  }
0x99: {  	[hbm4b:s21+s3] =	stream.linear.scatter [tilespmem:s24], [sflag:$0x4], $0x4000, $0x38;
	[tilespmem:$0x1E800] =	vst v63  }
0x9a: {  	_ =	swait.ge [sflag:s25], $0x4000  }
0x9b: {  	[sflag:s25] =	ssyncset.done $0x0  }
0x9c: {  	[sflag:s25] =	ssyncadd.s32 $0xFFFFC000  }
0x9d: {  	[tilespmem:s24], [sflag:$0x4] =	stream.linear.gather [spmem:s16], $0x4000, $0x38;
	[tilespmem:$0x1E800] =	vst v63  }
0x9e: {  	_ =	swait.ge [sflag:s25], $0x4000  }
0x9f: {  	[sflag:s25] =	ssyncset.done $0x0  }
0xa0: {  	[sflag:s25] =	ssyncadd.s32 $0xFFFFC000  }
0xa1: {  	[hbm4b:s22+s3] =	stream.linear.scatter [tilespmem:s24], [sflag:$0x4], $0x4000, $0x38;
	[tilespmem:$0x1E800] =	vst v63  }
0xa2: {  	_ =	swait.ge [sflag:s25], $0x4000  }
0xa3: {  	[sflag:s25] =	ssyncset.done $0x0  }
0xa4: {  	[sflag:s25] =	ssyncadd.s32 $0xFFFFC000  }
0xa5: {  	[tilespmem:s24], [sflag:$0x4] =	stream.linear.gather [spmem:s18], $0x4000, $0x38;
	[tilespmem:$0x1E800] =	vst v63  }
0xa6: {  	_ =	swait.ge [sflag:s25], $0x4000  }
0xa7: {  	[sflag:s25] =	ssyncset.done $0x0  }
0xa8: {  	[sflag:s25] =	ssyncadd.s32 $0xFFFFC000  }
0xa9: {  	[hbm4b:s23+s3] =	stream.linear.scatter [tilespmem:s24], [sflag:$0x4], $0x4000, $0x38;
	[tilespmem:$0x1E800] =	vst v63  }
0xaa: {  	_ =	swait.ge [sflag:s25], $0x4000  }
0xab: {  	s11 =	sadd.s32 $0x1, s11;
	s19 =	rddreg [dreg:$0x4]  }
0xac: {  	p1 =	sne.s32 s11, s19  }
.Ltmp2:
0xad: {  	_ = 	snop;
	(pc) =	sbr.rel @p1 .LBB2_1-.Ltmp2, $3  }
0xae: {  	_ =	sdelay $0x1  }
0xaf: {  	[sflag:s25] =	ssyncset.done $0x0  }
0xb0: {  	[sflag:s25] =	ssyncadd.s32 $0xFFFFC000  }
0xb1: {  	_ =	sfence.sel $0x180000  }
0xb2: {  	[bflag:$0x0] =	sbarrier.arrive $0xFFFF  }
0xb3: {  	_ =	strace $0x90000050  }
0xb4: {  	s0 =	stileid.u32;
	[bflag:$0x2] =	sbarrier.arrive $0xFFFF  }
0xb5: {  	p0 =	sne.s32 s0, $0x0;
	s0 =	rddreg [dreg:$0x2]  }
0xb6: {  	s0 =	sadd.s32 @!p0 $0x100000, s0  }
0xb7: {  	[sflag:s0] =	ssyncadd.tile.s32 @!p0 $0x1;
	_ =	shalt  }
.Lfunc_end2:
_tile_overlayer_lowered:
.L_overlay_start_2:
0xb8: {  	(tag) =	ssettag $0x2  }
0xb9: {  	s0 =	rddreg [dreg:$0x0];
	s2 =	stileid.u32  }
0xba: {  	s1 =	rddreg [dreg:$0x1];
	p0 =	sne.s32 s2, $0x0  }
0xbb: {  	s3 =	rddreg [dreg:$0x2];
	[bflag:$0x3] =	sbarrier.arrive $0xFFFF;
	s2 =	simm.s32 @!p0 $0x1C04  }
0xbc: {  	[timem:s3], [sflag:s2] =	dma.local @!p0 [hbm:s0], s1  }
0xbd: {  	s0 =	simm.s32 @!p0 $0x4  }
0xbe: {  	_ =	swait.ge @!p0 [sflag:s0], s1  }
0xbf: {  	s1 =	ssub.s32 @!p0 $0x0, s1;
	[sflag:s0] =	ssyncset.done @!p0 $0x0  }
0xc0: {  	[sflag:s0] =	ssyncadd.s32 @!p0 s1  }
0xc1: {  	[bflag:$0x3] =	sbarrier.arrive $0xFFFF  }
0xc2: {  	_ =	shalt  }

</sc_bundles>
